<compile_context>
chip_gen: v7x
topology: tpu7x:2x2x1
jax: 0.10.2.dev20260603
libtpu: 0.0.44.dev20260713+nightly
codegen_flags: <defaults>
</compile_context>

<pallas_src>
import jax
import jax.numpy as jnp
from jax import lax
from jax.experimental import pallas as pl
from jax.experimental.pallas import tpu as pltpu
from jax.experimental.pallas import tpu_sc as plsc

VOCAB = 100000
EMBED = 64
MAX_LEN = 200
BATCH = 4096

G = 100
NGROUPS = BATCH * MAX_LEN // G
NW = 32
GROUPS_PER_W = NGROUPS // NW
K = 4
CHUNKS = GROUPS_PER_W // K
NBUF = 4


def _body(in_ref, tok_ref, pos_ref, out_ref, idx_v, rows_v, pat_v, *sems):
    semA = sems[0:NBUF]
    semB = sems[NBUF:2 * NBUF]
    semC = sems[2 * NBUF:3 * NBUF]
    cid = lax.axis_index("c")
    sid = lax.axis_index("s")
    wid = sid * 2 + cid
    base_group = wid * GROUPS_PER_W

    pltpu.sync_copy(pos_ref.at[wid], pat_v)

    def issue_a(c, b):
        row = base_group + c * K
        pltpu.async_copy(in_ref.at[pl.ds(row, K)], idx_v.at[b], semA[b])

    def wait_a(b):
        pltpu.make_async_copy(in_ref.at[pl.ds(0, K)], idx_v.at[b],
                              semA[b]).wait()

    def issue_b(b):
        for j in range(K):
            pltpu.async_copy(tok_ref.at[idx_v.at[b, j]], rows_v.at[b, j],
                             semB[b], add=False)

    def add_pos(b):
        @pl.loop(0, G)
        def _g(gi):
            for k in range(K):
                for e in range(EMBED // 16):
                    sl = pl.ds(e * 16, 16)
                    plsc.addupdate(rows_v.at[b, k, gi, sl], pat_v[k, gi, sl])

    def wait_b(b):
        for j in range(K):
            pltpu.make_async_copy(tok_ref.at[idx_v.at[b, j]], rows_v.at[b, j],
                                  semB[b]).wait()

    def issue_c(c, b):
        row = base_group + c * K
        pltpu.async_copy(rows_v.at[b], out_ref.at[pl.ds(row, K)], semC[b])

    def wait_c(b):
        pltpu.make_async_copy(rows_v.at[b], out_ref.at[pl.ds(0, K)],
                              semC[b]).wait()

    issue_a(0, 0)
    issue_a(1, 1)

    @pl.loop(0, CHUNKS, step=NBUF)
    def _outer(g):
        for b in range(NBUF):
            c = g + b
            wait_a(b)
            issue_b(b)
            bp = (b - 1) % NBUF
            if b == 0:
                @pl.when(g > 0)
                def _store_prev():
                    wait_b(bp)
                    add_pos(bp)
                    issue_c(c - 1, bp)
            else:
                wait_b(bp)
                add_pos(bp)
                issue_c(c - 1, bp)
            bn = (b + 2) % NBUF

            def _prefill_next():
                if b >= 2:
                    wait_c(bn)
                else:
                    @pl.when(g > 0)
                    def _drain_store():
                        wait_c(bn)
                issue_a(c + 2, bn)

            if b >= 2:
                @pl.when(c + 2 < CHUNKS)
                def _guarded_prefill():
                    _prefill_next()
            else:
                _prefill_next()

    last = CHUNKS - 1
    wait_b(last % NBUF)
    add_pos(last % NBUF)
    issue_c(last, last % NBUF)
    for b in range(NBUF):
        wait_c(b)


def kernel(input_seq, token_table, pos_table):
    idx2d = input_seq.astype(jnp.int32).reshape(NGROUPS, G)
    pat = jnp.tile(pos_table.reshape(2, G, EMBED), (K // 2, 1, 1))
    pos_rep = jnp.tile(pat[None], (NW, 1, 1, 1))

    mesh = plsc.VectorSubcoreMesh(core_axis_name="c", subcore_axis_name="s")
    run = pl.kernel(
        _body,
        out_type=jax.ShapeDtypeStruct((NGROUPS, G, EMBED), jnp.float32),
        mesh=mesh,
        scratch_types=[
            pltpu.VMEM((NBUF, K, G), jnp.int32),
            pltpu.VMEM((NBUF, K, G, EMBED), jnp.float32),
            pltpu.VMEM((K, G, EMBED), jnp.float32),
        ] + [pltpu.SemaphoreType.DMA] * (3 * NBUF),
        compiler_params=pltpu.CompilerParams(use_tc_tiling_on_sc=False),
    )
    out = run(idx2d, token_table, pos_rep)
    return out.reshape(BATCH, MAX_LEN, EMBED)

# --- scband reference (transcript-rebuilt; emitter-appended) ---
"""Pipeline reference for scband-bertembedding-32143535243973 (READ-ONLY COPY).

The authoritative reference and input builder live on the scoring server;
editing this copy changes nothing except your own understanding.
"""

import jax, jax.numpy as jnp
import numpy as np

VOCAB = 100000
EMBED = 64
MAX_LEN = 200
BATCH = 4096


def setup_inputs(seed: int = 0) -> dict:
    key = jax.random.key(seed)
    k1, k2, k3 = jax.random.split(key, 3)
    input_seq = jax.random.randint(k1, (BATCH, MAX_LEN), 0, VOCAB)
    token_table = jax.random.normal(k2, (VOCAB, EMBED), dtype=jnp.float32)
    token_table = token_table.at[0].set(0.0)  # padding_idx=0
    pos_table = jax.random.normal(k3, (MAX_LEN, EMBED), dtype=jnp.float32)
    pos_table = pos_table.at[0].set(0.0)  # padding_idx=0
    return {"input_seq": input_seq, "token_table": token_table, "pos_table": pos_table}


def reference(input_seq, token_table, pos_table):
    # TokenEmbedding: gather rows of the token table
    token_embed = jnp.take(token_table, input_seq, axis=0)  # [B, L, D]
    # PositionalEmbedding: full positional weight broadcast over batch
    batch_size = input_seq.shape[0]
    position_embed = jnp.broadcast_to(pos_table[None, :, :], (batch_size,) + pos_table.shape)
    # Dropout is identity in eval/inference mode
    return token_embed + position_embed

if __name__ == "__main__":
    import jax
    _d = setup_inputs()
    print(jax.jit(kernel)(*tuple(_d.values())))

</pallas_src>

<mosaic_0001>
#map = affine_map<(d0, d1) -> (0, 0)>
#map1 = affine_map<(d0, d1) -> (0, 0, 0, 0)>
#map2 = affine_map<(d0, d1) -> (0, 0, 0)>
module attributes {stable_mosaic.version = 14 : i64} {
  func.func @_body(%arg0: i32, %arg1: i32, %arg2: memref<8192x100xi32, #tpu.memory_space<hbm>>, %arg3: memref<100000x64xf32, #tpu.memory_space<hbm>>, %arg4: memref<32x4x100x64xf32, #tpu.memory_space<hbm>>, %arg5: memref<8192x100x64xf32, #tpu.memory_space<hbm>>, %arg6: memref<4x4x100xi32, #tpu.memory_space<vmem>>, %arg7: memref<4x4x100x64xf32, #tpu.memory_space<vmem>>, %arg8: memref<4x100x64xf32, #tpu.memory_space<vmem>>, %arg9: memref<!tpu.dma_semaphore, #tpu.memory_space<semaphore_mem>>, %arg10: memref<!tpu.dma_semaphore, #tpu.memory_space<semaphore_mem>>, %arg11: memref<!tpu.dma_semaphore, #tpu.memory_space<semaphore_mem>>, %arg12: memref<!tpu.dma_semaphore, #tpu.memory_space<semaphore_mem>>, %arg13: memref<!tpu.dma_semaphore, #tpu.memory_space<semaphore_mem>>, %arg14: memref<!tpu.dma_semaphore, #tpu.memory_space<semaphore_mem>>, %arg15: memref<!tpu.dma_semaphore, #tpu.memory_space<semaphore_mem>>, %arg16: memref<!tpu.dma_semaphore, #tpu.memory_space<semaphore_mem>>, %arg17: memref<!tpu.dma_semaphore, #tpu.memory_space<semaphore_mem>>, %arg18: memref<!tpu.dma_semaphore, #tpu.memory_space<semaphore_mem>>, %arg19: memref<!tpu.dma_semaphore, #tpu.memory_space<semaphore_mem>>, %arg20: memref<!tpu.dma_semaphore, #tpu.memory_space<semaphore_mem>>) attributes {dimension_semantics = [#tpu.dimension_semantics<core_parallel>, #tpu.dimension_semantics<subcore_parallel>], iteration_bounds = array<i64: 2, 16>, scalar_prefetch = 0 : i64, scratch_operands = 15 : i64, tpu.core_type = #tpu.core_type<sc_vector_subcore>, window_params = [{transform_indices = #map}, {transform_indices = #map}, {transform_indices = #map1}, {transform_indices = #map2}]} {
    %mul3A = arith.constant 2 : i32
    %mul3A_0 = arith.muli %arg1, %mul3A : i32
    %add3A = arith.addi %mul3A_0, %arg0 : i32
    %mul3A_1 = arith.constant 256 : i32
    %mul3A_2 = arith.muli %add3A, %mul3A_1 : i32
    "tpu.region"() ({
      %run_scoped3A = tpu.sem_alloc : memref<!tpu.dma_semaphore, #tpu.memory_space<semaphore_mem>>
      %dma_start3A_191 = arith.constant 0 : i32
      %dma_start3A_192 = arith.constant 0 : i32
      %dma_start3A_193 = arith.constant 0 : i32
      %dma_start3A_194 = tpu.memref_slice %arg4[%add3A, %dma_start3A_191, %dma_start3A_192, %dma_start3A_193] : memref<32x4x100x64xf32, #tpu.memory_space<hbm>> -> memref<1x4x100x64xf32, #tpu.memory_space<hbm>>
      %dma_start3A_195 = tpu.memref_squeeze %dma_start3A_194 : memref<1x4x100x64xf32, #tpu.memory_space<hbm>> -> memref<4x100x64xf32, #tpu.memory_space<hbm>>
      %dma_start3A_196 = arith.constant 0 : i32
      %dma_start3A_197 = arith.constant 0 : i32
      %dma_start3A_198 = arith.constant 0 : i32
      %dma_start3A_199 = tpu.memref_slice %arg4[%add3A, %dma_start3A_196, %dma_start3A_197, %dma_start3A_198] : memref<32x4x100x64xf32, #tpu.memory_space<hbm>> -> memref<1x4x100x64xf32, #tpu.memory_space<hbm>>
      %dma_start3A_200 = tpu.memref_squeeze %dma_start3A_199 : memref<1x4x100x64xf32, #tpu.memory_space<hbm>> -> memref<4x100x64xf32, #tpu.memory_space<hbm>>
      tpu.enqueue_dma source(%dma_start3A_200 : memref<4x100x64xf32, #tpu.memory_space<hbm>>) target(%arg8 : memref<4x100x64xf32, #tpu.memory_space<vmem>>) target_semaphore(%run_scoped3A : memref<!tpu.dma_semaphore, #tpu.memory_space<semaphore_mem>>)
      %dma_wait3A_201 = arith.constant 0 : i32
      %dma_wait3A_202 = arith.constant 0 : i32
      %dma_wait3A_203 = arith.constant 0 : i32
      %dma_wait3A_204 = tpu.memref_slice %arg4[%add3A, %dma_wait3A_201, %dma_wait3A_202, %dma_wait3A_203] : memref<32x4x100x64xf32, #tpu.memory_space<hbm>> -> memref<1x4x100x64xf32, #tpu.memory_space<hbm>>
      %dma_wait3A_205 = tpu.memref_squeeze %dma_wait3A_204 : memref<1x4x100x64xf32, #tpu.memory_space<hbm>> -> memref<4x100x64xf32, #tpu.memory_space<hbm>>
      %dma_wait3A_206 = arith.constant 0 : i32
      %dma_wait3A_207 = arith.constant 0 : i32
      %dma_wait3A_208 = arith.constant 0 : i32
      %dma_wait3A_209 = tpu.memref_slice %arg4[%add3A, %dma_wait3A_206, %dma_wait3A_207, %dma_wait3A_208] : memref<32x4x100x64xf32, #tpu.memory_space<hbm>> -> memref<1x4x100x64xf32, #tpu.memory_space<hbm>>
      %dma_wait3A_210 = tpu.memref_squeeze %dma_wait3A_209 : memref<1x4x100x64xf32, #tpu.memory_space<hbm>> -> memref<4x100x64xf32, #tpu.memory_space<hbm>>
      tpu.wait_dma2 semaphore(%run_scoped3A : memref<!tpu.dma_semaphore, #tpu.memory_space<semaphore_mem>>) src(%dma_wait3A_210 : memref<4x100x64xf32, #tpu.memory_space<hbm>>) dst(%arg8 : memref<4x100x64xf32, #tpu.memory_space<vmem>>)
      tpu.yield
    }) : () -> ()
    %add3A_3 = arith.constant 0 : i32
    %add3A_4 = arith.addi %mul3A_2, %add3A_3 : i32
    %dma_start3A = arith.constant 0 : i32
    %dma_start3A_5 = arith.constant 0 : i32
    %dma_start3A_6 = arith.constant 0 : i32
    %dma_start3A_7 = tpu.memref_slice %arg6[%dma_start3A, %dma_start3A_5, %dma_start3A_6] : memref<4x4x100xi32, #tpu.memory_space<vmem>> -> memref<1x4x100xi32, #tpu.memory_space<vmem>>
    %dma_start3A_8 = tpu.memref_squeeze %dma_start3A_7 : memref<1x4x100xi32, #tpu.memory_space<vmem>> -> memref<4x100xi32, #tpu.memory_space<vmem>>
    %dma_start3A_9 = arith.constant 0 : i32
    %dma_start3A_10 = tpu.memref_slice %arg2[%add3A_4, %dma_start3A_9] : memref<8192x100xi32, #tpu.memory_space<hbm>> -> memref<4x100xi32, #tpu.memory_space<hbm>>
    %dma_start3A_11 = arith.constant 0 : i32
    %dma_start3A_12 = arith.constant 0 : i32
    %dma_start3A_13 = tpu.memref_slice %arg6[%dma_start3A, %dma_start3A_11, %dma_start3A_12] : memref<4x4x100xi32, #tpu.memory_space<vmem>> -> memref<1x4x100xi32, #tpu.memory_space<vmem>>
    %dma_start3A_14 = tpu.memref_squeeze %dma_start3A_13 : memref<1x4x100xi32, #tpu.memory_space<vmem>> -> memref<4x100xi32, #tpu.memory_space<vmem>>
    %dma_start3A_15 = arith.constant 0 : i32
    %dma_start3A_16 = tpu.memref_slice %arg2[%add3A_4, %dma_start3A_15] : memref<8192x100xi32, #tpu.memory_space<hbm>> -> memref<4x100xi32, #tpu.memory_space<hbm>>
    tpu.enqueue_dma source(%dma_start3A_16 : memref<4x100xi32, #tpu.memory_space<hbm>>) target(%dma_start3A_14 : memref<4x100xi32, #tpu.memory_space<vmem>>) target_semaphore(%arg9 : memref<!tpu.dma_semaphore, #tpu.memory_space<semaphore_mem>>)
    %add3A_17 = arith.constant 4 : i32
    %add3A_18 = arith.addi %mul3A_2, %add3A_17 : i32
    %dma_start3A_19 = arith.constant 1 : i32
    %dma_start3A_20 = arith.constant 0 : i32
    %dma_start3A_21 = arith.constant 0 : i32
    %dma_start3A_22 = tpu.memref_slice %arg6[%dma_start3A_19, %dma_start3A_20, %dma_start3A_21] : memref<4x4x100xi32, #tpu.memory_space<vmem>> -> memref<1x4x100xi32, #tpu.memory_space<vmem>>
    %dma_start3A_23 = tpu.memref_squeeze %dma_start3A_22 : memref<1x4x100xi32, #tpu.memory_space<vmem>> -> memref<4x100xi32, #tpu.memory_space<vmem>>
    %dma_start3A_24 = arith.constant 0 : i32
    %dma_start3A_25 = tpu.memref_slice %arg2[%add3A_18, %dma_start3A_24] : memref<8192x100xi32, #tpu.memory_space<hbm>> -> memref<4x100xi32, #tpu.memory_space<hbm>>
    %dma_start3A_26 = arith.constant 0 : i32
    %dma_start3A_27 = arith.constant 0 : i32
    %dma_start3A_28 = tpu.memref_slice %arg6[%dma_start3A_19, %dma_start3A_26, %dma_start3A_27] : memref<4x4x100xi32, #tpu.memory_space<vmem>> -> memref<1x4x100xi32, #tpu.memory_space<vmem>>
    %dma_start3A_29 = tpu.memref_squeeze %dma_start3A_28 : memref<1x4x100xi32, #tpu.memory_space<vmem>> -> memref<4x100xi32, #tpu.memory_space<vmem>>
    %dma_start3A_30 = arith.constant 0 : i32
    %dma_start3A_31 = tpu.memref_slice %arg2[%add3A_18, %dma_start3A_30] : memref<8192x100xi32, #tpu.memory_space<hbm>> -> memref<4x100xi32, #tpu.memory_space<hbm>>
    tpu.enqueue_dma source(%dma_start3A_31 : memref<4x100xi32, #tpu.memory_space<hbm>>) target(%dma_start3A_29 : memref<4x100xi32, #tpu.memory_space<vmem>>) target_semaphore(%arg10 : memref<!tpu.dma_semaphore, #tpu.memory_space<semaphore_mem>>)
    %scan3A = arith.constant 0 : i32
    %scan3A_32 = arith.constant 16 : i32
    %scan3A_33 = arith.addi %scan3A, %scan3A_32 : i32
    %scan3A_34 = arith.constant 1 : i32
    scf.for %scan3A_191 = %scan3A to %scan3A_33 step %scan3A_34  : i32 {
      %mul3A_192 = arith.constant 4 : i32
      %mul3A_193 = arith.muli %scan3A_191, %mul3A_192 : i32
      %add3A_194 = arith.constant 0 : i32
      %add3A_195 = arith.addi %add3A_194, %mul3A_193 : i32
      %add3A_196 = arith.constant 0 : i32
      %add3A_197 = arith.addi %add3A_195, %add3A_196 : i32
      %dma_wait3A_198 = arith.constant 0 : i32
      %dma_wait3A_199 = arith.constant 0 : i32
      %dma_wait3A_200 = arith.constant 0 : i32
      %dma_wait3A_201 = tpu.memref_slice %arg6[%dma_wait3A_198, %dma_wait3A_199, %dma_wait3A_200] : memref<4x4x100xi32, #tpu.memory_space<vmem>> -> memref<1x4x100xi32, #tpu.memory_space<vmem>>
      %dma_wait3A_202 = tpu.memref_squeeze %dma_wait3A_201 : memref<1x4x100xi32, #tpu.memory_space<vmem>> -> memref<4x100xi32, #tpu.memory_space<vmem>>
      %dma_wait3A_203 = arith.constant 0 : i32
      %dma_wait3A_204 = arith.constant 0 : i32
      %dma_wait3A_205 = tpu.memref_slice %arg2[%dma_wait3A_203, %dma_wait3A_204] : memref<8192x100xi32, #tpu.memory_space<hbm>> -> memref<4x100xi32, #tpu.memory_space<hbm>>
      %dma_wait3A_206 = arith.constant 0 : i32
      %dma_wait3A_207 = arith.constant 0 : i32
      %dma_wait3A_208 = tpu.memref_slice %arg6[%dma_wait3A_198, %dma_wait3A_206, %dma_wait3A_207] : memref<4x4x100xi32, #tpu.memory_space<vmem>> -> memref<1x4x100xi32, #tpu.memory_space<vmem>>
      %dma_wait3A_209 = tpu.memref_squeeze %dma_wait3A_208 : memref<1x4x100xi32, #tpu.memory_space<vmem>> -> memref<4x100xi32, #tpu.memory_space<vmem>>
      %dma_wait3A_210 = arith.constant 0 : i32
      %dma_wait3A_211 = arith.constant 0 : i32
      %dma_wait3A_212 = tpu.memref_slice %arg2[%dma_wait3A_210, %dma_wait3A_211] : memref<8192x100xi32, #tpu.memory_space<hbm>> -> memref<4x100xi32, #tpu.memory_space<hbm>>
      tpu.wait_dma2 semaphore(%arg9 : memref<!tpu.dma_semaphore, #tpu.memory_space<semaphore_mem>>) src(%dma_wait3A_212 : memref<4x100xi32, #tpu.memory_space<hbm>>) dst(%dma_wait3A_209 : memref<4x100xi32, #tpu.memory_space<vmem>>)
      %dma_start3A_213 = arith.constant 0 : i32
      %dma_start3A_214 = arith.constant 0 : i32
      %dma_start3A_215 = arith.constant 0 : i32
      %dma_start3A_216 = arith.constant 0 : i32
      %dma_start3A_217 = arith.constant 0 : i32
      %dma_start3A_218 = arith.constant 0 : i32
      %dma_start3A_219 = tpu.memref_slice %arg7[%dma_start3A_215, %dma_start3A_216, %dma_start3A_217, %dma_start3A_218] : memref<4x4x100x64xf32, #tpu.memory_space<vmem>> -> memref<1x1x100x64xf32, #tpu.memory_space<vmem>>
      %dma_start3A_220 = tpu.memref_squeeze %dma_start3A_219 : memref<1x1x100x64xf32, #tpu.memory_space<vmem>> -> memref<100x64xf32, #tpu.memory_space<vmem>>
      %dma_start3A_221 = arith.constant 0 : i32
      %dma_start3A_222 = tpu.memref_slice %arg6[%dma_start3A_213, %dma_start3A_214, %dma_start3A_221] : memref<4x4x100xi32, #tpu.memory_space<vmem>> -> memref<1x1x100xi32, #tpu.memory_space<vmem>>
      %dma_start3A_223 = tpu.memref_squeeze %dma_start3A_222 : memref<1x1x100xi32, #tpu.memory_space<vmem>> -> memref<100xi32, #tpu.memory_space<vmem>>
      %dma_start3A_224 = arith.constant 0 : i32
      %dma_start3A_225 = arith.constant 0 : i32
      %dma_start3A_226 = tpu.memref_slice %arg3[%dma_start3A_224, %dma_start3A_225] : memref<100000x64xf32, #tpu.memory_space<hbm>> -> memref<100000x64xf32, #tpu.memory_space<hbm>>
      tpu.enqueue_indirect_dma source(%dma_start3A_226 : memref<100000x64xf32, #tpu.memory_space<hbm>>) target(%dma_start3A_220 : memref<100x64xf32, #tpu.memory_space<vmem>>) offsets(%dma_start3A_223 : memref<100xi32, #tpu.memory_space<vmem>>) semaphore(%arg13 : memref<!tpu.dma_semaphore, #tpu.memory_space<semaphore_mem>>)
      %dma_start3A_227 = arith.constant 0 : i32
      %dma_start3A_228 = arith.constant 1 : i32
      %dma_start3A_229 = arith.constant 0 : i32
      %dma_start3A_230 = arith.constant 1 : i32
      %dma_start3A_231 = arith.constant 0 : i32
      %dma_start3A_232 = arith.constant 0 : i32
      %dma_start3A_233 = tpu.memref_slice %arg7[%dma_start3A_229, %dma_start3A_230, %dma_start3A_231, %dma_start3A_232] : memref<4x4x100x64xf32, #tpu.memory_space<vmem>> -> memref<1x1x100x64xf32, #tpu.memory_space<vmem>>
      %dma_start3A_234 = tpu.memref_squeeze %dma_start3A_233 : memref<1x1x100x64xf32, #tpu.memory_space<vmem>> -> memref<100x64xf32, #tpu.memory_space<vmem>>
      %dma_start3A_235 = arith.constant 0 : i32
      %dma_start3A_236 = tpu.memref_slice %arg6[%dma_start3A_227, %dma_start3A_228, %dma_start3A_235] : memref<4x4x100xi32, #tpu.memory_space<vmem>> -> memref<1x1x100xi32, #tpu.memory_space<vmem>>
      %dma_start3A_237 = tpu.memref_squeeze %dma_start3A_236 : memref<1x1x100xi32, #tpu.memory_space<vmem>> -> memref<100xi32, #tpu.memory_space<vmem>>
      %dma_start3A_238 = arith.constant 0 : i32
      %dma_start3A_239 = arith.constant 0 : i32
      %dma_start3A_240 = tpu.memref_slice %arg3[%dma_start3A_238, %dma_start3A_239] : memref<100000x64xf32, #tpu.memory_space<hbm>> -> memref<100000x64xf32, #tpu.memory_space<hbm>>
      tpu.enqueue_indirect_dma source(%dma_start3A_240 : memref<100000x64xf32, #tpu.memory_space<hbm>>) target(%dma_start3A_234 : memref<100x64xf32, #tpu.memory_space<vmem>>) offsets(%dma_start3A_237 : memref<100xi32, #tpu.memory_space<vmem>>) semaphore(%arg13 : memref<!tpu.dma_semaphore, #tpu.memory_space<semaphore_mem>>)
      %dma_start3A_241 = arith.constant 0 : i32
      %dma_start3A_242 = arith.constant 2 : i32
      %dma_start3A_243 = arith.constant 0 : i32
      %dma_start3A_244 = arith.constant 2 : i32
      %dma_start3A_245 = arith.constant 0 : i32
      %dma_start3A_246 = arith.constant 0 : i32
      %dma_start3A_247 = tpu.memref_slice %arg7[%dma_start3A_243, %dma_start3A_244, %dma_start3A_245, %dma_start3A_246] : memref<4x4x100x64xf32, #tpu.memory_space<vmem>> -> memref<1x1x100x64xf32, #tpu.memory_space<vmem>>
      %dma_start3A_248 = tpu.memref_squeeze %dma_start3A_247 : memref<1x1x100x64xf32, #tpu.memory_space<vmem>> -> memref<100x64xf32, #tpu.memory_space<vmem>>
      %dma_start3A_249 = arith.constant 0 : i32
      %dma_start3A_250 = tpu.memref_slice %arg6[%dma_start3A_241, %dma_start3A_242, %dma_start3A_249] : memref<4x4x100xi32, #tpu.memory_space<vmem>> -> memref<1x1x100xi32, #tpu.memory_space<vmem>>
      %dma_start3A_251 = tpu.memref_squeeze %dma_start3A_250 : memref<1x1x100xi32, #tpu.memory_space<vmem>> -> memref<100xi32, #tpu.memory_space<vmem>>
      %dma_start3A_252 = arith.constant 0 : i32
      %dma_start3A_253 = arith.constant 0 : i32
      %dma_start3A_254 = tpu.memref_slice %arg3[%dma_start3A_252, %dma_start3A_253] : memref<100000x64xf32, #tpu.memory_space<hbm>> -> memref<100000x64xf32, #tpu.memory_space<hbm>>
      tpu.enqueue_indirect_dma source(%dma_start3A_254 : memref<100000x64xf32, #tpu.memory_space<hbm>>) target(%dma_start3A_248 : memref<100x64xf32, #tpu.memory_space<vmem>>) offsets(%dma_start3A_251 : memref<100xi32, #tpu.memory_space<vmem>>) semaphore(%arg13 : memref<!tpu.dma_semaphore, #tpu.memory_space<semaphore_mem>>)
      %dma_start3A_255 = arith.constant 0 : i32
      %dma_start3A_256 = arith.constant 3 : i32
      %dma_start3A_257 = arith.constant 0 : i32
      %dma_start3A_258 = arith.constant 3 : i32
      %dma_start3A_259 = arith.constant 0 : i32
      %dma_start3A_260 = arith.constant 0 : i32
      %dma_start3A_261 = tpu.memref_slice %arg7[%dma_start3A_257, %dma_start3A_258, %dma_start3A_259, %dma_start3A_260] : memref<4x4x100x64xf32, #tpu.memory_space<vmem>> -> memref<1x1x100x64xf32, #tpu.memory_space<vmem>>
      %dma_start3A_262 = tpu.memref_squeeze %dma_start3A_261 : memref<1x1x100x64xf32, #tpu.memory_space<vmem>> -> memref<100x64xf32, #tpu.memory_space<vmem>>
      %dma_start3A_263 = arith.constant 0 : i32
      %dma_start3A_264 = tpu.memref_slice %arg6[%dma_start3A_255, %dma_start3A_256, %dma_start3A_263] : memref<4x4x100xi32, #tpu.memory_space<vmem>> -> memref<1x1x100xi32, #tpu.memory_space<vmem>>
      %dma_start3A_265 = tpu.memref_squeeze %dma_start3A_264 : memref<1x1x100xi32, #tpu.memory_space<vmem>> -> memref<100xi32, #tpu.memory_space<vmem>>
      %dma_start3A_266 = arith.constant 0 : i32
      %dma_start3A_267 = arith.constant 0 : i32
      %dma_start3A_268 = tpu.memref_slice %arg3[%dma_start3A_266, %dma_start3A_267] : memref<100000x64xf32, #tpu.memory_space<hbm>> -> memref<100000x64xf32, #tpu.memory_space<hbm>>
      tpu.enqueue_indirect_dma source(%dma_start3A_268 : memref<100000x64xf32, #tpu.memory_space<hbm>>) target(%dma_start3A_262 : memref<100x64xf32, #tpu.memory_space<vmem>>) offsets(%dma_start3A_265 : memref<100xi32, #tpu.memory_space<vmem>>) semaphore(%arg13 : memref<!tpu.dma_semaphore, #tpu.memory_space<semaphore_mem>>)
      %gt3A = arith.constant 0 : i32
      %gt3A_269 = arith.cmpi sgt, %add3A_195, %gt3A : i32
      %convert_element_type3A = arith.extui %gt3A_269 : i1 to i32
      %cond3A = arith.constant 0 : i32
      %cond3A_270 = arith.cmpi ne, %convert_element_type3A, %cond3A : i32
      scf.if %cond3A_270 {
        %dma_wait3A_797 = arith.constant 3 : i32
        %dma_wait3A_798 = arith.constant 0 : i32
        %dma_wait3A_799 = arith.constant 3 : i32
        %dma_wait3A_800 = arith.constant 0 : i32
        %dma_wait3A_801 = arith.constant 0 : i32
        %dma_wait3A_802 = arith.constant 0 : i32
        %dma_wait3A_803 = tpu.memref_slice %arg7[%dma_wait3A_799, %dma_wait3A_800, %dma_wait3A_801, %dma_wait3A_802] : memref<4x4x100x64xf32, #tpu.memory_space<vmem>> -> memref<1x1x100x64xf32, #tpu.memory_space<vmem>>
        %dma_wait3A_804 = tpu.memref_squeeze %dma_wait3A_803 : memref<1x1x100x64xf32, #tpu.memory_space<vmem>> -> memref<100x64xf32, #tpu.memory_space<vmem>>
        %dma_wait3A_805 = arith.constant 0 : i32
        %dma_wait3A_806 = tpu.memref_slice %arg6[%dma_wait3A_797, %dma_wait3A_798, %dma_wait3A_805] : memref<4x4x100xi32, #tpu.memory_space<vmem>> -> memref<1x1x100xi32, #tpu.memory_space<vmem>>
        %dma_wait3A_807 = tpu.memref_squeeze %dma_wait3A_806 : memref<1x1x100xi32, #tpu.memory_space<vmem>> -> memref<100xi32, #tpu.memory_space<vmem>>
        %dma_wait3A_808 = arith.constant 0 : i32
        %dma_wait3A_809 = arith.constant 0 : i32
        %dma_wait3A_810 = tpu.memref_slice %arg3[%dma_wait3A_808, %dma_wait3A_809] : memref<100000x64xf32, #tpu.memory_space<hbm>> -> memref<100000x64xf32, #tpu.memory_space<hbm>>
        tpu.wait_indirect_dma semaphore(%arg16 : memref<!tpu.dma_semaphore, #tpu.memory_space<semaphore_mem>>) src(%dma_wait3A_810 : memref<100000x64xf32, #tpu.memory_space<hbm>>) dst(%dma_wait3A_804 : memref<100x64xf32, #tpu.memory_space<vmem>>)
        %dma_wait3A_811 = arith.constant 3 : i32
        %dma_wait3A_812 = arith.constant 1 : i32
        %dma_wait3A_813 = arith.constant 3 : i32
        %dma_wait3A_814 = arith.constant 1 : i32
        %dma_wait3A_815 = arith.constant 0 : i32
        %dma_wait3A_816 = arith.constant 0 : i32
        %dma_wait3A_817 = tpu.memref_slice %arg7[%dma_wait3A_813, %dma_wait3A_814, %dma_wait3A_815, %dma_wait3A_816] : memref<4x4x100x64xf32, #tpu.memory_space<vmem>> -> memref<1x1x100x64xf32, #tpu.memory_space<vmem>>
        %dma_wait3A_818 = tpu.memref_squeeze %dma_wait3A_817 : memref<1x1x100x64xf32, #tpu.memory_space<vmem>> -> memref<100x64xf32, #tpu.memory_space<vmem>>
        %dma_wait3A_819 = arith.constant 0 : i32
        %dma_wait3A_820 = tpu.memref_slice %arg6[%dma_wait3A_811, %dma_wait3A_812, %dma_wait3A_819] : memref<4x4x100xi32, #tpu.memory_space<vmem>> -> memref<1x1x100xi32, #tpu.memory_space<vmem>>
        %dma_wait3A_821 = tpu.memref_squeeze %dma_wait3A_820 : memref<1x1x100xi32, #tpu.memory_space<vmem>> -> memref<100xi32, #tpu.memory_space<vmem>>
        %dma_wait3A_822 = arith.constant 0 : i32
        %dma_wait3A_823 = arith.constant 0 : i32
        %dma_wait3A_824 = tpu.memref_slice %arg3[%dma_wait3A_822, %dma_wait3A_823] : memref<100000x64xf32, #tpu.memory_space<hbm>> -> memref<100000x64xf32, #tpu.memory_space<hbm>>
        tpu.wait_indirect_dma semaphore(%arg16 : memref<!tpu.dma_semaphore, #tpu.memory_space<semaphore_mem>>) src(%dma_wait3A_824 : memref<100000x64xf32, #tpu.memory_space<hbm>>) dst(%dma_wait3A_818 : memref<100x64xf32, #tpu.memory_space<vmem>>)
        %dma_wait3A_825 = arith.constant 3 : i32
        %dma_wait3A_826 = arith.constant 2 : i32
        %dma_wait3A_827 = arith.constant 3 : i32
        %dma_wait3A_828 = arith.constant 2 : i32
        %dma_wait3A_829 = arith.constant 0 : i32
        %dma_wait3A_830 = arith.constant 0 : i32
        %dma_wait3A_831 = tpu.memref_slice %arg7[%dma_wait3A_827, %dma_wait3A_828, %dma_wait3A_829, %dma_wait3A_830] : memref<4x4x100x64xf32, #tpu.memory_space<vmem>> -> memref<1x1x100x64xf32, #tpu.memory_space<vmem>>
        %dma_wait3A_832 = tpu.memref_squeeze %dma_wait3A_831 : memref<1x1x100x64xf32, #tpu.memory_space<vmem>> -> memref<100x64xf32, #tpu.memory_space<vmem>>
        %dma_wait3A_833 = arith.constant 0 : i32
        %dma_wait3A_834 = tpu.memref_slice %arg6[%dma_wait3A_825, %dma_wait3A_826, %dma_wait3A_833] : memref<4x4x100xi32, #tpu.memory_space<vmem>> -> memref<1x1x100xi32, #tpu.memory_space<vmem>>
        %dma_wait3A_835 = tpu.memref_squeeze %dma_wait3A_834 : memref<1x1x100xi32, #tpu.memory_space<vmem>> -> memref<100xi32, #tpu.memory_space<vmem>>
        %dma_wait3A_836 = arith.constant 0 : i32
        %dma_wait3A_837 = arith.constant 0 : i32
        %dma_wait3A_838 = tpu.memref_slice %arg3[%dma_wait3A_836, %dma_wait3A_837] : memref<100000x64xf32, #tpu.memory_space<hbm>> -> memref<100000x64xf32, #tpu.memory_space<hbm>>
        tpu.wait_indirect_dma semaphore(%arg16 : memref<!tpu.dma_semaphore, #tpu.memory_space<semaphore_mem>>) src(%dma_wait3A_838 : memref<100000x64xf32, #tpu.memory_space<hbm>>) dst(%dma_wait3A_832 : memref<100x64xf32, #tpu.memory_space<vmem>>)
        %dma_wait3A_839 = arith.constant 3 : i32
        %dma_wait3A_840 = arith.constant 3 : i32
        %dma_wait3A_841 = arith.constant 3 : i32
        %dma_wait3A_842 = arith.constant 3 : i32
        %dma_wait3A_843 = arith.constant 0 : i32
        %dma_wait3A_844 = arith.constant 0 : i32
        %dma_wait3A_845 = tpu.memref_slice %arg7[%dma_wait3A_841, %dma_wait3A_842, %dma_wait3A_843, %dma_wait3A_844] : memref<4x4x100x64xf32, #tpu.memory_space<vmem>> -> memref<1x1x100x64xf32, #tpu.memory_space<vmem>>
        %dma_wait3A_846 = tpu.memref_squeeze %dma_wait3A_845 : memref<1x1x100x64xf32, #tpu.memory_space<vmem>> -> memref<100x64xf32, #tpu.memory_space<vmem>>
        %dma_wait3A_847 = arith.constant 0 : i32
        %dma_wait3A_848 = tpu.memref_slice %arg6[%dma_wait3A_839, %dma_wait3A_840, %dma_wait3A_847] : memref<4x4x100xi32, #tpu.memory_space<vmem>> -> memref<1x1x100xi32, #tpu.memory_space<vmem>>
        %dma_wait3A_849 = tpu.memref_squeeze %dma_wait3A_848 : memref<1x1x100xi32, #tpu.memory_space<vmem>> -> memref<100xi32, #tpu.memory_space<vmem>>
        %dma_wait3A_850 = arith.constant 0 : i32
        %dma_wait3A_851 = arith.constant 0 : i32
        %dma_wait3A_852 = tpu.memref_slice %arg3[%dma_wait3A_850, %dma_wait3A_851] : memref<100000x64xf32, #tpu.memory_space<hbm>> -> memref<100000x64xf32, #tpu.memory_space<hbm>>
        tpu.wait_indirect_dma semaphore(%arg16 : memref<!tpu.dma_semaphore, #tpu.memory_space<semaphore_mem>>) src(%dma_wait3A_852 : memref<100000x64xf32, #tpu.memory_space<hbm>>) dst(%dma_wait3A_846 : memref<100x64xf32, #tpu.memory_space<vmem>>)
        %scan3A_853 = arith.constant 0 : i32
        %scan3A_854 = arith.constant 100 : i32
        %scan3A_855 = arith.addi %scan3A_853, %scan3A_854 : i32
        %scan3A_856 = arith.constant 1 : i32
        scf.for %scan3A_880 = %scan3A_853 to %scan3A_855 step %scan3A_856  : i32 {
          %mul3A_881 = arith.constant 1 : i32
          %mul3A_882 = arith.muli %scan3A_880, %mul3A_881 : i32
          %add3A_883 = arith.constant 0 : i32
          %add3A_884 = arith.addi %add3A_883, %mul3A_882 : i32
          %get3A = arith.constant 0 : i32
          %get3A_885 = arith.index_cast %get3A : i32 to index
          %get3A_886 = arith.index_cast %add3A_884 : i32 to index
          %get3A_887 = arith.constant 0 : index
          %get3A_888 = tpu.vector_load %arg8[%get3A_885, %get3A_886, %get3A_887] {strides = array<i32>} : memref<4x100x64xf32, #tpu.memory_space<vmem>>, vector<1x1x16xf32>,
          %get3A_889 = vector.shape_cast %get3A_888 : vector<1x1x16xf32> to vector<16xf32>
          %swap3A = arith.constant 3 : i32
          %swap3A_890 = arith.constant 0 : i32
          %swap3A_891 = arith.index_cast %swap3A : i32 to index
          %swap3A_892 = arith.index_cast %swap3A_890 : i32 to index
          %swap3A_893 = arith.index_cast %add3A_884 : i32 to index
          %swap3A_894 = arith.constant 0 : index
          %swap3A_895 = tpu.vector_load %arg7[%swap3A_891, %swap3A_892, %swap3A_893, %swap3A_894] {strides = array<i32>} : memref<4x4x100x64xf32, #tpu.memory_space<vmem>>, vector<1x1x1x16xf32>,
          %swap3A_896 = vector.shape_cast %swap3A_895 : vector<1x1x1x16xf32> to vector<16xf32>
          %swap3A_897 = vector.shape_cast %get3A_889 : vector<16xf32> to vector<1x1x1x16xf32>
          tpu.vector_store %arg7[%swap3A_891, %swap3A_892, %swap3A_893, %swap3A_894], %swap3A_897 {add = true, strides = array<i32>} : memref<4x4x100x64xf32, #tpu.memory_space<vmem>>, vector<1x1x1x16xf32>,
          %get3A_898 = arith.constant 0 : i32
          %get3A_899 = arith.index_cast %get3A_898 : i32 to index
          %get3A_900 = arith.index_cast %add3A_884 : i32 to index
          %get3A_901 = arith.constant 16 : index
          %get3A_902 = tpu.vector_load %arg8[%get3A_899, %get3A_900, %get3A_901] {strides = array<i32>} : memref<4x100x64xf32, #tpu.memory_space<vmem>>, vector<1x1x16xf32>,
          %get3A_903 = vector.shape_cast %get3A_902 : vector<1x1x16xf32> to vector<16xf32>
          %swap3A_904 = arith.constant 3 : i32
          %swap3A_905 = arith.constant 0 : i32
          %swap3A_906 = arith.index_cast %swap3A_904 : i32 to index
          %swap3A_907 = arith.index_cast %swap3A_905 : i32 to index
          %swap3A_908 = arith.index_cast %add3A_884 : i32 to index
          %swap3A_909 = arith.constant 16 : index
          %swap3A_910 = tpu.vector_load %arg7[%swap3A_906, %swap3A_907, %swap3A_908, %swap3A_909] {strides = array<i32>} : memref<4x4x100x64xf32, #tpu.memory_space<vmem>>, vector<1x1x1x16xf32>,
          %swap3A_911 = vector.shape_cast %swap3A_910 : vector<1x1x1x16xf32> to vector<16xf32>
          %swap3A_912 = vector.shape_cast %get3A_903 : vector<16xf32> to vector<1x1x1x16xf32>
          tpu.vector_store %arg7[%swap3A_906, %swap3A_907, %swap3A_908, %swap3A_909], %swap3A_912 {add = true, strides = array<i32>} : memref<4x4x100x64xf32, #tpu.memory_space<vmem>>, vector<1x1x1x16xf32>,
          %get3A_913 = arith.constant 0 : i32
          %get3A_914 = arith.index_cast %get3A_913 : i32 to index
          %get3A_915 = arith.index_cast %add3A_884 : i32 to index
          %get3A_916 = arith.constant 32 : index
          %get3A_917 = tpu.vector_load %arg8[%get3A_914, %get3A_915, %get3A_916] {strides = array<i32>} : memref<4x100x64xf32, #tpu.memory_space<vmem>>, vector<1x1x16xf32>,
          %get3A_918 = vector.shape_cast %get3A_917 : vector<1x1x16xf32> to vector<16xf32>
          %swap3A_919 = arith.constant 3 : i32
          %swap3A_920 = arith.constant 0 : i32
          %swap3A_921 = arith.index_cast %swap3A_919 : i32 to index
          %swap3A_922 = arith.index_cast %swap3A_920 : i32 to index
          %swap3A_923 = arith.index_cast %add3A_884 : i32 to index
          %swap3A_924 = arith.constant 32 : index
          %swap3A_925 = tpu.vector_load %arg7[%swap3A_921, %swap3A_922, %swap3A_923, %swap3A_924] {strides = array<i32>} : memref<4x4x100x64xf32, #tpu.memory_space<vmem>>, vector<1x1x1x16xf32>,
          %swap3A_926 = vector.shape_cast %swap3A_925 : vector<1x1x1x16xf32> to vector<16xf32>
          %swap3A_927 = vector.shape_cast %get3A_918 : vector<16xf32> to vector<1x1x1x16xf32>
          tpu.vector_store %arg7[%swap3A_921, %swap3A_922, %swap3A_923, %swap3A_924], %swap3A_927 {add = true, strides = array<i32>} : memref<4x4x100x64xf32, #tpu.memory_space<vmem>>, vector<1x1x1x16xf32>,
          %get3A_928 = arith.constant 0 : i32
          %get3A_929 = arith.index_cast %get3A_928 : i32 to index
          %get3A_930 = arith.index_cast %add3A_884 : i32 to index
          %get3A_931 = arith.constant 48 : index
          %get3A_932 = tpu.vector_load %arg8[%get3A_929, %get3A_930, %get3A_931] {strides = array<i32>} : memref<4x100x64xf32, #tpu.memory_space<vmem>>, vector<1x1x16xf32>,
          %get3A_933 = vector.shape_cast %get3A_932 : vector<1x1x16xf32> to vector<16xf32>
          %swap3A_934 = arith.constant 3 : i32
          %swap3A_935 = arith.constant 0 : i32
          %swap3A_936 = arith.index_cast %swap3A_934 : i32 to index
          %swap3A_937 = arith.index_cast %swap3A_935 : i32 to index
          %swap3A_938 = arith.index_cast %add3A_884 : i32 to index
          %swap3A_939 = arith.constant 48 : index
          %swap3A_940 = tpu.vector_load %arg7[%swap3A_936, %swap3A_937, %swap3A_938, %swap3A_939] {strides = array<i32>} : memref<4x4x100x64xf32, #tpu.memory_space<vmem>>, vector<1x1x1x16xf32>,
          %swap3A_941 = vector.shape_cast %swap3A_940 : vector<1x1x1x16xf32> to vector<16xf32>
          %swap3A_942 = vector.shape_cast %get3A_933 : vector<16xf32> to vector<1x1x1x16xf32>
          tpu.vector_store %arg7[%swap3A_936, %swap3A_937, %swap3A_938, %swap3A_939], %swap3A_942 {add = true, strides = array<i32>} : memref<4x4x100x64xf32, #tpu.memory_space<vmem>>, vector<1x1x1x16xf32>,
          %get3A_943 = arith.constant 1 : i32
          %get3A_944 = arith.index_cast %get3A_943 : i32 to index
          %get3A_945 = arith.index_cast %add3A_884 : i32 to index
          %get3A_946 = arith.constant 0 : index
          %get3A_947 = tpu.vector_load %arg8[%get3A_944, %get3A_945, %get3A_946] {strides = array<i32>} : memref<4x100x64xf32, #tpu.memory_space<vmem>>, vector<1x1x16xf32>,
          %get3A_948 = vector.shape_cast %get3A_947 : vector<1x1x16xf32> to vector<16xf32>
          %swap3A_949 = arith.constant 3 : i32
          %swap3A_950 = arith.constant 1 : i32
          %swap3A_951 = arith.index_cast %swap3A_949 : i32 to index
          %swap3A_952 = arith.index_cast %swap3A_950 : i32 to index
          %swap3A_953 = arith.index_cast %add3A_884 : i32 to index
          %swap3A_954 = arith.constant 0 : index
          %swap3A_955 = tpu.vector_load %arg7[%swap3A_951, %swap3A_952, %swap3A_953, %swap3A_954] {strides = array<i32>} : memref<4x4x100x64xf32, #tpu.memory_space<vmem>>, vector<1x1x1x16xf32>,
          %swap3A_956 = vector.shape_cast %swap3A_955 : vector<1x1x1x16xf32> to vector<16xf32>
          %swap3A_957 = vector.shape_cast %get3A_948 : vector<16xf32> to vector<1x1x1x16xf32>
          tpu.vector_store %arg7[%swap3A_951, %swap3A_952, %swap3A_953, %swap3A_954], %swap3A_957 {add = true, strides = array<i32>} : memref<4x4x100x64xf32, #tpu.memory_space<vmem>>, vector<1x1x1x16xf32>,
          %get3A_958 = arith.constant 1 : i32
          %get3A_959 = arith.index_cast %get3A_958 : i32 to index
          %get3A_960 = arith.index_cast %add3A_884 : i32 to index
          %get3A_961 = arith.constant 16 : index
          %get3A_962 = tpu.vector_load %arg8[%get3A_959, %get3A_960, %get3A_961] {strides = array<i32>} : memref<4x100x64xf32, #tpu.memory_space<vmem>>, vector<1x1x16xf32>,
          %get3A_963 = vector.shape_cast %get3A_962 : vector<1x1x16xf32> to vector<16xf32>
          %swap3A_964 = arith.constant 3 : i32
          %swap3A_965 = arith.constant 1 : i32
          %swap3A_966 = arith.index_cast %swap3A_964 : i32 to index
          %swap3A_967 = arith.index_cast %swap3A_965 : i32 to index
          %swap3A_968 = arith.index_cast %add3A_884 : i32 to index
          %swap3A_969 = arith.constant 16 : index
          %swap3A_970 = tpu.vector_load %arg7[%swap3A_966, %swap3A_967, %swap3A_968, %swap3A_969] {strides = array<i32>} : memref<4x4x100x64xf32, #tpu.memory_space<vmem>>, vector<1x1x1x16xf32>,
          %swap3A_971 = vector.shape_cast %swap3A_970 : vector<1x1x1x16xf32> to vector<16xf32>
          %swap3A_972 = vector.shape_cast %get3A_963 : vector<16xf32> to vector<1x1x1x16xf32>
          tpu.vector_store %arg7[%swap3A_966, %swap3A_967, %swap3A_968, %swap3A_969], %swap3A_972 {add = true, strides = array<i32>} : memref<4x4x100x64xf32, #tpu.memory_space<vmem>>, vector<1x1x1x16xf32>,
          %get3A_973 = arith.constant 1 : i32
          %get3A_974 = arith.index_cast %get3A_973 : i32 to index
          %get3A_975 = arith.index_cast %add3A_884 : i32 to index
          %get3A_976 = arith.constant 32 : index
          %get3A_977 = tpu.vector_load %arg8[%get3A_974, %get3A_975, %get3A_976] {strides = array<i32>} : memref<4x100x64xf32, #tpu.memory_space<vmem>>, vector<1x1x16xf32>,
          %get3A_978 = vector.shape_cast %get3A_977 : vector<1x1x16xf32> to vector<16xf32>
          %swap3A_979 = arith.constant 3 : i32
          %swap3A_980 = arith.constant 1 : i32
          %swap3A_981 = arith.index_cast %swap3A_979 : i32 to index
          %swap3A_982 = arith.index_cast %swap3A_980 : i32 to index
          %swap3A_983 = arith.index_cast %add3A_884 : i32 to index
          %swap3A_984 = arith.constant 32 : index
          %swap3A_985 = tpu.vector_load %arg7[%swap3A_981, %swap3A_982, %swap3A_983, %swap3A_984] {strides = array<i32>} : memref<4x4x100x64xf32, #tpu.memory_space<vmem>>, vector<1x1x1x16xf32>,
          %swap3A_986 = vector.shape_cast %swap3A_985 : vector<1x1x1x16xf32> to vector<16xf32>
          %swap3A_987 = vector.shape_cast %get3A_978 : vector<16xf32> to vector<1x1x1x16xf32>
          tpu.vector_store %arg7[%swap3A_981, %swap3A_982, %swap3A_983, %swap3A_984], %swap3A_987 {add = true, strides = array<i32>} : memref<4x4x100x64xf32, #tpu.memory_space<vmem>>, vector<1x1x1x16xf32>,
          %get3A_988 = arith.constant 1 : i32
          %get3A_989 = arith.index_cast %get3A_988 : i32 to index
          %get3A_990 = arith.index_cast %add3A_884 : i32 to index
          %get3A_991 = arith.constant 48 : index
          %get3A_992 = tpu.vector_load %arg8[%get3A_989, %get3A_990, %get3A_991] {strides = array<i32>} : memref<4x100x64xf32, #tpu.memory_space<vmem>>, vector<1x1x16xf32>,
          %get3A_993 = vector.shape_cast %get3A_992 : vector<1x1x16xf32> to vector<16xf32>
          %swap3A_994 = arith.constant 3 : i32
          %swap3A_995 = arith.constant 1 : i32
          %swap3A_996 = arith.index_cast %swap3A_994 : i32 to index
          %swap3A_997 = arith.index_cast %swap3A_995 : i32 to index
          %swap3A_998 = arith.index_cast %add3A_884 : i32 to index
          %swap3A_999 = arith.constant 48 : index
          %swap3A_1000 = tpu.vector_load %arg7[%swap3A_996, %swap3A_997, %swap3A_998, %swap3A_999] {strides = array<i32>} : memref<4x4x100x64xf32, #tpu.memory_space<vmem>>, vector<1x1x1x16xf32>,
          %swap3A_1001 = vector.shape_cast %swap3A_1000 : vector<1x1x1x16xf32> to vector<16xf32>
          %swap3A_1002 = vector.shape_cast %get3A_993 : vector<16xf32> to vector<1x1x1x16xf32>
          tpu.vector_store %arg7[%swap3A_996, %swap3A_997, %swap3A_998, %swap3A_999], %swap3A_1002 {add = true, strides = array<i32>} : memref<4x4x100x64xf32, #tpu.memory_space<vmem>>, vector<1x1x1x16xf32>,
          %get3A_1003 = arith.constant 2 : i32
          %get3A_1004 = arith.index_cast %get3A_1003 : i32 to index
          %get3A_1005 = arith.index_cast %add3A_884 : i32 to index
          %get3A_1006 = arith.constant 0 : index
          %get3A_1007 = tpu.vector_load %arg8[%get3A_1004, %get3A_1005, %get3A_1006] {strides = array<i32>} : memref<4x100x64xf32, #tpu.memory_space<vmem>>, vector<1x1x16xf32>,
          %get3A_1008 = vector.shape_cast %get3A_1007 : vector<1x1x16xf32> to vector<16xf32>
          %swap3A_1009 = arith.constant 3 : i32
          %swap3A_1010 = arith.constant 2 : i32
          %swap3A_1011 = arith.index_cast %swap3A_1009 : i32 to index
          %swap3A_1012 = arith.index_cast %swap3A_1010 : i32 to index
          %swap3A_1013 = arith.index_cast %add3A_884 : i32 to index
          %swap3A_1014 = arith.constant 0 : index
          %swap3A_1015 = tpu.vector_load %arg7[%swap3A_1011, %swap3A_1012, %swap3A_1013, %swap3A_1014] {strides = array<i32>} : memref<4x4x100x64xf32, #tpu.memory_space<vmem>>, vector<1x1x1x16xf32>,
          %swap3A_1016 = vector.shape_cast %swap3A_1015 : vector<1x1x1x16xf32> to vector<16xf32>
          %swap3A_1017 = vector.shape_cast %get3A_1008 : vector<16xf32> to vector<1x1x1x16xf32>
          tpu.vector_store %arg7[%swap3A_1011, %swap3A_1012, %swap3A_1013, %swap3A_1014], %swap3A_1017 {add = true, strides = array<i32>} : memref<4x4x100x64xf32, #tpu.memory_space<vmem>>, vector<1x1x1x16xf32>,
          %get3A_1018 = arith.constant 2 : i32
          %get3A_1019 = arith.index_cast %get3A_1018 : i32 to index
          %get3A_1020 = arith.index_cast %add3A_884 : i32 to index
          %get3A_1021 = arith.constant 16 : index
          %get3A_1022 = tpu.vector_load %arg8[%get3A_1019, %get3A_1020, %get3A_1021] {strides = array<i32>} : memref<4x100x64xf32, #tpu.memory_space<vmem>>, vector<1x1x16xf32>,
          %get3A_1023 = vector.shape_cast %get3A_1022 : vector<1x1x16xf32> to vector<16xf32>
          %swap3A_1024 = arith.constant 3 : i32
          %swap3A_1025 = arith.constant 2 : i32
          %swap3A_1026 = arith.index_cast %swap3A_1024 : i32 to index
          %swap3A_1027 = arith.index_cast %swap3A_1025 : i32 to index
          %swap3A_1028 = arith.index_cast %add3A_884 : i32 to index
          %swap3A_1029 = arith.constant 16 : index
          %swap3A_1030 = tpu.vector_load %arg7[%swap3A_1026, %swap3A_1027, %swap3A_1028, %swap3A_1029] {strides = array<i32>} : memref<4x4x100x64xf32, #tpu.memory_space<vmem>>, vector<1x1x1x16xf32>,
          %swap3A_1031 = vector.shape_cast %swap3A_1030 : vector<1x1x1x16xf32> to vector<16xf32>
          %swap3A_1032 = vector.shape_cast %get3A_1023 : vector<16xf32> to vector<1x1x1x16xf32>
          tpu.vector_store %arg7[%swap3A_1026, %swap3A_1027, %swap3A_1028, %swap3A_1029], %swap3A_1032 {add = true, strides = array<i32>} : memref<4x4x100x64xf32, #tpu.memory_space<vmem>>, vector<1x1x1x16xf32>,
          %get3A_1033 = arith.constant 2 : i32
          %get3A_1034 = arith.index_cast %get3A_1033 : i32 to index
          %get3A_1035 = arith.index_cast %add3A_884 : i32 to index
          %get3A_1036 = arith.constant 32 : index
          %get3A_1037 = tpu.vector_load %arg8[%get3A_1034, %get3A_1035, %get3A_1036] {strides = array<i32>} : memref<4x100x64xf32, #tpu.memory_space<vmem>>, vector<1x1x16xf32>,
          %get3A_1038 = vector.shape_cast %get3A_1037 : vector<1x1x16xf32> to vector<16xf32>
          %swap3A_1039 = arith.constant 3 : i32
          %swap3A_1040 = arith.constant 2 : i32
          %swap3A_1041 = arith.index_cast %swap3A_1039 : i32 to index
          %swap3A_1042 = arith.index_cast %swap3A_1040 : i32 to index
          %swap3A_1043 = arith.index_cast %add3A_884 : i32 to index
          %swap3A_1044 = arith.constant 32 : index
          %swap3A_1045 = tpu.vector_load %arg7[%swap3A_1041, %swap3A_1042, %swap3A_1043, %swap3A_1044] {strides = array<i32>} : memref<4x4x100x64xf32, #tpu.memory_space<vmem>>, vector<1x1x1x16xf32>,
          %swap3A_1046 = vector.shape_cast %swap3A_1045 : vector<1x1x1x16xf32> to vector<16xf32>
          %swap3A_1047 = vector.shape_cast %get3A_1038 : vector<16xf32> to vector<1x1x1x16xf32>
          tpu.vector_store %arg7[%swap3A_1041, %swap3A_1042, %swap3A_1043, %swap3A_1044], %swap3A_1047 {add = true, strides = array<i32>} : memref<4x4x100x64xf32, #tpu.memory_space<vmem>>, vector<1x1x1x16xf32>,
          %get3A_1048 = arith.constant 2 : i32
          %get3A_1049 = arith.index_cast %get3A_1048 : i32 to index
          %get3A_1050 = arith.index_cast %add3A_884 : i32 to index
          %get3A_1051 = arith.constant 48 : index
          %get3A_1052 = tpu.vector_load %arg8[%get3A_1049, %get3A_1050, %get3A_1051] {strides = array<i32>} : memref<4x100x64xf32, #tpu.memory_space<vmem>>, vector<1x1x16xf32>,
          %get3A_1053 = vector.shape_cast %get3A_1052 : vector<1x1x16xf32> to vector<16xf32>
          %swap3A_1054 = arith.constant 3 : i32
          %swap3A_1055 = arith.constant 2 : i32
          %swap3A_1056 = arith.index_cast %swap3A_1054 : i32 to index
          %swap3A_1057 = arith.index_cast %swap3A_1055 : i32 to index
          %swap3A_1058 = arith.index_cast %add3A_884 : i32 to index
          %swap3A_1059 = arith.constant 48 : index
          %swap3A_1060 = tpu.vector_load %arg7[%swap3A_1056, %swap3A_1057, %swap3A_1058, %swap3A_1059] {strides = array<i32>} : memref<4x4x100x64xf32, #tpu.memory_space<vmem>>, vector<1x1x1x16xf32>,
          %swap3A_1061 = vector.shape_cast %swap3A_1060 : vector<1x1x1x16xf32> to vector<16xf32>
          %swap3A_1062 = vector.shape_cast %get3A_1053 : vector<16xf32> to vector<1x1x1x16xf32>
          tpu.vector_store %arg7[%swap3A_1056, %swap3A_1057, %swap3A_1058, %swap3A_1059], %swap3A_1062 {add = true, strides = array<i32>} : memref<4x4x100x64xf32, #tpu.memory_space<vmem>>, vector<1x1x1x16xf32>,
          %get3A_1063 = arith.constant 3 : i32
          %get3A_1064 = arith.index_cast %get3A_1063 : i32 to index
          %get3A_1065 = arith.index_cast %add3A_884 : i32 to index
          %get3A_1066 = arith.constant 0 : index
          %get3A_1067 = tpu.vector_load %arg8[%get3A_1064, %get3A_1065, %get3A_1066] {strides = array<i32>} : memref<4x100x64xf32, #tpu.memory_space<vmem>>, vector<1x1x16xf32>,
          %get3A_1068 = vector.shape_cast %get3A_1067 : vector<1x1x16xf32> to vector<16xf32>
          %swap3A_1069 = arith.constant 3 : i32
          %swap3A_1070 = arith.constant 3 : i32
          %swap3A_1071 = arith.index_cast %swap3A_1069 : i32 to index
          %swap3A_1072 = arith.index_cast %swap3A_1070 : i32 to index
          %swap3A_1073 = arith.index_cast %add3A_884 : i32 to index
          %swap3A_1074 = arith.constant 0 : index
          %swap3A_1075 = tpu.vector_load %arg7[%swap3A_1071, %swap3A_1072, %swap3A_1073, %swap3A_1074] {strides = array<i32>} : memref<4x4x100x64xf32, #tpu.memory_space<vmem>>, vector<1x1x1x16xf32>,
          %swap3A_1076 = vector.shape_cast %swap3A_1075 : vector<1x1x1x16xf32> to vector<16xf32>
          %swap3A_1077 = vector.shape_cast %get3A_1068 : vector<16xf32> to vector<1x1x1x16xf32>
          tpu.vector_store %arg7[%swap3A_1071, %swap3A_1072, %swap3A_1073, %swap3A_1074], %swap3A_1077 {add = true, strides = array<i32>} : memref<4x4x100x64xf32, #tpu.memory_space<vmem>>, vector<1x1x1x16xf32>,
          %get3A_1078 = arith.constant 3 : i32
          %get3A_1079 = arith.index_cast %get3A_1078 : i32 to index
          %get3A_1080 = arith.index_cast %add3A_884 : i32 to index
          %get3A_1081 = arith.constant 16 : index
          %get3A_1082 = tpu.vector_load %arg8[%get3A_1079, %get3A_1080, %get3A_1081] {strides = array<i32>} : memref<4x100x64xf32, #tpu.memory_space<vmem>>, vector<1x1x16xf32>,
          %get3A_1083 = vector.shape_cast %get3A_1082 : vector<1x1x16xf32> to vector<16xf32>
          %swap3A_1084 = arith.constant 3 : i32
          %swap3A_1085 = arith.constant 3 : i32
          %swap3A_1086 = arith.index_cast %swap3A_1084 : i32 to index
          %swap3A_1087 = arith.index_cast %swap3A_1085 : i32 to index
          %swap3A_1088 = arith.index_cast %add3A_884 : i32 to index
          %swap3A_1089 = arith.constant 16 : index
          %swap3A_1090 = tpu.vector_load %arg7[%swap3A_1086, %swap3A_1087, %swap3A_1088, %swap3A_1089] {strides = array<i32>} : memref<4x4x100x64xf32, #tpu.memory_space<vmem>>, vector<1x1x1x16xf32>,
          %swap3A_1091 = vector.shape_cast %swap3A_1090 : vector<1x1x1x16xf32> to vector<16xf32>
          %swap3A_1092 = vector.shape_cast %get3A_1083 : vector<16xf32> to vector<1x1x1x16xf32>
          tpu.vector_store %arg7[%swap3A_1086, %swap3A_1087, %swap3A_1088, %swap3A_1089], %swap3A_1092 {add = true, strides = array<i32>} : memref<4x4x100x64xf32, #tpu.memory_space<vmem>>, vector<1x1x1x16xf32>,
          %get3A_1093 = arith.constant 3 : i32
          %get3A_1094 = arith.index_cast %get3A_1093 : i32 to index
          %get3A_1095 = arith.index_cast %add3A_884 : i32 to index
          %get3A_1096 = arith.constant 32 : index
          %get3A_1097 = tpu.vector_load %arg8[%get3A_1094, %get3A_1095, %get3A_1096] {strides = array<i32>} : memref<4x100x64xf32, #tpu.memory_space<vmem>>, vector<1x1x16xf32>,
          %get3A_1098 = vector.shape_cast %get3A_1097 : vector<1x1x16xf32> to vector<16xf32>
          %swap3A_1099 = arith.constant 3 : i32
          %swap3A_1100 = arith.constant 3 : i32
          %swap3A_1101 = arith.index_cast %swap3A_1099 : i32 to index
          %swap3A_1102 = arith.index_cast %swap3A_1100 : i32 to index
          %swap3A_1103 = arith.index_cast %add3A_884 : i32 to index
          %swap3A_1104 = arith.constant 32 : index
          %swap3A_1105 = tpu.vector_load %arg7[%swap3A_1101, %swap3A_1102, %swap3A_1103, %swap3A_1104] {strides = array<i32>} : memref<4x4x100x64xf32, #tpu.memory_space<vmem>>, vector<1x1x1x16xf32>,
          %swap3A_1106 = vector.shape_cast %swap3A_1105 : vector<1x1x1x16xf32> to vector<16xf32>
          %swap3A_1107 = vector.shape_cast %get3A_1098 : vector<16xf32> to vector<1x1x1x16xf32>
          tpu.vector_store %arg7[%swap3A_1101, %swap3A_1102, %swap3A_1103, %swap3A_1104], %swap3A_1107 {add = true, strides = array<i32>} : memref<4x4x100x64xf32, #tpu.memory_space<vmem>>, vector<1x1x1x16xf32>,
          %get3A_1108 = arith.constant 3 : i32
          %get3A_1109 = arith.index_cast %get3A_1108 : i32 to index
          %get3A_1110 = arith.index_cast %add3A_884 : i32 to index
          %get3A_1111 = arith.constant 48 : index
          %get3A_1112 = tpu.vector_load %arg8[%get3A_1109, %get3A_1110, %get3A_1111] {strides = array<i32>} : memref<4x100x64xf32, #tpu.memory_space<vmem>>, vector<1x1x16xf32>,
          %get3A_1113 = vector.shape_cast %get3A_1112 : vector<1x1x16xf32> to vector<16xf32>
          %swap3A_1114 = arith.constant 3 : i32
          %swap3A_1115 = arith.constant 3 : i32
          %swap3A_1116 = arith.index_cast %swap3A_1114 : i32 to index
          %swap3A_1117 = arith.index_cast %swap3A_1115 : i32 to index
          %swap3A_1118 = arith.index_cast %add3A_884 : i32 to index
          %swap3A_1119 = arith.constant 48 : index
          %swap3A_1120 = tpu.vector_load %arg7[%swap3A_1116, %swap3A_1117, %swap3A_1118, %swap3A_1119] {strides = array<i32>} : memref<4x4x100x64xf32, #tpu.memory_space<vmem>>, vector<1x1x1x16xf32>,
          %swap3A_1121 = vector.shape_cast %swap3A_1120 : vector<1x1x1x16xf32> to vector<16xf32>
          %swap3A_1122 = vector.shape_cast %get3A_1113 : vector<16xf32> to vector<1x1x1x16xf32>
          tpu.vector_store %arg7[%swap3A_1116, %swap3A_1117, %swap3A_1118, %swap3A_1119], %swap3A_1122 {add = true, strides = array<i32>} : memref<4x4x100x64xf32, #tpu.memory_space<vmem>>, vector<1x1x1x16xf32>,
        }
        %scan3A_857 = arith.constant 100 : i32
        %sub3A_858 = arith.constant 1 : i32
        %sub3A_859 = arith.subi %add3A_197, %sub3A_858 : i32
        %mul3A_860 = arith.constant 4 : i32
        %mul3A_861 = arith.muli %sub3A_859, %mul3A_860 : i32
        %add3A_862 = arith.addi %mul3A_2, %mul3A_861 : i32
        %dma_start3A_863 = arith.constant 3 : i32
        %dma_start3A_864 = arith.constant 0 : i32
        %dma_start3A_865 = arith.constant 0 : i32
        %dma_start3A_866 = arith.constant 0 : i32
        %dma_start3A_867 = tpu.memref_slice %arg7[%dma_start3A_863, %dma_start3A_864, %dma_start3A_865, %dma_start3A_866] : memref<4x4x100x64xf32, #tpu.memory_space<vmem>> -> memref<1x4x100x64xf32, #tpu.memory_space<vmem>>
        %dma_start3A_868 = tpu.memref_squeeze %dma_start3A_867 : memref<1x4x100x64xf32, #tpu.memory_space<vmem>> -> memref<4x100x64xf32, #tpu.memory_space<vmem>>
        %dma_start3A_869 = arith.constant 0 : i32
        %dma_start3A_870 = arith.constant 0 : i32
        %dma_start3A_871 = tpu.memref_slice %arg5[%add3A_862, %dma_start3A_869, %dma_start3A_870] : memref<8192x100x64xf32, #tpu.memory_space<hbm>> -> memref<4x100x64xf32, #tpu.memory_space<hbm>>
        %dma_start3A_872 = arith.constant 0 : i32
        %dma_start3A_873 = arith.constant 0 : i32
        %dma_start3A_874 = tpu.memref_slice %arg5[%add3A_862, %dma_start3A_872, %dma_start3A_873] : memref<8192x100x64xf32, #tpu.memory_space<hbm>> -> memref<4x100x64xf32, #tpu.memory_space<hbm>>
        %dma_start3A_875 = arith.constant 0 : i32
        %dma_start3A_876 = arith.constant 0 : i32
        %dma_start3A_877 = arith.constant 0 : i32
        %dma_start3A_878 = tpu.memref_slice %arg7[%dma_start3A_863, %dma_start3A_875, %dma_start3A_876, %dma_start3A_877] : memref<4x4x100x64xf32, #tpu.memory_space<vmem>> -> memref<1x4x100x64xf32, #tpu.memory_space<vmem>>
        %dma_start3A_879 = tpu.memref_squeeze %dma_start3A_878 : memref<1x4x100x64xf32, #tpu.memory_space<vmem>> -> memref<4x100x64xf32, #tpu.memory_space<vmem>>
        tpu.enqueue_dma source(%dma_start3A_879 : memref<4x100x64xf32, #tpu.memory_space<vmem>>) target(%dma_start3A_874 : memref<4x100x64xf32, #tpu.memory_space<hbm>>) target_semaphore(%arg20 : memref<!tpu.dma_semaphore, #tpu.memory_space<semaphore_mem>>)
      } else {
      }
      %gt3A_271 = arith.constant 0 : i32
      %gt3A_272 = arith.cmpi sgt, %add3A_195, %gt3A_271 : i32
      %convert_element_type3A_273 = arith.extui %gt3A_272 : i1 to i32
      %cond3A_274 = arith.constant 0 : i32
      %cond3A_275 = arith.cmpi ne, %convert_element_type3A_273, %cond3A_274 : i32
      scf.if %cond3A_275 {
        %dma_wait3A_797 = arith.constant 2 : i32
        %dma_wait3A_798 = arith.constant 0 : i32
        %dma_wait3A_799 = arith.constant 0 : i32
        %dma_wait3A_800 = arith.constant 0 : i32
        %dma_wait3A_801 = tpu.memref_slice %arg7[%dma_wait3A_797, %dma_wait3A_798, %dma_wait3A_799, %dma_wait3A_800] : memref<4x4x100x64xf32, #tpu.memory_space<vmem>> -> memref<1x4x100x64xf32, #tpu.memory_space<vmem>>
        %dma_wait3A_802 = tpu.memref_squeeze %dma_wait3A_801 : memref<1x4x100x64xf32, #tpu.memory_space<vmem>> -> memref<4x100x64xf32, #tpu.memory_space<vmem>>
        %dma_wait3A_803 = arith.constant 0 : i32
        %dma_wait3A_804 = arith.constant 0 : i32
        %dma_wait3A_805 = arith.constant 0 : i32
        %dma_wait3A_806 = tpu.memref_slice %arg5[%dma_wait3A_803, %dma_wait3A_804, %dma_wait3A_805] : memref<8192x100x64xf32, #tpu.memory_space<hbm>> -> memref<4x100x64xf32, #tpu.memory_space<hbm>>
        %dma_wait3A_807 = arith.constant 0 : i32
        %dma_wait3A_808 = arith.constant 0 : i32
        %dma_wait3A_809 = arith.constant 0 : i32
        %dma_wait3A_810 = tpu.memref_slice %arg5[%dma_wait3A_807, %dma_wait3A_808, %dma_wait3A_809] : memref<8192x100x64xf32, #tpu.memory_space<hbm>> -> memref<4x100x64xf32, #tpu.memory_space<hbm>>
        %dma_wait3A_811 = arith.constant 0 : i32
        %dma_wait3A_812 = arith.constant 0 : i32
        %dma_wait3A_813 = arith.constant 0 : i32
        %dma_wait3A_814 = tpu.memref_slice %arg7[%dma_wait3A_797, %dma_wait3A_811, %dma_wait3A_812, %dma_wait3A_813] : memref<4x4x100x64xf32, #tpu.memory_space<vmem>> -> memref<1x4x100x64xf32, #tpu.memory_space<vmem>>
        %dma_wait3A_815 = tpu.memref_squeeze %dma_wait3A_814 : memref<1x4x100x64xf32, #tpu.memory_space<vmem>> -> memref<4x100x64xf32, #tpu.memory_space<vmem>>
        tpu.wait_dma2 semaphore(%arg19 : memref<!tpu.dma_semaphore, #tpu.memory_space<semaphore_mem>>) src(%dma_wait3A_815 : memref<4x100x64xf32, #tpu.memory_space<vmem>>) dst(%dma_wait3A_810 : memref<4x100x64xf32, #tpu.memory_space<hbm>>)
      } else {
      }
      %add3A_276 = arith.constant 2 : i32
      %add3A_277 = arith.addi %add3A_197, %add3A_276 : i32
      %mul3A_278 = arith.constant 4 : i32
      %mul3A_279 = arith.muli %add3A_277, %mul3A_278 : i32
      %add3A_280 = arith.addi %mul3A_2, %mul3A_279 : i32
      %dma_start3A_281 = arith.constant 2 : i32
      %dma_start3A_282 = arith.constant 0 : i32
      %dma_start3A_283 = arith.constant 0 : i32
      %dma_start3A_284 = tpu.memref_slice %arg6[%dma_start3A_281, %dma_start3A_282, %dma_start3A_283] : memref<4x4x100xi32, #tpu.memory_space<vmem>> -> memref<1x4x100xi32, #tpu.memory_space<vmem>>
      %dma_start3A_285 = tpu.memref_squeeze %dma_start3A_284 : memref<1x4x100xi32, #tpu.memory_space<vmem>> -> memref<4x100xi32, #tpu.memory_space<vmem>>
      %dma_start3A_286 = arith.constant 0 : i32
      %dma_start3A_287 = tpu.memref_slice %arg2[%add3A_280, %dma_start3A_286] : memref<8192x100xi32, #tpu.memory_space<hbm>> -> memref<4x100xi32, #tpu.memory_space<hbm>>
      %dma_start3A_288 = arith.constant 0 : i32
      %dma_start3A_289 = arith.constant 0 : i32
      %dma_start3A_290 = tpu.memref_slice %arg6[%dma_start3A_281, %dma_start3A_288, %dma_start3A_289] : memref<4x4x100xi32, #tpu.memory_space<vmem>> -> memref<1x4x100xi32, #tpu.memory_space<vmem>>
      %dma_start3A_291 = tpu.memref_squeeze %dma_start3A_290 : memref<1x4x100xi32, #tpu.memory_space<vmem>> -> memref<4x100xi32, #tpu.memory_space<vmem>>
      %dma_start3A_292 = arith.constant 0 : i32
      %dma_start3A_293 = tpu.memref_slice %arg2[%add3A_280, %dma_start3A_292] : memref<8192x100xi32, #tpu.memory_space<hbm>> -> memref<4x100xi32, #tpu.memory_space<hbm>>
      tpu.enqueue_dma source(%dma_start3A_293 : memref<4x100xi32, #tpu.memory_space<hbm>>) target(%dma_start3A_291 : memref<4x100xi32, #tpu.memory_space<vmem>>) target_semaphore(%arg11 : memref<!tpu.dma_semaphore, #tpu.memory_space<semaphore_mem>>)
      %add3A_294 = arith.constant 1 : i32
      %add3A_295 = arith.addi %add3A_195, %add3A_294 : i32
      %dma_wait3A_296 = arith.constant 1 : i32
      %dma_wait3A_297 = arith.constant 0 : i32
      %dma_wait3A_298 = arith.constant 0 : i32
      %dma_wait3A_299 = tpu.memref_slice %arg6[%dma_wait3A_296, %dma_wait3A_297, %dma_wait3A_298] : memref<4x4x100xi32, #tpu.memory_space<vmem>> -> memref<1x4x100xi32, #tpu.memory_space<vmem>>
      %dma_wait3A_300 = tpu.memref_squeeze %dma_wait3A_299 : memref<1x4x100xi32, #tpu.memory_space<vmem>> -> memref<4x100xi32, #tpu.memory_space<vmem>>
      %dma_wait3A_301 = arith.constant 0 : i32
      %dma_wait3A_302 = arith.constant 0 : i32
      %dma_wait3A_303 = tpu.memref_slice %arg2[%dma_wait3A_301, %dma_wait3A_302] : memref<8192x100xi32, #tpu.memory_space<hbm>> -> memref<4x100xi32, #tpu.memory_space<hbm>>
      %dma_wait3A_304 = arith.constant 0 : i32
      %dma_wait3A_305 = arith.constant 0 : i32
      %dma_wait3A_306 = tpu.memref_slice %arg6[%dma_wait3A_296, %dma_wait3A_304, %dma_wait3A_305] : memref<4x4x100xi32, #tpu.memory_space<vmem>> -> memref<1x4x100xi32, #tpu.memory_space<vmem>>
      %dma_wait3A_307 = tpu.memref_squeeze %dma_wait3A_306 : memref<1x4x100xi32, #tpu.memory_space<vmem>> -> memref<4x100xi32, #tpu.memory_space<vmem>>
      %dma_wait3A_308 = arith.constant 0 : i32
      %dma_wait3A_309 = arith.constant 0 : i32
      %dma_wait3A_310 = tpu.memref_slice %arg2[%dma_wait3A_308, %dma_wait3A_309] : memref<8192x100xi32, #tpu.memory_space<hbm>> -> memref<4x100xi32, #tpu.memory_space<hbm>>
      tpu.wait_dma2 semaphore(%arg10 : memref<!tpu.dma_semaphore, #tpu.memory_space<semaphore_mem>>) src(%dma_wait3A_310 : memref<4x100xi32, #tpu.memory_space<hbm>>) dst(%dma_wait3A_307 : memref<4x100xi32, #tpu.memory_space<vmem>>)
      %dma_start3A_311 = arith.constant 1 : i32
      %dma_start3A_312 = arith.constant 0 : i32
      %dma_start3A_313 = arith.constant 1 : i32
      %dma_start3A_314 = arith.constant 0 : i32
      %dma_start3A_315 = arith.constant 0 : i32
      %dma_start3A_316 = arith.constant 0 : i32
      %dma_start3A_317 = tpu.memref_slice %arg7[%dma_start3A_313, %dma_start3A_314, %dma_start3A_315, %dma_start3A_316] : memref<4x4x100x64xf32, #tpu.memory_space<vmem>> -> memref<1x1x100x64xf32, #tpu.memory_space<vmem>>
      %dma_start3A_318 = tpu.memref_squeeze %dma_start3A_317 : memref<1x1x100x64xf32, #tpu.memory_space<vmem>> -> memref<100x64xf32, #tpu.memory_space<vmem>>
      %dma_start3A_319 = arith.constant 0 : i32
      %dma_start3A_320 = tpu.memref_slice %arg6[%dma_start3A_311, %dma_start3A_312, %dma_start3A_319] : memref<4x4x100xi32, #tpu.memory_space<vmem>> -> memref<1x1x100xi32, #tpu.memory_space<vmem>>
      %dma_start3A_321 = tpu.memref_squeeze %dma_start3A_320 : memref<1x1x100xi32, #tpu.memory_space<vmem>> -> memref<100xi32, #tpu.memory_space<vmem>>
      %dma_start3A_322 = arith.constant 0 : i32
      %dma_start3A_323 = arith.constant 0 : i32
      %dma_start3A_324 = tpu.memref_slice %arg3[%dma_start3A_322, %dma_start3A_323] : memref<100000x64xf32, #tpu.memory_space<hbm>> -> memref<100000x64xf32, #tpu.memory_space<hbm>>
      tpu.enqueue_indirect_dma source(%dma_start3A_324 : memref<100000x64xf32, #tpu.memory_space<hbm>>) target(%dma_start3A_318 : memref<100x64xf32, #tpu.memory_space<vmem>>) offsets(%dma_start3A_321 : memref<100xi32, #tpu.memory_space<vmem>>) semaphore(%arg14 : memref<!tpu.dma_semaphore, #tpu.memory_space<semaphore_mem>>)
      %dma_start3A_325 = arith.constant 1 : i32
      %dma_start3A_326 = arith.constant 1 : i32
      %dma_start3A_327 = arith.constant 1 : i32
      %dma_start3A_328 = arith.constant 1 : i32
      %dma_start3A_329 = arith.constant 0 : i32
      %dma_start3A_330 = arith.constant 0 : i32
      %dma_start3A_331 = tpu.memref_slice %arg7[%dma_start3A_327, %dma_start3A_328, %dma_start3A_329, %dma_start3A_330] : memref<4x4x100x64xf32, #tpu.memory_space<vmem>> -> memref<1x1x100x64xf32, #tpu.memory_space<vmem>>
      %dma_start3A_332 = tpu.memref_squeeze %dma_start3A_331 : memref<1x1x100x64xf32, #tpu.memory_space<vmem>> -> memref<100x64xf32, #tpu.memory_space<vmem>>
      %dma_start3A_333 = arith.constant 0 : i32
      %dma_start3A_334 = tpu.memref_slice %arg6[%dma_start3A_325, %dma_start3A_326, %dma_start3A_333] : memref<4x4x100xi32, #tpu.memory_space<vmem>> -> memref<1x1x100xi32, #tpu.memory_space<vmem>>
      %dma_start3A_335 = tpu.memref_squeeze %dma_start3A_334 : memref<1x1x100xi32, #tpu.memory_space<vmem>> -> memref<100xi32, #tpu.memory_space<vmem>>
      %dma_start3A_336 = arith.constant 0 : i32
      %dma_start3A_337 = arith.constant 0 : i32
      %dma_start3A_338 = tpu.memref_slice %arg3[%dma_start3A_336, %dma_start3A_337] : memref<100000x64xf32, #tpu.memory_space<hbm>> -> memref<100000x64xf32, #tpu.memory_space<hbm>>
      tpu.enqueue_indirect_dma source(%dma_start3A_338 : memref<100000x64xf32, #tpu.memory_space<hbm>>) target(%dma_start3A_332 : memref<100x64xf32, #tpu.memory_space<vmem>>) offsets(%dma_start3A_335 : memref<100xi32, #tpu.memory_space<vmem>>) semaphore(%arg14 : memref<!tpu.dma_semaphore, #tpu.memory_space<semaphore_mem>>)
      %dma_start3A_339 = arith.constant 1 : i32
      %dma_start3A_340 = arith.constant 2 : i32
      %dma_start3A_341 = arith.constant 1 : i32
      %dma_start3A_342 = arith.constant 2 : i32
      %dma_start3A_343 = arith.constant 0 : i32
      %dma_start3A_344 = arith.constant 0 : i32
      %dma_start3A_345 = tpu.memref_slice %arg7[%dma_start3A_341, %dma_start3A_342, %dma_start3A_343, %dma_start3A_344] : memref<4x4x100x64xf32, #tpu.memory_space<vmem>> -> memref<1x1x100x64xf32, #tpu.memory_space<vmem>>
      %dma_start3A_346 = tpu.memref_squeeze %dma_start3A_345 : memref<1x1x100x64xf32, #tpu.memory_space<vmem>> -> memref<100x64xf32, #tpu.memory_space<vmem>>
      %dma_start3A_347 = arith.constant 0 : i32
      %dma_start3A_348 = tpu.memref_slice %arg6[%dma_start3A_339, %dma_start3A_340, %dma_start3A_347] : memref<4x4x100xi32, #tpu.memory_space<vmem>> -> memref<1x1x100xi32, #tpu.memory_space<vmem>>
      %dma_start3A_349 = tpu.memref_squeeze %dma_start3A_348 : memref<1x1x100xi32, #tpu.memory_space<vmem>> -> memref<100xi32, #tpu.memory_space<vmem>>
      %dma_start3A_350 = arith.constant 0 : i32
      %dma_start3A_351 = arith.constant 0 : i32
      %dma_start3A_352 = tpu.memref_slice %arg3[%dma_start3A_350, %dma_start3A_351] : memref<100000x64xf32, #tpu.memory_space<hbm>> -> memref<100000x64xf32, #tpu.memory_space<hbm>>
      tpu.enqueue_indirect_dma source(%dma_start3A_352 : memref<100000x64xf32, #tpu.memory_space<hbm>>) target(%dma_start3A_346 : memref<100x64xf32, #tpu.memory_space<vmem>>) offsets(%dma_start3A_349 : memref<100xi32, #tpu.memory_space<vmem>>) semaphore(%arg14 : memref<!tpu.dma_semaphore, #tpu.memory_space<semaphore_mem>>)
      %dma_start3A_353 = arith.constant 1 : i32
      %dma_start3A_354 = arith.constant 3 : i32
      %dma_start3A_355 = arith.constant 1 : i32
      %dma_start3A_356 = arith.constant 3 : i32
      %dma_start3A_357 = arith.constant 0 : i32
      %dma_start3A_358 = arith.constant 0 : i32
      %dma_start3A_359 = tpu.memref_slice %arg7[%dma_start3A_355, %dma_start3A_356, %dma_start3A_357, %dma_start3A_358] : memref<4x4x100x64xf32, #tpu.memory_space<vmem>> -> memref<1x1x100x64xf32, #tpu.memory_space<vmem>>
      %dma_start3A_360 = tpu.memref_squeeze %dma_start3A_359 : memref<1x1x100x64xf32, #tpu.memory_space<vmem>> -> memref<100x64xf32, #tpu.memory_space<vmem>>
      %dma_start3A_361 = arith.constant 0 : i32
      %dma_start3A_362 = tpu.memref_slice %arg6[%dma_start3A_353, %dma_start3A_354, %dma_start3A_361] : memref<4x4x100xi32, #tpu.memory_space<vmem>> -> memref<1x1x100xi32, #tpu.memory_space<vmem>>
      %dma_start3A_363 = tpu.memref_squeeze %dma_start3A_362 : memref<1x1x100xi32, #tpu.memory_space<vmem>> -> memref<100xi32, #tpu.memory_space<vmem>>
      %dma_start3A_364 = arith.constant 0 : i32
      %dma_start3A_365 = arith.constant 0 : i32
      %dma_start3A_366 = tpu.memref_slice %arg3[%dma_start3A_364, %dma_start3A_365] : memref<100000x64xf32, #tpu.memory_space<hbm>> -> memref<100000x64xf32, #tpu.memory_space<hbm>>
      tpu.enqueue_indirect_dma source(%dma_start3A_366 : memref<100000x64xf32, #tpu.memory_space<hbm>>) target(%dma_start3A_360 : memref<100x64xf32, #tpu.memory_space<vmem>>) offsets(%dma_start3A_363 : memref<100xi32, #tpu.memory_space<vmem>>) semaphore(%arg14 : memref<!tpu.dma_semaphore, #tpu.memory_space<semaphore_mem>>)
      %dma_wait3A_367 = arith.constant 0 : i32
      %dma_wait3A_368 = arith.constant 0 : i32
      %dma_wait3A_369 = arith.constant 0 : i32
      %dma_wait3A_370 = arith.constant 0 : i32
      %dma_wait3A_371 = arith.constant 0 : i32
      %dma_wait3A_372 = arith.constant 0 : i32
      %dma_wait3A_373 = tpu.memref_slice %arg7[%dma_wait3A_369, %dma_wait3A_370, %dma_wait3A_371, %dma_wait3A_372] : memref<4x4x100x64xf32, #tpu.memory_space<vmem>> -> memref<1x1x100x64xf32, #tpu.memory_space<vmem>>
      %dma_wait3A_374 = tpu.memref_squeeze %dma_wait3A_373 : memref<1x1x100x64xf32, #tpu.memory_space<vmem>> -> memref<100x64xf32, #tpu.memory_space<vmem>>
      %dma_wait3A_375 = arith.constant 0 : i32
      %dma_wait3A_376 = tpu.memref_slice %arg6[%dma_wait3A_367, %dma_wait3A_368, %dma_wait3A_375] : memref<4x4x100xi32, #tpu.memory_space<vmem>> -> memref<1x1x100xi32, #tpu.memory_space<vmem>>
      %dma_wait3A_377 = tpu.memref_squeeze %dma_wait3A_376 : memref<1x1x100xi32, #tpu.memory_space<vmem>> -> memref<100xi32, #tpu.memory_space<vmem>>
      %dma_wait3A_378 = arith.constant 0 : i32
      %dma_wait3A_379 = arith.constant 0 : i32
      %dma_wait3A_380 = tpu.memref_slice %arg3[%dma_wait3A_378, %dma_wait3A_379] : memref<100000x64xf32, #tpu.memory_space<hbm>> -> memref<100000x64xf32, #tpu.memory_space<hbm>>
      tpu.wait_indirect_dma semaphore(%arg13 : memref<!tpu.dma_semaphore, #tpu.memory_space<semaphore_mem>>) src(%dma_wait3A_380 : memref<100000x64xf32, #tpu.memory_space<hbm>>) dst(%dma_wait3A_374 : memref<100x64xf32, #tpu.memory_space<vmem>>)
      %dma_wait3A_381 = arith.constant 0 : i32
      %dma_wait3A_382 = arith.constant 1 : i32
      %dma_wait3A_383 = arith.constant 0 : i32
      %dma_wait3A_384 = arith.constant 1 : i32
      %dma_wait3A_385 = arith.constant 0 : i32
      %dma_wait3A_386 = arith.constant 0 : i32
      %dma_wait3A_387 = tpu.memref_slice %arg7[%dma_wait3A_383, %dma_wait3A_384, %dma_wait3A_385, %dma_wait3A_386] : memref<4x4x100x64xf32, #tpu.memory_space<vmem>> -> memref<1x1x100x64xf32, #tpu.memory_space<vmem>>
      %dma_wait3A_388 = tpu.memref_squeeze %dma_wait3A_387 : memref<1x1x100x64xf32, #tpu.memory_space<vmem>> -> memref<100x64xf32, #tpu.memory_space<vmem>>
      %dma_wait3A_389 = arith.constant 0 : i32
      %dma_wait3A_390 = tpu.memref_slice %arg6[%dma_wait3A_381, %dma_wait3A_382, %dma_wait3A_389] : memref<4x4x100xi32, #tpu.memory_space<vmem>> -> memref<1x1x100xi32, #tpu.memory_space<vmem>>
      %dma_wait3A_391 = tpu.memref_squeeze %dma_wait3A_390 : memref<1x1x100xi32, #tpu.memory_space<vmem>> -> memref<100xi32, #tpu.memory_space<vmem>>
      %dma_wait3A_392 = arith.constant 0 : i32
      %dma_wait3A_393 = arith.constant 0 : i32
      %dma_wait3A_394 = tpu.memref_slice %arg3[%dma_wait3A_392, %dma_wait3A_393] : memref<100000x64xf32, #tpu.memory_space<hbm>> -> memref<100000x64xf32, #tpu.memory_space<hbm>>
      tpu.wait_indirect_dma semaphore(%arg13 : memref<!tpu.dma_semaphore, #tpu.memory_space<semaphore_mem>>) src(%dma_wait3A_394 : memref<100000x64xf32, #tpu.memory_space<hbm>>) dst(%dma_wait3A_388 : memref<100x64xf32, #tpu.memory_space<vmem>>)
      %dma_wait3A_395 = arith.constant 0 : i32
      %dma_wait3A_396 = arith.constant 2 : i32
      %dma_wait3A_397 = arith.constant 0 : i32
      %dma_wait3A_398 = arith.constant 2 : i32
      %dma_wait3A_399 = arith.constant 0 : i32
      %dma_wait3A_400 = arith.constant 0 : i32
      %dma_wait3A_401 = tpu.memref_slice %arg7[%dma_wait3A_397, %dma_wait3A_398, %dma_wait3A_399, %dma_wait3A_400] : memref<4x4x100x64xf32, #tpu.memory_space<vmem>> -> memref<1x1x100x64xf32, #tpu.memory_space<vmem>>
      %dma_wait3A_402 = tpu.memref_squeeze %dma_wait3A_401 : memref<1x1x100x64xf32, #tpu.memory_space<vmem>> -> memref<100x64xf32, #tpu.memory_space<vmem>>
      %dma_wait3A_403 = arith.constant 0 : i32
      %dma_wait3A_404 = tpu.memref_slice %arg6[%dma_wait3A_395, %dma_wait3A_396, %dma_wait3A_403] : memref<4x4x100xi32, #tpu.memory_space<vmem>> -> memref<1x1x100xi32, #tpu.memory_space<vmem>>
      %dma_wait3A_405 = tpu.memref_squeeze %dma_wait3A_404 : memref<1x1x100xi32, #tpu.memory_space<vmem>> -> memref<100xi32, #tpu.memory_space<vmem>>
      %dma_wait3A_406 = arith.constant 0 : i32
      %dma_wait3A_407 = arith.constant 0 : i32
      %dma_wait3A_408 = tpu.memref_slice %arg3[%dma_wait3A_406, %dma_wait3A_407] : memref<100000x64xf32, #tpu.memory_space<hbm>> -> memref<100000x64xf32, #tpu.memory_space<hbm>>
      tpu.wait_indirect_dma semaphore(%arg13 : memref<!tpu.dma_semaphore, #tpu.memory_space<semaphore_mem>>) src(%dma_wait3A_408 : memref<100000x64xf32, #tpu.memory_space<hbm>>) dst(%dma_wait3A_402 : memref<100x64xf32, #tpu.memory_space<vmem>>)
      %dma_wait3A_409 = arith.constant 0 : i32
      %dma_wait3A_410 = arith.constant 3 : i32
      %dma_wait3A_411 = arith.constant 0 : i32
      %dma_wait3A_412 = arith.constant 3 : i32
      %dma_wait3A_413 = arith.constant 0 : i32
      %dma_wait3A_414 = arith.constant 0 : i32
      %dma_wait3A_415 = tpu.memref_slice %arg7[%dma_wait3A_411, %dma_wait3A_412, %dma_wait3A_413, %dma_wait3A_414] : memref<4x4x100x64xf32, #tpu.memory_space<vmem>> -> memref<1x1x100x64xf32, #tpu.memory_space<vmem>>
      %dma_wait3A_416 = tpu.memref_squeeze %dma_wait3A_415 : memref<1x1x100x64xf32, #tpu.memory_space<vmem>> -> memref<100x64xf32, #tpu.memory_space<vmem>>
      %dma_wait3A_417 = arith.constant 0 : i32
      %dma_wait3A_418 = tpu.memref_slice %arg6[%dma_wait3A_409, %dma_wait3A_410, %dma_wait3A_417] : memref<4x4x100xi32, #tpu.memory_space<vmem>> -> memref<1x1x100xi32, #tpu.memory_space<vmem>>
      %dma_wait3A_419 = tpu.memref_squeeze %dma_wait3A_418 : memref<1x1x100xi32, #tpu.memory_space<vmem>> -> memref<100xi32, #tpu.memory_space<vmem>>
      %dma_wait3A_420 = arith.constant 0 : i32
      %dma_wait3A_421 = arith.constant 0 : i32
      %dma_wait3A_422 = tpu.memref_slice %arg3[%dma_wait3A_420, %dma_wait3A_421] : memref<100000x64xf32, #tpu.memory_space<hbm>> -> memref<100000x64xf32, #tpu.memory_space<hbm>>
      tpu.wait_indirect_dma semaphore(%arg13 : memref<!tpu.dma_semaphore, #tpu.memory_space<semaphore_mem>>) src(%dma_wait3A_422 : memref<100000x64xf32, #tpu.memory_space<hbm>>) dst(%dma_wait3A_416 : memref<100x64xf32, #tpu.memory_space<vmem>>)
      %scan3A_423 = arith.constant 0 : i32
      %scan3A_424 = arith.constant 100 : i32
      %scan3A_425 = arith.addi %scan3A_423, %scan3A_424 : i32
      %scan3A_426 = arith.constant 1 : i32
      scf.for %scan3A_797 = %scan3A_423 to %scan3A_425 step %scan3A_426  : i32 {
        %mul3A_798 = arith.constant 1 : i32
        %mul3A_799 = arith.muli %scan3A_797, %mul3A_798 : i32
        %add3A_800 = arith.constant 0 : i32
        %add3A_801 = arith.addi %add3A_800, %mul3A_799 : i32
        %get3A = arith.constant 0 : i32
        %get3A_802 = arith.index_cast %get3A : i32 to index
        %get3A_803 = arith.index_cast %add3A_801 : i32 to index
        %get3A_804 = arith.constant 0 : index
        %get3A_805 = tpu.vector_load %arg8[%get3A_802, %get3A_803, %get3A_804] {strides = array<i32>} : memref<4x100x64xf32, #tpu.memory_space<vmem>>, vector<1x1x16xf32>,
        %get3A_806 = vector.shape_cast %get3A_805 : vector<1x1x16xf32> to vector<16xf32>
        %swap3A = arith.constant 0 : i32
        %swap3A_807 = arith.constant 0 : i32
        %swap3A_808 = arith.index_cast %swap3A : i32 to index
        %swap3A_809 = arith.index_cast %swap3A_807 : i32 to index
        %swap3A_810 = arith.index_cast %add3A_801 : i32 to index
        %swap3A_811 = arith.constant 0 : index
        %swap3A_812 = tpu.vector_load %arg7[%swap3A_808, %swap3A_809, %swap3A_810, %swap3A_811] {strides = array<i32>} : memref<4x4x100x64xf32, #tpu.memory_space<vmem>>, vector<1x1x1x16xf32>,
        %swap3A_813 = vector.shape_cast %swap3A_812 : vector<1x1x1x16xf32> to vector<16xf32>
        %swap3A_814 = vector.shape_cast %get3A_806 : vector<16xf32> to vector<1x1x1x16xf32>
        tpu.vector_store %arg7[%swap3A_808, %swap3A_809, %swap3A_810, %swap3A_811], %swap3A_814 {add = true, strides = array<i32>} : memref<4x4x100x64xf32, #tpu.memory_space<vmem>>, vector<1x1x1x16xf32>,
        %get3A_815 = arith.constant 0 : i32
        %get3A_816 = arith.index_cast %get3A_815 : i32 to index
        %get3A_817 = arith.index_cast %add3A_801 : i32 to index
        %get3A_818 = arith.constant 16 : index
        %get3A_819 = tpu.vector_load %arg8[%get3A_816, %get3A_817, %get3A_818] {strides = array<i32>} : memref<4x100x64xf32, #tpu.memory_space<vmem>>, vector<1x1x16xf32>,
        %get3A_820 = vector.shape_cast %get3A_819 : vector<1x1x16xf32> to vector<16xf32>
        %swap3A_821 = arith.constant 0 : i32
        %swap3A_822 = arith.constant 0 : i32
        %swap3A_823 = arith.index_cast %swap3A_821 : i32 to index
        %swap3A_824 = arith.index_cast %swap3A_822 : i32 to index
        %swap3A_825 = arith.index_cast %add3A_801 : i32 to index
        %swap3A_826 = arith.constant 16 : index
        %swap3A_827 = tpu.vector_load %arg7[%swap3A_823, %swap3A_824, %swap3A_825, %swap3A_826] {strides = array<i32>} : memref<4x4x100x64xf32, #tpu.memory_space<vmem>>, vector<1x1x1x16xf32>,
        %swap3A_828 = vector.shape_cast %swap3A_827 : vector<1x1x1x16xf32> to vector<16xf32>
        %swap3A_829 = vector.shape_cast %get3A_820 : vector<16xf32> to vector<1x1x1x16xf32>
        tpu.vector_store %arg7[%swap3A_823, %swap3A_824, %swap3A_825, %swap3A_826], %swap3A_829 {add = true, strides = array<i32>} : memref<4x4x100x64xf32, #tpu.memory_space<vmem>>, vector<1x1x1x16xf32>,
        %get3A_830 = arith.constant 0 : i32
        %get3A_831 = arith.index_cast %get3A_830 : i32 to index
        %get3A_832 = arith.index_cast %add3A_801 : i32 to index
        %get3A_833 = arith.constant 32 : index
        %get3A_834 = tpu.vector_load %arg8[%get3A_831, %get3A_832, %get3A_833] {strides = array<i32>} : memref<4x100x64xf32, #tpu.memory_space<vmem>>, vector<1x1x16xf32>,
        %get3A_835 = vector.shape_cast %get3A_834 : vector<1x1x16xf32> to vector<16xf32>
        %swap3A_836 = arith.constant 0 : i32
        %swap3A_837 = arith.constant 0 : i32
        %swap3A_838 = arith.index_cast %swap3A_836 : i32 to index
        %swap3A_839 = arith.index_cast %swap3A_837 : i32 to index
        %swap3A_840 = arith.index_cast %add3A_801 : i32 to index
        %swap3A_841 = arith.constant 32 : index
        %swap3A_842 = tpu.vector_load %arg7[%swap3A_838, %swap3A_839, %swap3A_840, %swap3A_841] {strides = array<i32>} : memref<4x4x100x64xf32, #tpu.memory_space<vmem>>, vector<1x1x1x16xf32>,
        %swap3A_843 = vector.shape_cast %swap3A_842 : vector<1x1x1x16xf32> to vector<16xf32>
        %swap3A_844 = vector.shape_cast %get3A_835 : vector<16xf32> to vector<1x1x1x16xf32>
        tpu.vector_store %arg7[%swap3A_838, %swap3A_839, %swap3A_840, %swap3A_841], %swap3A_844 {add = true, strides = array<i32>} : memref<4x4x100x64xf32, #tpu.memory_space<vmem>>, vector<1x1x1x16xf32>,
        %get3A_845 = arith.constant 0 : i32
        %get3A_846 = arith.index_cast %get3A_845 : i32 to index
        %get3A_847 = arith.index_cast %add3A_801 : i32 to index
        %get3A_848 = arith.constant 48 : index
        %get3A_849 = tpu.vector_load %arg8[%get3A_846, %get3A_847, %get3A_848] {strides = array<i32>} : memref<4x100x64xf32, #tpu.memory_space<vmem>>, vector<1x1x16xf32>,
        %get3A_850 = vector.shape_cast %get3A_849 : vector<1x1x16xf32> to vector<16xf32>
        %swap3A_851 = arith.constant 0 : i32
        %swap3A_852 = arith.constant 0 : i32
        %swap3A_853 = arith.index_cast %swap3A_851 : i32 to index
        %swap3A_854 = arith.index_cast %swap3A_852 : i32 to index
        %swap3A_855 = arith.index_cast %add3A_801 : i32 to index
        %swap3A_856 = arith.constant 48 : index
        %swap3A_857 = tpu.vector_load %arg7[%swap3A_853, %swap3A_854, %swap3A_855, %swap3A_856] {strides = array<i32>} : memref<4x4x100x64xf32, #tpu.memory_space<vmem>>, vector<1x1x1x16xf32>,
        %swap3A_858 = vector.shape_cast %swap3A_857 : vector<1x1x1x16xf32> to vector<16xf32>
        %swap3A_859 = vector.shape_cast %get3A_850 : vector<16xf32> to vector<1x1x1x16xf32>
        tpu.vector_store %arg7[%swap3A_853, %swap3A_854, %swap3A_855, %swap3A_856], %swap3A_859 {add = true, strides = array<i32>} : memref<4x4x100x64xf32, #tpu.memory_space<vmem>>, vector<1x1x1x16xf32>,
        %get3A_860 = arith.constant 1 : i32
        %get3A_861 = arith.index_cast %get3A_860 : i32 to index
        %get3A_862 = arith.index_cast %add3A_801 : i32 to index
        %get3A_863 = arith.constant 0 : index
        %get3A_864 = tpu.vector_load %arg8[%get3A_861, %get3A_862, %get3A_863] {strides = array<i32>} : memref<4x100x64xf32, #tpu.memory_space<vmem>>, vector<1x1x16xf32>,
        %get3A_865 = vector.shape_cast %get3A_864 : vector<1x1x16xf32> to vector<16xf32>
        %swap3A_866 = arith.constant 0 : i32
        %swap3A_867 = arith.constant 1 : i32
        %swap3A_868 = arith.index_cast %swap3A_866 : i32 to index
        %swap3A_869 = arith.index_cast %swap3A_867 : i32 to index
        %swap3A_870 = arith.index_cast %add3A_801 : i32 to index
        %swap3A_871 = arith.constant 0 : index
        %swap3A_872 = tpu.vector_load %arg7[%swap3A_868, %swap3A_869, %swap3A_870, %swap3A_871] {strides = array<i32>} : memref<4x4x100x64xf32, #tpu.memory_space<vmem>>, vector<1x1x1x16xf32>,
        %swap3A_873 = vector.shape_cast %swap3A_872 : vector<1x1x1x16xf32> to vector<16xf32>
        %swap3A_874 = vector.shape_cast %get3A_865 : vector<16xf32> to vector<1x1x1x16xf32>
        tpu.vector_store %arg7[%swap3A_868, %swap3A_869, %swap3A_870, %swap3A_871], %swap3A_874 {add = true, strides = array<i32>} : memref<4x4x100x64xf32, #tpu.memory_space<vmem>>, vector<1x1x1x16xf32>,
        %get3A_875 = arith.constant 1 : i32
        %get3A_876 = arith.index_cast %get3A_875 : i32 to index
        %get3A_877 = arith.index_cast %add3A_801 : i32 to index
        %get3A_878 = arith.constant 16 : index
        %get3A_879 = tpu.vector_load %arg8[%get3A_876, %get3A_877, %get3A_878] {strides = array<i32>} : memref<4x100x64xf32, #tpu.memory_space<vmem>>, vector<1x1x16xf32>,
        %get3A_880 = vector.shape_cast %get3A_879 : vector<1x1x16xf32> to vector<16xf32>
        %swap3A_881 = arith.constant 0 : i32
        %swap3A_882 = arith.constant 1 : i32
        %swap3A_883 = arith.index_cast %swap3A_881 : i32 to index
        %swap3A_884 = arith.index_cast %swap3A_882 : i32 to index
        %swap3A_885 = arith.index_cast %add3A_801 : i32 to index
        %swap3A_886 = arith.constant 16 : index
        %swap3A_887 = tpu.vector_load %arg7[%swap3A_883, %swap3A_884, %swap3A_885, %swap3A_886] {strides = array<i32>} : memref<4x4x100x64xf32, #tpu.memory_space<vmem>>, vector<1x1x1x16xf32>,
        %swap3A_888 = vector.shape_cast %swap3A_887 : vector<1x1x1x16xf32> to vector<16xf32>
        %swap3A_889 = vector.shape_cast %get3A_880 : vector<16xf32> to vector<1x1x1x16xf32>
        tpu.vector_store %arg7[%swap3A_883, %swap3A_884, %swap3A_885, %swap3A_886], %swap3A_889 {add = true, strides = array<i32>} : memref<4x4x100x64xf32, #tpu.memory_space<vmem>>, vector<1x1x1x16xf32>,
        %get3A_890 = arith.constant 1 : i32
        %get3A_891 = arith.index_cast %get3A_890 : i32 to index
        %get3A_892 = arith.index_cast %add3A_801 : i32 to index
        %get3A_893 = arith.constant 32 : index
        %get3A_894 = tpu.vector_load %arg8[%get3A_891, %get3A_892, %get3A_893] {strides = array<i32>} : memref<4x100x64xf32, #tpu.memory_space<vmem>>, vector<1x1x16xf32>,
        %get3A_895 = vector.shape_cast %get3A_894 : vector<1x1x16xf32> to vector<16xf32>
        %swap3A_896 = arith.constant 0 : i32
        %swap3A_897 = arith.constant 1 : i32
        %swap3A_898 = arith.index_cast %swap3A_896 : i32 to index
        %swap3A_899 = arith.index_cast %swap3A_897 : i32 to index
        %swap3A_900 = arith.index_cast %add3A_801 : i32 to index
        %swap3A_901 = arith.constant 32 : index
        %swap3A_902 = tpu.vector_load %arg7[%swap3A_898, %swap3A_899, %swap3A_900, %swap3A_901] {strides = array<i32>} : memref<4x4x100x64xf32, #tpu.memory_space<vmem>>, vector<1x1x1x16xf32>,
        %swap3A_903 = vector.shape_cast %swap3A_902 : vector<1x1x1x16xf32> to vector<16xf32>
        %swap3A_904 = vector.shape_cast %get3A_895 : vector<16xf32> to vector<1x1x1x16xf32>
        tpu.vector_store %arg7[%swap3A_898, %swap3A_899, %swap3A_900, %swap3A_901], %swap3A_904 {add = true, strides = array<i32>} : memref<4x4x100x64xf32, #tpu.memory_space<vmem>>, vector<1x1x1x16xf32>,
        %get3A_905 = arith.constant 1 : i32
        %get3A_906 = arith.index_cast %get3A_905 : i32 to index
        %get3A_907 = arith.index_cast %add3A_801 : i32 to index
        %get3A_908 = arith.constant 48 : index
        %get3A_909 = tpu.vector_load %arg8[%get3A_906, %get3A_907, %get3A_908] {strides = array<i32>} : memref<4x100x64xf32, #tpu.memory_space<vmem>>, vector<1x1x16xf32>,
        %get3A_910 = vector.shape_cast %get3A_909 : vector<1x1x16xf32> to vector<16xf32>
        %swap3A_911 = arith.constant 0 : i32
        %swap3A_912 = arith.constant 1 : i32
        %swap3A_913 = arith.index_cast %swap3A_911 : i32 to index
        %swap3A_914 = arith.index_cast %swap3A_912 : i32 to index
        %swap3A_915 = arith.index_cast %add3A_801 : i32 to index
        %swap3A_916 = arith.constant 48 : index
        %swap3A_917 = tpu.vector_load %arg7[%swap3A_913, %swap3A_914, %swap3A_915, %swap3A_916] {strides = array<i32>} : memref<4x4x100x64xf32, #tpu.memory_space<vmem>>, vector<1x1x1x16xf32>,
        %swap3A_918 = vector.shape_cast %swap3A_917 : vector<1x1x1x16xf32> to vector<16xf32>
        %swap3A_919 = vector.shape_cast %get3A_910 : vector<16xf32> to vector<1x1x1x16xf32>
        tpu.vector_store %arg7[%swap3A_913, %swap3A_914, %swap3A_915, %swap3A_916], %swap3A_919 {add = true, strides = array<i32>} : memref<4x4x100x64xf32, #tpu.memory_space<vmem>>, vector<1x1x1x16xf32>,
        %get3A_920 = arith.constant 2 : i32
        %get3A_921 = arith.index_cast %get3A_920 : i32 to index
        %get3A_922 = arith.index_cast %add3A_801 : i32 to index
        %get3A_923 = arith.constant 0 : index
        %get3A_924 = tpu.vector_load %arg8[%get3A_921, %get3A_922, %get3A_923] {strides = array<i32>} : memref<4x100x64xf32, #tpu.memory_space<vmem>>, vector<1x1x16xf32>,
        %get3A_925 = vector.shape_cast %get3A_924 : vector<1x1x16xf32> to vector<16xf32>
        %swap3A_926 = arith.constant 0 : i32
        %swap3A_927 = arith.constant 2 : i32
        %swap3A_928 = arith.index_cast %swap3A_926 : i32 to index
        %swap3A_929 = arith.index_cast %swap3A_927 : i32 to index
        %swap3A_930 = arith.index_cast %add3A_801 : i32 to index
        %swap3A_931 = arith.constant 0 : index
        %swap3A_932 = tpu.vector_load %arg7[%swap3A_928, %swap3A_929, %swap3A_930, %swap3A_931] {strides = array<i32>} : memref<4x4x100x64xf32, #tpu.memory_space<vmem>>, vector<1x1x1x16xf32>,
        %swap3A_933 = vector.shape_cast %swap3A_932 : vector<1x1x1x16xf32> to vector<16xf32>
        %swap3A_934 = vector.shape_cast %get3A_925 : vector<16xf32> to vector<1x1x1x16xf32>
        tpu.vector_store %arg7[%swap3A_928, %swap3A_929, %swap3A_930, %swap3A_931], %swap3A_934 {add = true, strides = array<i32>} : memref<4x4x100x64xf32, #tpu.memory_space<vmem>>, vector<1x1x1x16xf32>,
        %get3A_935 = arith.constant 2 : i32
        %get3A_936 = arith.index_cast %get3A_935 : i32 to index
        %get3A_937 = arith.index_cast %add3A_801 : i32 to index
        %get3A_938 = arith.constant 16 : index
        %get3A_939 = tpu.vector_load %arg8[%get3A_936, %get3A_937, %get3A_938] {strides = array<i32>} : memref<4x100x64xf32, #tpu.memory_space<vmem>>, vector<1x1x16xf32>,
        %get3A_940 = vector.shape_cast %get3A_939 : vector<1x1x16xf32> to vector<16xf32>
        %swap3A_941 = arith.constant 0 : i32
        %swap3A_942 = arith.constant 2 : i32
        %swap3A_943 = arith.index_cast %swap3A_941 : i32 to index
        %swap3A_944 = arith.index_cast %swap3A_942 : i32 to index
        %swap3A_945 = arith.index_cast %add3A_801 : i32 to index
        %swap3A_946 = arith.constant 16 : index
        %swap3A_947 = tpu.vector_load %arg7[%swap3A_943, %swap3A_944, %swap3A_945, %swap3A_946] {strides = array<i32>} : memref<4x4x100x64xf32, #tpu.memory_space<vmem>>, vector<1x1x1x16xf32>,
        %swap3A_948 = vector.shape_cast %swap3A_947 : vector<1x1x1x16xf32> to vector<16xf32>
        %swap3A_949 = vector.shape_cast %get3A_940 : vector<16xf32> to vector<1x1x1x16xf32>
        tpu.vector_store %arg7[%swap3A_943, %swap3A_944, %swap3A_945, %swap3A_946], %swap3A_949 {add = true, strides = array<i32>} : memref<4x4x100x64xf32, #tpu.memory_space<vmem>>, vector<1x1x1x16xf32>,
        %get3A_950 = arith.constant 2 : i32
        %get3A_951 = arith.index_cast %get3A_950 : i32 to index
        %get3A_952 = arith.index_cast %add3A_801 : i32 to index
        %get3A_953 = arith.constant 32 : index
        %get3A_954 = tpu.vector_load %arg8[%get3A_951, %get3A_952, %get3A_953] {strides = array<i32>} : memref<4x100x64xf32, #tpu.memory_space<vmem>>, vector<1x1x16xf32>,
        %get3A_955 = vector.shape_cast %get3A_954 : vector<1x1x16xf32> to vector<16xf32>
        %swap3A_956 = arith.constant 0 : i32
        %swap3A_957 = arith.constant 2 : i32
        %swap3A_958 = arith.index_cast %swap3A_956 : i32 to index
        %swap3A_959 = arith.index_cast %swap3A_957 : i32 to index
        %swap3A_960 = arith.index_cast %add3A_801 : i32 to index
        %swap3A_961 = arith.constant 32 : index
        %swap3A_962 = tpu.vector_load %arg7[%swap3A_958, %swap3A_959, %swap3A_960, %swap3A_961] {strides = array<i32>} : memref<4x4x100x64xf32, #tpu.memory_space<vmem>>, vector<1x1x1x16xf32>,
        %swap3A_963 = vector.shape_cast %swap3A_962 : vector<1x1x1x16xf32> to vector<16xf32>
        %swap3A_964 = vector.shape_cast %get3A_955 : vector<16xf32> to vector<1x1x1x16xf32>
        tpu.vector_store %arg7[%swap3A_958, %swap3A_959, %swap3A_960, %swap3A_961], %swap3A_964 {add = true, strides = array<i32>} : memref<4x4x100x64xf32, #tpu.memory_space<vmem>>, vector<1x1x1x16xf32>,
        %get3A_965 = arith.constant 2 : i32
        %get3A_966 = arith.index_cast %get3A_965 : i32 to index
        %get3A_967 = arith.index_cast %add3A_801 : i32 to index
        %get3A_968 = arith.constant 48 : index
        %get3A_969 = tpu.vector_load %arg8[%get3A_966, %get3A_967, %get3A_968] {strides = array<i32>} : memref<4x100x64xf32, #tpu.memory_space<vmem>>, vector<1x1x16xf32>,
        %get3A_970 = vector.shape_cast %get3A_969 : vector<1x1x16xf32> to vector<16xf32>
        %swap3A_971 = arith.constant 0 : i32
        %swap3A_972 = arith.constant 2 : i32
        %swap3A_973 = arith.index_cast %swap3A_971 : i32 to index
        %swap3A_974 = arith.index_cast %swap3A_972 : i32 to index
        %swap3A_975 = arith.index_cast %add3A_801 : i32 to index
        %swap3A_976 = arith.constant 48 : index
        %swap3A_977 = tpu.vector_load %arg7[%swap3A_973, %swap3A_974, %swap3A_975, %swap3A_976] {strides = array<i32>} : memref<4x4x100x64xf32, #tpu.memory_space<vmem>>, vector<1x1x1x16xf32>,
        %swap3A_978 = vector.shape_cast %swap3A_977 : vector<1x1x1x16xf32> to vector<16xf32>
        %swap3A_979 = vector.shape_cast %get3A_970 : vector<16xf32> to vector<1x1x1x16xf32>
        tpu.vector_store %arg7[%swap3A_973, %swap3A_974, %swap3A_975, %swap3A_976], %swap3A_979 {add = true, strides = array<i32>} : memref<4x4x100x64xf32, #tpu.memory_space<vmem>>, vector<1x1x1x16xf32>,
        %get3A_980 = arith.constant 3 : i32
        %get3A_981 = arith.index_cast %get3A_980 : i32 to index
        %get3A_982 = arith.index_cast %add3A_801 : i32 to index
        %get3A_983 = arith.constant 0 : index
        %get3A_984 = tpu.vector_load %arg8[%get3A_981, %get3A_982, %get3A_983] {strides = array<i32>} : memref<4x100x64xf32, #tpu.memory_space<vmem>>, vector<1x1x16xf32>,
        %get3A_985 = vector.shape_cast %get3A_984 : vector<1x1x16xf32> to vector<16xf32>
        %swap3A_986 = arith.constant 0 : i32
        %swap3A_987 = arith.constant 3 : i32
        %swap3A_988 = arith.index_cast %swap3A_986 : i32 to index
        %swap3A_989 = arith.index_cast %swap3A_987 : i32 to index
        %swap3A_990 = arith.index_cast %add3A_801 : i32 to index
        %swap3A_991 = arith.constant 0 : index
        %swap3A_992 = tpu.vector_load %arg7[%swap3A_988, %swap3A_989, %swap3A_990, %swap3A_991] {strides = array<i32>} : memref<4x4x100x64xf32, #tpu.memory_space<vmem>>, vector<1x1x1x16xf32>,
        %swap3A_993 = vector.shape_cast %swap3A_992 : vector<1x1x1x16xf32> to vector<16xf32>
        %swap3A_994 = vector.shape_cast %get3A_985 : vector<16xf32> to vector<1x1x1x16xf32>
        tpu.vector_store %arg7[%swap3A_988, %swap3A_989, %swap3A_990, %swap3A_991], %swap3A_994 {add = true, strides = array<i32>} : memref<4x4x100x64xf32, #tpu.memory_space<vmem>>, vector<1x1x1x16xf32>,
        %get3A_995 = arith.constant 3 : i32
        %get3A_996 = arith.index_cast %get3A_995 : i32 to index
        %get3A_997 = arith.index_cast %add3A_801 : i32 to index
        %get3A_998 = arith.constant 16 : index
        %get3A_999 = tpu.vector_load %arg8[%get3A_996, %get3A_997, %get3A_998] {strides = array<i32>} : memref<4x100x64xf32, #tpu.memory_space<vmem>>, vector<1x1x16xf32>,
        %get3A_1000 = vector.shape_cast %get3A_999 : vector<1x1x16xf32> to vector<16xf32>
        %swap3A_1001 = arith.constant 0 : i32
        %swap3A_1002 = arith.constant 3 : i32
        %swap3A_1003 = arith.index_cast %swap3A_1001 : i32 to index
        %swap3A_1004 = arith.index_cast %swap3A_1002 : i32 to index
        %swap3A_1005 = arith.index_cast %add3A_801 : i32 to index
        %swap3A_1006 = arith.constant 16 : index
        %swap3A_1007 = tpu.vector_load %arg7[%swap3A_1003, %swap3A_1004, %swap3A_1005, %swap3A_1006] {strides = array<i32>} : memref<4x4x100x64xf32, #tpu.memory_space<vmem>>, vector<1x1x1x16xf32>,
        %swap3A_1008 = vector.shape_cast %swap3A_1007 : vector<1x1x1x16xf32> to vector<16xf32>
        %swap3A_1009 = vector.shape_cast %get3A_1000 : vector<16xf32> to vector<1x1x1x16xf32>
        tpu.vector_store %arg7[%swap3A_1003, %swap3A_1004, %swap3A_1005, %swap3A_1006], %swap3A_1009 {add = true, strides = array<i32>} : memref<4x4x100x64xf32, #tpu.memory_space<vmem>>, vector<1x1x1x16xf32>,
        %get3A_1010 = arith.constant 3 : i32
        %get3A_1011 = arith.index_cast %get3A_1010 : i32 to index
        %get3A_1012 = arith.index_cast %add3A_801 : i32 to index
        %get3A_1013 = arith.constant 32 : index
        %get3A_1014 = tpu.vector_load %arg8[%get3A_1011, %get3A_1012, %get3A_1013] {strides = array<i32>} : memref<4x100x64xf32, #tpu.memory_space<vmem>>, vector<1x1x16xf32>,
        %get3A_1015 = vector.shape_cast %get3A_1014 : vector<1x1x16xf32> to vector<16xf32>
        %swap3A_1016 = arith.constant 0 : i32
        %swap3A_1017 = arith.constant 3 : i32
        %swap3A_1018 = arith.index_cast %swap3A_1016 : i32 to index
        %swap3A_1019 = arith.index_cast %swap3A_1017 : i32 to index
        %swap3A_1020 = arith.index_cast %add3A_801 : i32 to index
        %swap3A_1021 = arith.constant 32 : index
        %swap3A_1022 = tpu.vector_load %arg7[%swap3A_1018, %swap3A_1019, %swap3A_1020, %swap3A_1021] {strides = array<i32>} : memref<4x4x100x64xf32, #tpu.memory_space<vmem>>, vector<1x1x1x16xf32>,
        %swap3A_1023 = vector.shape_cast %swap3A_1022 : vector<1x1x1x16xf32> to vector<16xf32>
        %swap3A_1024 = vector.shape_cast %get3A_1015 : vector<16xf32> to vector<1x1x1x16xf32>
        tpu.vector_store %arg7[%swap3A_1018, %swap3A_1019, %swap3A_1020, %swap3A_1021], %swap3A_1024 {add = true, strides = array<i32>} : memref<4x4x100x64xf32, #tpu.memory_space<vmem>>, vector<1x1x1x16xf32>,
        %get3A_1025 = arith.constant 3 : i32
        %get3A_1026 = arith.index_cast %get3A_1025 : i32 to index
        %get3A_1027 = arith.index_cast %add3A_801 : i32 to index
        %get3A_1028 = arith.constant 48 : index
        %get3A_1029 = tpu.vector_load %arg8[%get3A_1026, %get3A_1027, %get3A_1028] {strides = array<i32>} : memref<4x100x64xf32, #tpu.memory_space<vmem>>, vector<1x1x16xf32>,
        %get3A_1030 = vector.shape_cast %get3A_1029 : vector<1x1x16xf32> to vector<16xf32>
        %swap3A_1031 = arith.constant 0 : i32
        %swap3A_1032 = arith.constant 3 : i32
        %swap3A_1033 = arith.index_cast %swap3A_1031 : i32 to index
        %swap3A_1034 = arith.index_cast %swap3A_1032 : i32 to index
        %swap3A_1035 = arith.index_cast %add3A_801 : i32 to index
        %swap3A_1036 = arith.constant 48 : index
        %swap3A_1037 = tpu.vector_load %arg7[%swap3A_1033, %swap3A_1034, %swap3A_1035, %swap3A_1036] {strides = array<i32>} : memref<4x4x100x64xf32, #tpu.memory_space<vmem>>, vector<1x1x1x16xf32>,
        %swap3A_1038 = vector.shape_cast %swap3A_1037 : vector<1x1x1x16xf32> to vector<16xf32>
        %swap3A_1039 = vector.shape_cast %get3A_1030 : vector<16xf32> to vector<1x1x1x16xf32>
        tpu.vector_store %arg7[%swap3A_1033, %swap3A_1034, %swap3A_1035, %swap3A_1036], %swap3A_1039 {add = true, strides = array<i32>} : memref<4x4x100x64xf32, #tpu.memory_space<vmem>>, vector<1x1x1x16xf32>,
      }
      %scan3A_427 = arith.constant 100 : i32
      %sub3A = arith.constant 1 : i32
      %sub3A_428 = arith.subi %add3A_295, %sub3A : i32
      %mul3A_429 = arith.constant 4 : i32
      %mul3A_430 = arith.muli %sub3A_428, %mul3A_429 : i32
      %add3A_431 = arith.addi %mul3A_2, %mul3A_430 : i32
      %dma_start3A_432 = arith.constant 0 : i32
      %dma_start3A_433 = arith.constant 0 : i32
      %dma_start3A_434 = arith.constant 0 : i32
      %dma_start3A_435 = arith.constant 0 : i32
      %dma_start3A_436 = tpu.memref_slice %arg7[%dma_start3A_432, %dma_start3A_433, %dma_start3A_434, %dma_start3A_435] : memref<4x4x100x64xf32, #tpu.memory_space<vmem>> -> memref<1x4x100x64xf32, #tpu.memory_space<vmem>>
      %dma_start3A_437 = tpu.memref_squeeze %dma_start3A_436 : memref<1x4x100x64xf32, #tpu.memory_space<vmem>> -> memref<4x100x64xf32, #tpu.memory_space<vmem>>
      %dma_start3A_438 = arith.constant 0 : i32
      %dma_start3A_439 = arith.constant 0 : i32
      %dma_start3A_440 = tpu.memref_slice %arg5[%add3A_431, %dma_start3A_438, %dma_start3A_439] : memref<8192x100x64xf32, #tpu.memory_space<hbm>> -> memref<4x100x64xf32, #tpu.memory_space<hbm>>
      %dma_start3A_441 = arith.constant 0 : i32
      %dma_start3A_442 = arith.constant 0 : i32
      %dma_start3A_443 = tpu.memref_slice %arg5[%add3A_431, %dma_start3A_441, %dma_start3A_442] : memref<8192x100x64xf32, #tpu.memory_space<hbm>> -> memref<4x100x64xf32, #tpu.memory_space<hbm>>
      %dma_start3A_444 = arith.constant 0 : i32
      %dma_start3A_445 = arith.constant 0 : i32
      %dma_start3A_446 = arith.constant 0 : i32
      %dma_start3A_447 = tpu.memref_slice %arg7[%dma_start3A_432, %dma_start3A_444, %dma_start3A_445, %dma_start3A_446] : memref<4x4x100x64xf32, #tpu.memory_space<vmem>> -> memref<1x4x100x64xf32, #tpu.memory_space<vmem>>
      %dma_start3A_448 = tpu.memref_squeeze %dma_start3A_447 : memref<1x4x100x64xf32, #tpu.memory_space<vmem>> -> memref<4x100x64xf32, #tpu.memory_space<vmem>>
      tpu.enqueue_dma source(%dma_start3A_448 : memref<4x100x64xf32, #tpu.memory_space<vmem>>) target(%dma_start3A_443 : memref<4x100x64xf32, #tpu.memory_space<hbm>>) target_semaphore(%arg17 : memref<!tpu.dma_semaphore, #tpu.memory_space<semaphore_mem>>)
      %gt3A_449 = arith.constant 0 : i32
      %gt3A_450 = arith.cmpi sgt, %add3A_195, %gt3A_449 : i32
      %convert_element_type3A_451 = arith.extui %gt3A_450 : i1 to i32
      %cond3A_452 = arith.constant 0 : i32
      %cond3A_453 = arith.cmpi ne, %convert_element_type3A_451, %cond3A_452 : i32
      scf.if %cond3A_453 {
        %dma_wait3A_797 = arith.constant 3 : i32
        %dma_wait3A_798 = arith.constant 0 : i32
        %dma_wait3A_799 = arith.constant 0 : i32
        %dma_wait3A_800 = arith.constant 0 : i32
        %dma_wait3A_801 = tpu.memref_slice %arg7[%dma_wait3A_797, %dma_wait3A_798, %dma_wait3A_799, %dma_wait3A_800] : memref<4x4x100x64xf32, #tpu.memory_space<vmem>> -> memref<1x4x100x64xf32, #tpu.memory_space<vmem>>
        %dma_wait3A_802 = tpu.memref_squeeze %dma_wait3A_801 : memref<1x4x100x64xf32, #tpu.memory_space<vmem>> -> memref<4x100x64xf32, #tpu.memory_space<vmem>>
        %dma_wait3A_803 = arith.constant 0 : i32
        %dma_wait3A_804 = arith.constant 0 : i32
        %dma_wait3A_805 = arith.constant 0 : i32
        %dma_wait3A_806 = tpu.memref_slice %arg5[%dma_wait3A_803, %dma_wait3A_804, %dma_wait3A_805] : memref<8192x100x64xf32, #tpu.memory_space<hbm>> -> memref<4x100x64xf32, #tpu.memory_space<hbm>>
        %dma_wait3A_807 = arith.constant 0 : i32
        %dma_wait3A_808 = arith.constant 0 : i32
        %dma_wait3A_809 = arith.constant 0 : i32
        %dma_wait3A_810 = tpu.memref_slice %arg5[%dma_wait3A_807, %dma_wait3A_808, %dma_wait3A_809] : memref<8192x100x64xf32, #tpu.memory_space<hbm>> -> memref<4x100x64xf32, #tpu.memory_space<hbm>>
        %dma_wait3A_811 = arith.constant 0 : i32
        %dma_wait3A_812 = arith.constant 0 : i32
        %dma_wait3A_813 = arith.constant 0 : i32
        %dma_wait3A_814 = tpu.memref_slice %arg7[%dma_wait3A_797, %dma_wait3A_811, %dma_wait3A_812, %dma_wait3A_813] : memref<4x4x100x64xf32, #tpu.memory_space<vmem>> -> memref<1x4x100x64xf32, #tpu.memory_space<vmem>>
        %dma_wait3A_815 = tpu.memref_squeeze %dma_wait3A_814 : memref<1x4x100x64xf32, #tpu.memory_space<vmem>> -> memref<4x100x64xf32, #tpu.memory_space<vmem>>
        tpu.wait_dma2 semaphore(%arg20 : memref<!tpu.dma_semaphore, #tpu.memory_space<semaphore_mem>>) src(%dma_wait3A_815 : memref<4x100x64xf32, #tpu.memory_space<vmem>>) dst(%dma_wait3A_810 : memref<4x100x64xf32, #tpu.memory_space<hbm>>)
      } else {
      }
      %add3A_454 = arith.constant 2 : i32
      %add3A_455 = arith.addi %add3A_295, %add3A_454 : i32
      %mul3A_456 = arith.constant 4 : i32
      %mul3A_457 = arith.muli %add3A_455, %mul3A_456 : i32
      %add3A_458 = arith.addi %mul3A_2, %mul3A_457 : i32
      %dma_start3A_459 = arith.constant 3 : i32
      %dma_start3A_460 = arith.constant 0 : i32
      %dma_start3A_461 = arith.constant 0 : i32
      %dma_start3A_462 = tpu.memref_slice %arg6[%dma_start3A_459, %dma_start3A_460, %dma_start3A_461] : memref<4x4x100xi32, #tpu.memory_space<vmem>> -> memref<1x4x100xi32, #tpu.memory_space<vmem>>
      %dma_start3A_463 = tpu.memref_squeeze %dma_start3A_462 : memref<1x4x100xi32, #tpu.memory_space<vmem>> -> memref<4x100xi32, #tpu.memory_space<vmem>>
      %dma_start3A_464 = arith.constant 0 : i32
      %dma_start3A_465 = tpu.memref_slice %arg2[%add3A_458, %dma_start3A_464] : memref<8192x100xi32, #tpu.memory_space<hbm>> -> memref<4x100xi32, #tpu.memory_space<hbm>>
      %dma_start3A_466 = arith.constant 0 : i32
      %dma_start3A_467 = arith.constant 0 : i32
      %dma_start3A_468 = tpu.memref_slice %arg6[%dma_start3A_459, %dma_start3A_466, %dma_start3A_467] : memref<4x4x100xi32, #tpu.memory_space<vmem>> -> memref<1x4x100xi32, #tpu.memory_space<vmem>>
      %dma_start3A_469 = tpu.memref_squeeze %dma_start3A_468 : memref<1x4x100xi32, #tpu.memory_space<vmem>> -> memref<4x100xi32, #tpu.memory_space<vmem>>
      %dma_start3A_470 = arith.constant 0 : i32
      %dma_start3A_471 = tpu.memref_slice %arg2[%add3A_458, %dma_start3A_470] : memref<8192x100xi32, #tpu.memory_space<hbm>> -> memref<4x100xi32, #tpu.memory_space<hbm>>
      tpu.enqueue_dma source(%dma_start3A_471 : memref<4x100xi32, #tpu.memory_space<hbm>>) target(%dma_start3A_469 : memref<4x100xi32, #tpu.memory_space<vmem>>) target_semaphore(%arg12 : memref<!tpu.dma_semaphore, #tpu.memory_space<semaphore_mem>>)
      %add3A_472 = arith.constant 2 : i32
      %add3A_473 = arith.addi %add3A_195, %add3A_472 : i32
      %dma_wait3A_474 = arith.constant 2 : i32
      %dma_wait3A_475 = arith.constant 0 : i32
      %dma_wait3A_476 = arith.constant 0 : i32
      %dma_wait3A_477 = tpu.memref_slice %arg6[%dma_wait3A_474, %dma_wait3A_475, %dma_wait3A_476] : memref<4x4x100xi32, #tpu.memory_space<vmem>> -> memref<1x4x100xi32, #tpu.memory_space<vmem>>
      %dma_wait3A_478 = tpu.memref_squeeze %dma_wait3A_477 : memref<1x4x100xi32, #tpu.memory_space<vmem>> -> memref<4x100xi32, #tpu.memory_space<vmem>>
      %dma_wait3A_479 = arith.constant 0 : i32
      %dma_wait3A_480 = arith.constant 0 : i32
      %dma_wait3A_481 = tpu.memref_slice %arg2[%dma_wait3A_479, %dma_wait3A_480] : memref<8192x100xi32, #tpu.memory_space<hbm>> -> memref<4x100xi32, #tpu.memory_space<hbm>>
      %dma_wait3A_482 = arith.constant 0 : i32
      %dma_wait3A_483 = arith.constant 0 : i32
      %dma_wait3A_484 = tpu.memref_slice %arg6[%dma_wait3A_474, %dma_wait3A_482, %dma_wait3A_483] : memref<4x4x100xi32, #tpu.memory_space<vmem>> -> memref<1x4x100xi32, #tpu.memory_space<vmem>>
      %dma_wait3A_485 = tpu.memref_squeeze %dma_wait3A_484 : memref<1x4x100xi32, #tpu.memory_space<vmem>> -> memref<4x100xi32, #tpu.memory_space<vmem>>
      %dma_wait3A_486 = arith.constant 0 : i32
      %dma_wait3A_487 = arith.constant 0 : i32
      %dma_wait3A_488 = tpu.memref_slice %arg2[%dma_wait3A_486, %dma_wait3A_487] : memref<8192x100xi32, #tpu.memory_space<hbm>> -> memref<4x100xi32, #tpu.memory_space<hbm>>
      tpu.wait_dma2 semaphore(%arg11 : memref<!tpu.dma_semaphore, #tpu.memory_space<semaphore_mem>>) src(%dma_wait3A_488 : memref<4x100xi32, #tpu.memory_space<hbm>>) dst(%dma_wait3A_485 : memref<4x100xi32, #tpu.memory_space<vmem>>)
      %dma_start3A_489 = arith.constant 2 : i32
      %dma_start3A_490 = arith.constant 0 : i32
      %dma_start3A_491 = arith.constant 2 : i32
      %dma_start3A_492 = arith.constant 0 : i32
      %dma_start3A_493 = arith.constant 0 : i32
      %dma_start3A_494 = arith.constant 0 : i32
      %dma_start3A_495 = tpu.memref_slice %arg7[%dma_start3A_491, %dma_start3A_492, %dma_start3A_493, %dma_start3A_494] : memref<4x4x100x64xf32, #tpu.memory_space<vmem>> -> memref<1x1x100x64xf32, #tpu.memory_space<vmem>>
      %dma_start3A_496 = tpu.memref_squeeze %dma_start3A_495 : memref<1x1x100x64xf32, #tpu.memory_space<vmem>> -> memref<100x64xf32, #tpu.memory_space<vmem>>
      %dma_start3A_497 = arith.constant 0 : i32
      %dma_start3A_498 = tpu.memref_slice %arg6[%dma_start3A_489, %dma_start3A_490, %dma_start3A_497] : memref<4x4x100xi32, #tpu.memory_space<vmem>> -> memref<1x1x100xi32, #tpu.memory_space<vmem>>
      %dma_start3A_499 = tpu.memref_squeeze %dma_start3A_498 : memref<1x1x100xi32, #tpu.memory_space<vmem>> -> memref<100xi32, #tpu.memory_space<vmem>>
      %dma_start3A_500 = arith.constant 0 : i32
      %dma_start3A_501 = arith.constant 0 : i32
      %dma_start3A_502 = tpu.memref_slice %arg3[%dma_start3A_500, %dma_start3A_501] : memref<100000x64xf32, #tpu.memory_space<hbm>> -> memref<100000x64xf32, #tpu.memory_space<hbm>>
      tpu.enqueue_indirect_dma source(%dma_start3A_502 : memref<100000x64xf32, #tpu.memory_space<hbm>>) target(%dma_start3A_496 : memref<100x64xf32, #tpu.memory_space<vmem>>) offsets(%dma_start3A_499 : memref<100xi32, #tpu.memory_space<vmem>>) semaphore(%arg15 : memref<!tpu.dma_semaphore, #tpu.memory_space<semaphore_mem>>)
      %dma_start3A_503 = arith.constant 2 : i32
      %dma_start3A_504 = arith.constant 1 : i32
      %dma_start3A_505 = arith.constant 2 : i32
      %dma_start3A_506 = arith.constant 1 : i32
      %dma_start3A_507 = arith.constant 0 : i32
      %dma_start3A_508 = arith.constant 0 : i32
      %dma_start3A_509 = tpu.memref_slice %arg7[%dma_start3A_505, %dma_start3A_506, %dma_start3A_507, %dma_start3A_508] : memref<4x4x100x64xf32, #tpu.memory_space<vmem>> -> memref<1x1x100x64xf32, #tpu.memory_space<vmem>>
      %dma_start3A_510 = tpu.memref_squeeze %dma_start3A_509 : memref<1x1x100x64xf32, #tpu.memory_space<vmem>> -> memref<100x64xf32, #tpu.memory_space<vmem>>
      %dma_start3A_511 = arith.constant 0 : i32
      %dma_start3A_512 = tpu.memref_slice %arg6[%dma_start3A_503, %dma_start3A_504, %dma_start3A_511] : memref<4x4x100xi32, #tpu.memory_space<vmem>> -> memref<1x1x100xi32, #tpu.memory_space<vmem>>
      %dma_start3A_513 = tpu.memref_squeeze %dma_start3A_512 : memref<1x1x100xi32, #tpu.memory_space<vmem>> -> memref<100xi32, #tpu.memory_space<vmem>>
      %dma_start3A_514 = arith.constant 0 : i32
      %dma_start3A_515 = arith.constant 0 : i32
      %dma_start3A_516 = tpu.memref_slice %arg3[%dma_start3A_514, %dma_start3A_515] : memref<100000x64xf32, #tpu.memory_space<hbm>> -> memref<100000x64xf32, #tpu.memory_space<hbm>>
      tpu.enqueue_indirect_dma source(%dma_start3A_516 : memref<100000x64xf32, #tpu.memory_space<hbm>>) target(%dma_start3A_510 : memref<100x64xf32, #tpu.memory_space<vmem>>) offsets(%dma_start3A_513 : memref<100xi32, #tpu.memory_space<vmem>>) semaphore(%arg15 : memref<!tpu.dma_semaphore, #tpu.memory_space<semaphore_mem>>)
      %dma_start3A_517 = arith.constant 2 : i32
      %dma_start3A_518 = arith.constant 2 : i32
      %dma_start3A_519 = arith.constant 2 : i32
      %dma_start3A_520 = arith.constant 2 : i32
      %dma_start3A_521 = arith.constant 0 : i32
      %dma_start3A_522 = arith.constant 0 : i32
      %dma_start3A_523 = tpu.memref_slice %arg7[%dma_start3A_519, %dma_start3A_520, %dma_start3A_521, %dma_start3A_522] : memref<4x4x100x64xf32, #tpu.memory_space<vmem>> -> memref<1x1x100x64xf32, #tpu.memory_space<vmem>>
      %dma_start3A_524 = tpu.memref_squeeze %dma_start3A_523 : memref<1x1x100x64xf32, #tpu.memory_space<vmem>> -> memref<100x64xf32, #tpu.memory_space<vmem>>
      %dma_start3A_525 = arith.constant 0 : i32
      %dma_start3A_526 = tpu.memref_slice %arg6[%dma_start3A_517, %dma_start3A_518, %dma_start3A_525] : memref<4x4x100xi32, #tpu.memory_space<vmem>> -> memref<1x1x100xi32, #tpu.memory_space<vmem>>
      %dma_start3A_527 = tpu.memref_squeeze %dma_start3A_526 : memref<1x1x100xi32, #tpu.memory_space<vmem>> -> memref<100xi32, #tpu.memory_space<vmem>>
      %dma_start3A_528 = arith.constant 0 : i32
      %dma_start3A_529 = arith.constant 0 : i32
      %dma_start3A_530 = tpu.memref_slice %arg3[%dma_start3A_528, %dma_start3A_529] : memref<100000x64xf32, #tpu.memory_space<hbm>> -> memref<100000x64xf32, #tpu.memory_space<hbm>>
      tpu.enqueue_indirect_dma source(%dma_start3A_530 : memref<100000x64xf32, #tpu.memory_space<hbm>>) target(%dma_start3A_524 : memref<100x64xf32, #tpu.memory_space<vmem>>) offsets(%dma_start3A_527 : memref<100xi32, #tpu.memory_space<vmem>>) semaphore(%arg15 : memref<!tpu.dma_semaphore, #tpu.memory_space<semaphore_mem>>)
      %dma_start3A_531 = arith.constant 2 : i32
      %dma_start3A_532 = arith.constant 3 : i32
      %dma_start3A_533 = arith.constant 2 : i32
      %dma_start3A_534 = arith.constant 3 : i32
      %dma_start3A_535 = arith.constant 0 : i32
      %dma_start3A_536 = arith.constant 0 : i32
      %dma_start3A_537 = tpu.memref_slice %arg7[%dma_start3A_533, %dma_start3A_534, %dma_start3A_535, %dma_start3A_536] : memref<4x4x100x64xf32, #tpu.memory_space<vmem>> -> memref<1x1x100x64xf32, #tpu.memory_space<vmem>>
      %dma_start3A_538 = tpu.memref_squeeze %dma_start3A_537 : memref<1x1x100x64xf32, #tpu.memory_space<vmem>> -> memref<100x64xf32, #tpu.memory_space<vmem>>
      %dma_start3A_539 = arith.constant 0 : i32
      %dma_start3A_540 = tpu.memref_slice %arg6[%dma_start3A_531, %dma_start3A_532, %dma_start3A_539] : memref<4x4x100xi32, #tpu.memory_space<vmem>> -> memref<1x1x100xi32, #tpu.memory_space<vmem>>
      %dma_start3A_541 = tpu.memref_squeeze %dma_start3A_540 : memref<1x1x100xi32, #tpu.memory_space<vmem>> -> memref<100xi32, #tpu.memory_space<vmem>>
      %dma_start3A_542 = arith.constant 0 : i32
      %dma_start3A_543 = arith.constant 0 : i32
      %dma_start3A_544 = tpu.memref_slice %arg3[%dma_start3A_542, %dma_start3A_543] : memref<100000x64xf32, #tpu.memory_space<hbm>> -> memref<100000x64xf32, #tpu.memory_space<hbm>>
      tpu.enqueue_indirect_dma source(%dma_start3A_544 : memref<100000x64xf32, #tpu.memory_space<hbm>>) target(%dma_start3A_538 : memref<100x64xf32, #tpu.memory_space<vmem>>) offsets(%dma_start3A_541 : memref<100xi32, #tpu.memory_space<vmem>>) semaphore(%arg15 : memref<!tpu.dma_semaphore, #tpu.memory_space<semaphore_mem>>)
      %dma_wait3A_545 = arith.constant 1 : i32
      %dma_wait3A_546 = arith.constant 0 : i32
      %dma_wait3A_547 = arith.constant 1 : i32
      %dma_wait3A_548 = arith.constant 0 : i32
      %dma_wait3A_549 = arith.constant 0 : i32
      %dma_wait3A_550 = arith.constant 0 : i32
      %dma_wait3A_551 = tpu.memref_slice %arg7[%dma_wait3A_547, %dma_wait3A_548, %dma_wait3A_549, %dma_wait3A_550] : memref<4x4x100x64xf32, #tpu.memory_space<vmem>> -> memref<1x1x100x64xf32, #tpu.memory_space<vmem>>
      %dma_wait3A_552 = tpu.memref_squeeze %dma_wait3A_551 : memref<1x1x100x64xf32, #tpu.memory_space<vmem>> -> memref<100x64xf32, #tpu.memory_space<vmem>>
      %dma_wait3A_553 = arith.constant 0 : i32
      %dma_wait3A_554 = tpu.memref_slice %arg6[%dma_wait3A_545, %dma_wait3A_546, %dma_wait3A_553] : memref<4x4x100xi32, #tpu.memory_space<vmem>> -> memref<1x1x100xi32, #tpu.memory_space<vmem>>
      %dma_wait3A_555 = tpu.memref_squeeze %dma_wait3A_554 : memref<1x1x100xi32, #tpu.memory_space<vmem>> -> memref<100xi32, #tpu.memory_space<vmem>>
      %dma_wait3A_556 = arith.constant 0 : i32
      %dma_wait3A_557 = arith.constant 0 : i32
      %dma_wait3A_558 = tpu.memref_slice %arg3[%dma_wait3A_556, %dma_wait3A_557] : memref<100000x64xf32, #tpu.memory_space<hbm>> -> memref<100000x64xf32, #tpu.memory_space<hbm>>
      tpu.wait_indirect_dma semaphore(%arg14 : memref<!tpu.dma_semaphore, #tpu.memory_space<semaphore_mem>>) src(%dma_wait3A_558 : memref<100000x64xf32, #tpu.memory_space<hbm>>) dst(%dma_wait3A_552 : memref<100x64xf32, #tpu.memory_space<vmem>>)
      %dma_wait3A_559 = arith.constant 1 : i32
      %dma_wait3A_560 = arith.constant 1 : i32
      %dma_wait3A_561 = arith.constant 1 : i32
      %dma_wait3A_562 = arith.constant 1 : i32
      %dma_wait3A_563 = arith.constant 0 : i32
      %dma_wait3A_564 = arith.constant 0 : i32
      %dma_wait3A_565 = tpu.memref_slice %arg7[%dma_wait3A_561, %dma_wait3A_562, %dma_wait3A_563, %dma_wait3A_564] : memref<4x4x100x64xf32, #tpu.memory_space<vmem>> -> memref<1x1x100x64xf32, #tpu.memory_space<vmem>>
      %dma_wait3A_566 = tpu.memref_squeeze %dma_wait3A_565 : memref<1x1x100x64xf32, #tpu.memory_space<vmem>> -> memref<100x64xf32, #tpu.memory_space<vmem>>
      %dma_wait3A_567 = arith.constant 0 : i32
      %dma_wait3A_568 = tpu.memref_slice %arg6[%dma_wait3A_559, %dma_wait3A_560, %dma_wait3A_567] : memref<4x4x100xi32, #tpu.memory_space<vmem>> -> memref<1x1x100xi32, #tpu.memory_space<vmem>>
      %dma_wait3A_569 = tpu.memref_squeeze %dma_wait3A_568 : memref<1x1x100xi32, #tpu.memory_space<vmem>> -> memref<100xi32, #tpu.memory_space<vmem>>
      %dma_wait3A_570 = arith.constant 0 : i32
      %dma_wait3A_571 = arith.constant 0 : i32
      %dma_wait3A_572 = tpu.memref_slice %arg3[%dma_wait3A_570, %dma_wait3A_571] : memref<100000x64xf32, #tpu.memory_space<hbm>> -> memref<100000x64xf32, #tpu.memory_space<hbm>>
      tpu.wait_indirect_dma semaphore(%arg14 : memref<!tpu.dma_semaphore, #tpu.memory_space<semaphore_mem>>) src(%dma_wait3A_572 : memref<100000x64xf32, #tpu.memory_space<hbm>>) dst(%dma_wait3A_566 : memref<100x64xf32, #tpu.memory_space<vmem>>)
      %dma_wait3A_573 = arith.constant 1 : i32
      %dma_wait3A_574 = arith.constant 2 : i32
      %dma_wait3A_575 = arith.constant 1 : i32
      %dma_wait3A_576 = arith.constant 2 : i32
      %dma_wait3A_577 = arith.constant 0 : i32
      %dma_wait3A_578 = arith.constant 0 : i32
      %dma_wait3A_579 = tpu.memref_slice %arg7[%dma_wait3A_575, %dma_wait3A_576, %dma_wait3A_577, %dma_wait3A_578] : memref<4x4x100x64xf32, #tpu.memory_space<vmem>> -> memref<1x1x100x64xf32, #tpu.memory_space<vmem>>
      %dma_wait3A_580 = tpu.memref_squeeze %dma_wait3A_579 : memref<1x1x100x64xf32, #tpu.memory_space<vmem>> -> memref<100x64xf32, #tpu.memory_space<vmem>>
      %dma_wait3A_581 = arith.constant 0 : i32
      %dma_wait3A_582 = tpu.memref_slice %arg6[%dma_wait3A_573, %dma_wait3A_574, %dma_wait3A_581] : memref<4x4x100xi32, #tpu.memory_space<vmem>> -> memref<1x1x100xi32, #tpu.memory_space<vmem>>
      %dma_wait3A_583 = tpu.memref_squeeze %dma_wait3A_582 : memref<1x1x100xi32, #tpu.memory_space<vmem>> -> memref<100xi32, #tpu.memory_space<vmem>>
      %dma_wait3A_584 = arith.constant 0 : i32
      %dma_wait3A_585 = arith.constant 0 : i32
      %dma_wait3A_586 = tpu.memref_slice %arg3[%dma_wait3A_584, %dma_wait3A_585] : memref<100000x64xf32, #tpu.memory_space<hbm>> -> memref<100000x64xf32, #tpu.memory_space<hbm>>
      tpu.wait_indirect_dma semaphore(%arg14 : memref<!tpu.dma_semaphore, #tpu.memory_space<semaphore_mem>>) src(%dma_wait3A_586 : memref<100000x64xf32, #tpu.memory_space<hbm>>) dst(%dma_wait3A_580 : memref<100x64xf32, #tpu.memory_space<vmem>>)
      %dma_wait3A_587 = arith.constant 1 : i32
      %dma_wait3A_588 = arith.constant 3 : i32
      %dma_wait3A_589 = arith.constant 1 : i32
      %dma_wait3A_590 = arith.constant 3 : i32
      %dma_wait3A_591 = arith.constant 0 : i32
      %dma_wait3A_592 = arith.constant 0 : i32
      %dma_wait3A_593 = tpu.memref_slice %arg7[%dma_wait3A_589, %dma_wait3A_590, %dma_wait3A_591, %dma_wait3A_592] : memref<4x4x100x64xf32, #tpu.memory_space<vmem>> -> memref<1x1x100x64xf32, #tpu.memory_space<vmem>>
      %dma_wait3A_594 = tpu.memref_squeeze %dma_wait3A_593 : memref<1x1x100x64xf32, #tpu.memory_space<vmem>> -> memref<100x64xf32, #tpu.memory_space<vmem>>
      %dma_wait3A_595 = arith.constant 0 : i32
      %dma_wait3A_596 = tpu.memref_slice %arg6[%dma_wait3A_587, %dma_wait3A_588, %dma_wait3A_595] : memref<4x4x100xi32, #tpu.memory_space<vmem>> -> memref<1x1x100xi32, #tpu.memory_space<vmem>>
      %dma_wait3A_597 = tpu.memref_squeeze %dma_wait3A_596 : memref<1x1x100xi32, #tpu.memory_space<vmem>> -> memref<100xi32, #tpu.memory_space<vmem>>
      %dma_wait3A_598 = arith.constant 0 : i32
      %dma_wait3A_599 = arith.constant 0 : i32
      %dma_wait3A_600 = tpu.memref_slice %arg3[%dma_wait3A_598, %dma_wait3A_599] : memref<100000x64xf32, #tpu.memory_space<hbm>> -> memref<100000x64xf32, #tpu.memory_space<hbm>>
      tpu.wait_indirect_dma semaphore(%arg14 : memref<!tpu.dma_semaphore, #tpu.memory_space<semaphore_mem>>) src(%dma_wait3A_600 : memref<100000x64xf32, #tpu.memory_space<hbm>>) dst(%dma_wait3A_594 : memref<100x64xf32, #tpu.memory_space<vmem>>)
      %scan3A_601 = arith.constant 0 : i32
      %scan3A_602 = arith.constant 100 : i32
      %scan3A_603 = arith.addi %scan3A_601, %scan3A_602 : i32
      %scan3A_604 = arith.constant 1 : i32
      scf.for %scan3A_797 = %scan3A_601 to %scan3A_603 step %scan3A_604  : i32 {
        %mul3A_798 = arith.constant 1 : i32
        %mul3A_799 = arith.muli %scan3A_797, %mul3A_798 : i32
        %add3A_800 = arith.constant 0 : i32
        %add3A_801 = arith.addi %add3A_800, %mul3A_799 : i32
        %get3A = arith.constant 0 : i32
        %get3A_802 = arith.index_cast %get3A : i32 to index
        %get3A_803 = arith.index_cast %add3A_801 : i32 to index
        %get3A_804 = arith.constant 0 : index
        %get3A_805 = tpu.vector_load %arg8[%get3A_802, %get3A_803, %get3A_804] {strides = array<i32>} : memref<4x100x64xf32, #tpu.memory_space<vmem>>, vector<1x1x16xf32>,
        %get3A_806 = vector.shape_cast %get3A_805 : vector<1x1x16xf32> to vector<16xf32>
        %swap3A = arith.constant 1 : i32
        %swap3A_807 = arith.constant 0 : i32
        %swap3A_808 = arith.index_cast %swap3A : i32 to index
        %swap3A_809 = arith.index_cast %swap3A_807 : i32 to index
        %swap3A_810 = arith.index_cast %add3A_801 : i32 to index
        %swap3A_811 = arith.constant 0 : index
        %swap3A_812 = tpu.vector_load %arg7[%swap3A_808, %swap3A_809, %swap3A_810, %swap3A_811] {strides = array<i32>} : memref<4x4x100x64xf32, #tpu.memory_space<vmem>>, vector<1x1x1x16xf32>,
        %swap3A_813 = vector.shape_cast %swap3A_812 : vector<1x1x1x16xf32> to vector<16xf32>
        %swap3A_814 = vector.shape_cast %get3A_806 : vector<16xf32> to vector<1x1x1x16xf32>
        tpu.vector_store %arg7[%swap3A_808, %swap3A_809, %swap3A_810, %swap3A_811], %swap3A_814 {add = true, strides = array<i32>} : memref<4x4x100x64xf32, #tpu.memory_space<vmem>>, vector<1x1x1x16xf32>,
        %get3A_815 = arith.constant 0 : i32
        %get3A_816 = arith.index_cast %get3A_815 : i32 to index
        %get3A_817 = arith.index_cast %add3A_801 : i32 to index
        %get3A_818 = arith.constant 16 : index
        %get3A_819 = tpu.vector_load %arg8[%get3A_816, %get3A_817, %get3A_818] {strides = array<i32>} : memref<4x100x64xf32, #tpu.memory_space<vmem>>, vector<1x1x16xf32>,
        %get3A_820 = vector.shape_cast %get3A_819 : vector<1x1x16xf32> to vector<16xf32>
        %swap3A_821 = arith.constant 1 : i32
        %swap3A_822 = arith.constant 0 : i32
        %swap3A_823 = arith.index_cast %swap3A_821 : i32 to index
        %swap3A_824 = arith.index_cast %swap3A_822 : i32 to index
        %swap3A_825 = arith.index_cast %add3A_801 : i32 to index
        %swap3A_826 = arith.constant 16 : index
        %swap3A_827 = tpu.vector_load %arg7[%swap3A_823, %swap3A_824, %swap3A_825, %swap3A_826] {strides = array<i32>} : memref<4x4x100x64xf32, #tpu.memory_space<vmem>>, vector<1x1x1x16xf32>,
        %swap3A_828 = vector.shape_cast %swap3A_827 : vector<1x1x1x16xf32> to vector<16xf32>
        %swap3A_829 = vector.shape_cast %get3A_820 : vector<16xf32> to vector<1x1x1x16xf32>
        tpu.vector_store %arg7[%swap3A_823, %swap3A_824, %swap3A_825, %swap3A_826], %swap3A_829 {add = true, strides = array<i32>} : memref<4x4x100x64xf32, #tpu.memory_space<vmem>>, vector<1x1x1x16xf32>,
        %get3A_830 = arith.constant 0 : i32
        %get3A_831 = arith.index_cast %get3A_830 : i32 to index
        %get3A_832 = arith.index_cast %add3A_801 : i32 to index
        %get3A_833 = arith.constant 32 : index
        %get3A_834 = tpu.vector_load %arg8[%get3A_831, %get3A_832, %get3A_833] {strides = array<i32>} : memref<4x100x64xf32, #tpu.memory_space<vmem>>, vector<1x1x16xf32>,
        %get3A_835 = vector.shape_cast %get3A_834 : vector<1x1x16xf32> to vector<16xf32>
        %swap3A_836 = arith.constant 1 : i32
        %swap3A_837 = arith.constant 0 : i32
        %swap3A_838 = arith.index_cast %swap3A_836 : i32 to index
        %swap3A_839 = arith.index_cast %swap3A_837 : i32 to index
        %swap3A_840 = arith.index_cast %add3A_801 : i32 to index
        %swap3A_841 = arith.constant 32 : index
        %swap3A_842 = tpu.vector_load %arg7[%swap3A_838, %swap3A_839, %swap3A_840, %swap3A_841] {strides = array<i32>} : memref<4x4x100x64xf32, #tpu.memory_space<vmem>>, vector<1x1x1x16xf32>,
        %swap3A_843 = vector.shape_cast %swap3A_842 : vector<1x1x1x16xf32> to vector<16xf32>
        %swap3A_844 = vector.shape_cast %get3A_835 : vector<16xf32> to vector<1x1x1x16xf32>
        tpu.vector_store %arg7[%swap3A_838, %swap3A_839, %swap3A_840, %swap3A_841], %swap3A_844 {add = true, strides = array<i32>} : memref<4x4x100x64xf32, #tpu.memory_space<vmem>>, vector<1x1x1x16xf32>,
        %get3A_845 = arith.constant 0 : i32
        %get3A_846 = arith.index_cast %get3A_845 : i32 to index
        %get3A_847 = arith.index_cast %add3A_801 : i32 to index
        %get3A_848 = arith.constant 48 : index
        %get3A_849 = tpu.vector_load %arg8[%get3A_846, %get3A_847, %get3A_848] {strides = array<i32>} : memref<4x100x64xf32, #tpu.memory_space<vmem>>, vector<1x1x16xf32>,
        %get3A_850 = vector.shape_cast %get3A_849 : vector<1x1x16xf32> to vector<16xf32>
        %swap3A_851 = arith.constant 1 : i32
        %swap3A_852 = arith.constant 0 : i32
        %swap3A_853 = arith.index_cast %swap3A_851 : i32 to index
        %swap3A_854 = arith.index_cast %swap3A_852 : i32 to index
        %swap3A_855 = arith.index_cast %add3A_801 : i32 to index
        %swap3A_856 = arith.constant 48 : index
        %swap3A_857 = tpu.vector_load %arg7[%swap3A_853, %swap3A_854, %swap3A_855, %swap3A_856] {strides = array<i32>} : memref<4x4x100x64xf32, #tpu.memory_space<vmem>>, vector<1x1x1x16xf32>,
        %swap3A_858 = vector.shape_cast %swap3A_857 : vector<1x1x1x16xf32> to vector<16xf32>
        %swap3A_859 = vector.shape_cast %get3A_850 : vector<16xf32> to vector<1x1x1x16xf32>
        tpu.vector_store %arg7[%swap3A_853, %swap3A_854, %swap3A_855, %swap3A_856], %swap3A_859 {add = true, strides = array<i32>} : memref<4x4x100x64xf32, #tpu.memory_space<vmem>>, vector<1x1x1x16xf32>,
        %get3A_860 = arith.constant 1 : i32
        %get3A_861 = arith.index_cast %get3A_860 : i32 to index
        %get3A_862 = arith.index_cast %add3A_801 : i32 to index
        %get3A_863 = arith.constant 0 : index
        %get3A_864 = tpu.vector_load %arg8[%get3A_861, %get3A_862, %get3A_863] {strides = array<i32>} : memref<4x100x64xf32, #tpu.memory_space<vmem>>, vector<1x1x16xf32>,
        %get3A_865 = vector.shape_cast %get3A_864 : vector<1x1x16xf32> to vector<16xf32>
        %swap3A_866 = arith.constant 1 : i32
        %swap3A_867 = arith.constant 1 : i32
        %swap3A_868 = arith.index_cast %swap3A_866 : i32 to index
        %swap3A_869 = arith.index_cast %swap3A_867 : i32 to index
        %swap3A_870 = arith.index_cast %add3A_801 : i32 to index
        %swap3A_871 = arith.constant 0 : index
        %swap3A_872 = tpu.vector_load %arg7[%swap3A_868, %swap3A_869, %swap3A_870, %swap3A_871] {strides = array<i32>} : memref<4x4x100x64xf32, #tpu.memory_space<vmem>>, vector<1x1x1x16xf32>,
        %swap3A_873 = vector.shape_cast %swap3A_872 : vector<1x1x1x16xf32> to vector<16xf32>
        %swap3A_874 = vector.shape_cast %get3A_865 : vector<16xf32> to vector<1x1x1x16xf32>
        tpu.vector_store %arg7[%swap3A_868, %swap3A_869, %swap3A_870, %swap3A_871], %swap3A_874 {add = true, strides = array<i32>} : memref<4x4x100x64xf32, #tpu.memory_space<vmem>>, vector<1x1x1x16xf32>,
        %get3A_875 = arith.constant 1 : i32
        %get3A_876 = arith.index_cast %get3A_875 : i32 to index
        %get3A_877 = arith.index_cast %add3A_801 : i32 to index
        %get3A_878 = arith.constant 16 : index
        %get3A_879 = tpu.vector_load %arg8[%get3A_876, %get3A_877, %get3A_878] {strides = array<i32>} : memref<4x100x64xf32, #tpu.memory_space<vmem>>, vector<1x1x16xf32>,
        %get3A_880 = vector.shape_cast %get3A_879 : vector<1x1x16xf32> to vector<16xf32>
        %swap3A_881 = arith.constant 1 : i32
        %swap3A_882 = arith.constant 1 : i32
        %swap3A_883 = arith.index_cast %swap3A_881 : i32 to index
        %swap3A_884 = arith.index_cast %swap3A_882 : i32 to index
        %swap3A_885 = arith.index_cast %add3A_801 : i32 to index
        %swap3A_886 = arith.constant 16 : index
        %swap3A_887 = tpu.vector_load %arg7[%swap3A_883, %swap3A_884, %swap3A_885, %swap3A_886] {strides = array<i32>} : memref<4x4x100x64xf32, #tpu.memory_space<vmem>>, vector<1x1x1x16xf32>,
        %swap3A_888 = vector.shape_cast %swap3A_887 : vector<1x1x1x16xf32> to vector<16xf32>
        %swap3A_889 = vector.shape_cast %get3A_880 : vector<16xf32> to vector<1x1x1x16xf32>
        tpu.vector_store %arg7[%swap3A_883, %swap3A_884, %swap3A_885, %swap3A_886], %swap3A_889 {add = true, strides = array<i32>} : memref<4x4x100x64xf32, #tpu.memory_space<vmem>>, vector<1x1x1x16xf32>,
        %get3A_890 = arith.constant 1 : i32
        %get3A_891 = arith.index_cast %get3A_890 : i32 to index
        %get3A_892 = arith.index_cast %add3A_801 : i32 to index
        %get3A_893 = arith.constant 32 : index
        %get3A_894 = tpu.vector_load %arg8[%get3A_891, %get3A_892, %get3A_893] {strides = array<i32>} : memref<4x100x64xf32, #tpu.memory_space<vmem>>, vector<1x1x16xf32>,
        %get3A_895 = vector.shape_cast %get3A_894 : vector<1x1x16xf32> to vector<16xf32>
        %swap3A_896 = arith.constant 1 : i32
        %swap3A_897 = arith.constant 1 : i32
        %swap3A_898 = arith.index_cast %swap3A_896 : i32 to index
        %swap3A_899 = arith.index_cast %swap3A_897 : i32 to index
        %swap3A_900 = arith.index_cast %add3A_801 : i32 to index
        %swap3A_901 = arith.constant 32 : index
        %swap3A_902 = tpu.vector_load %arg7[%swap3A_898, %swap3A_899, %swap3A_900, %swap3A_901] {strides = array<i32>} : memref<4x4x100x64xf32, #tpu.memory_space<vmem>>, vector<1x1x1x16xf32>,
        %swap3A_903 = vector.shape_cast %swap3A_902 : vector<1x1x1x16xf32> to vector<16xf32>
        %swap3A_904 = vector.shape_cast %get3A_895 : vector<16xf32> to vector<1x1x1x16xf32>
        tpu.vector_store %arg7[%swap3A_898, %swap3A_899, %swap3A_900, %swap3A_901], %swap3A_904 {add = true, strides = array<i32>} : memref<4x4x100x64xf32, #tpu.memory_space<vmem>>, vector<1x1x1x16xf32>,
        %get3A_905 = arith.constant 1 : i32
        %get3A_906 = arith.index_cast %get3A_905 : i32 to index
        %get3A_907 = arith.index_cast %add3A_801 : i32 to index
        %get3A_908 = arith.constant 48 : index
        %get3A_909 = tpu.vector_load %arg8[%get3A_906, %get3A_907, %get3A_908] {strides = array<i32>} : memref<4x100x64xf32, #tpu.memory_space<vmem>>, vector<1x1x16xf32>,
        %get3A_910 = vector.shape_cast %get3A_909 : vector<1x1x16xf32> to vector<16xf32>
        %swap3A_911 = arith.constant 1 : i32
        %swap3A_912 = arith.constant 1 : i32
        %swap3A_913 = arith.index_cast %swap3A_911 : i32 to index
        %swap3A_914 = arith.index_cast %swap3A_912 : i32 to index
        %swap3A_915 = arith.index_cast %add3A_801 : i32 to index
        %swap3A_916 = arith.constant 48 : index
        %swap3A_917 = tpu.vector_load %arg7[%swap3A_913, %swap3A_914, %swap3A_915, %swap3A_916] {strides = array<i32>} : memref<4x4x100x64xf32, #tpu.memory_space<vmem>>, vector<1x1x1x16xf32>,
        %swap3A_918 = vector.shape_cast %swap3A_917 : vector<1x1x1x16xf32> to vector<16xf32>
        %swap3A_919 = vector.shape_cast %get3A_910 : vector<16xf32> to vector<1x1x1x16xf32>
        tpu.vector_store %arg7[%swap3A_913, %swap3A_914, %swap3A_915, %swap3A_916], %swap3A_919 {add = true, strides = array<i32>} : memref<4x4x100x64xf32, #tpu.memory_space<vmem>>, vector<1x1x1x16xf32>,
        %get3A_920 = arith.constant 2 : i32
        %get3A_921 = arith.index_cast %get3A_920 : i32 to index
        %get3A_922 = arith.index_cast %add3A_801 : i32 to index
        %get3A_923 = arith.constant 0 : index
        %get3A_924 = tpu.vector_load %arg8[%get3A_921, %get3A_922, %get3A_923] {strides = array<i32>} : memref<4x100x64xf32, #tpu.memory_space<vmem>>, vector<1x1x16xf32>,
        %get3A_925 = vector.shape_cast %get3A_924 : vector<1x1x16xf32> to vector<16xf32>
        %swap3A_926 = arith.constant 1 : i32
        %swap3A_927 = arith.constant 2 : i32
        %swap3A_928 = arith.index_cast %swap3A_926 : i32 to index
        %swap3A_929 = arith.index_cast %swap3A_927 : i32 to index
        %swap3A_930 = arith.index_cast %add3A_801 : i32 to index
        %swap3A_931 = arith.constant 0 : index
        %swap3A_932 = tpu.vector_load %arg7[%swap3A_928, %swap3A_929, %swap3A_930, %swap3A_931] {strides = array<i32>} : memref<4x4x100x64xf32, #tpu.memory_space<vmem>>, vector<1x1x1x16xf32>,
        %swap3A_933 = vector.shape_cast %swap3A_932 : vector<1x1x1x16xf32> to vector<16xf32>
        %swap3A_934 = vector.shape_cast %get3A_925 : vector<16xf32> to vector<1x1x1x16xf32>
        tpu.vector_store %arg7[%swap3A_928, %swap3A_929, %swap3A_930, %swap3A_931], %swap3A_934 {add = true, strides = array<i32>} : memref<4x4x100x64xf32, #tpu.memory_space<vmem>>, vector<1x1x1x16xf32>,
        %get3A_935 = arith.constant 2 : i32
        %get3A_936 = arith.index_cast %get3A_935 : i32 to index
        %get3A_937 = arith.index_cast %add3A_801 : i32 to index
        %get3A_938 = arith.constant 16 : index
        %get3A_939 = tpu.vector_load %arg8[%get3A_936, %get3A_937, %get3A_938] {strides = array<i32>} : memref<4x100x64xf32, #tpu.memory_space<vmem>>, vector<1x1x16xf32>,
        %get3A_940 = vector.shape_cast %get3A_939 : vector<1x1x16xf32> to vector<16xf32>
        %swap3A_941 = arith.constant 1 : i32
        %swap3A_942 = arith.constant 2 : i32
        %swap3A_943 = arith.index_cast %swap3A_941 : i32 to index
        %swap3A_944 = arith.index_cast %swap3A_942 : i32 to index
        %swap3A_945 = arith.index_cast %add3A_801 : i32 to index
        %swap3A_946 = arith.constant 16 : index
        %swap3A_947 = tpu.vector_load %arg7[%swap3A_943, %swap3A_944, %swap3A_945, %swap3A_946] {strides = array<i32>} : memref<4x4x100x64xf32, #tpu.memory_space<vmem>>, vector<1x1x1x16xf32>,
        %swap3A_948 = vector.shape_cast %swap3A_947 : vector<1x1x1x16xf32> to vector<16xf32>
        %swap3A_949 = vector.shape_cast %get3A_940 : vector<16xf32> to vector<1x1x1x16xf32>
        tpu.vector_store %arg7[%swap3A_943, %swap3A_944, %swap3A_945, %swap3A_946], %swap3A_949 {add = true, strides = array<i32>} : memref<4x4x100x64xf32, #tpu.memory_space<vmem>>, vector<1x1x1x16xf32>,
        %get3A_950 = arith.constant 2 : i32
        %get3A_951 = arith.index_cast %get3A_950 : i32 to index
        %get3A_952 = arith.index_cast %add3A_801 : i32 to index
        %get3A_953 = arith.constant 32 : index
        %get3A_954 = tpu.vector_load %arg8[%get3A_951, %get3A_952, %get3A_953] {strides = array<i32>} : memref<4x100x64xf32, #tpu.memory_space<vmem>>, vector<1x1x16xf32>,
        %get3A_955 = vector.shape_cast %get3A_954 : vector<1x1x16xf32> to vector<16xf32>
        %swap3A_956 = arith.constant 1 : i32
        %swap3A_957 = arith.constant 2 : i32
        %swap3A_958 = arith.index_cast %swap3A_956 : i32 to index
        %swap3A_959 = arith.index_cast %swap3A_957 : i32 to index
        %swap3A_960 = arith.index_cast %add3A_801 : i32 to index
        %swap3A_961 = arith.constant 32 : index
        %swap3A_962 = tpu.vector_load %arg7[%swap3A_958, %swap3A_959, %swap3A_960, %swap3A_961] {strides = array<i32>} : memref<4x4x100x64xf32, #tpu.memory_space<vmem>>, vector<1x1x1x16xf32>,
        %swap3A_963 = vector.shape_cast %swap3A_962 : vector<1x1x1x16xf32> to vector<16xf32>
        %swap3A_964 = vector.shape_cast %get3A_955 : vector<16xf32> to vector<1x1x1x16xf32>
        tpu.vector_store %arg7[%swap3A_958, %swap3A_959, %swap3A_960, %swap3A_961], %swap3A_964 {add = true, strides = array<i32>} : memref<4x4x100x64xf32, #tpu.memory_space<vmem>>, vector<1x1x1x16xf32>,
        %get3A_965 = arith.constant 2 : i32
        %get3A_966 = arith.index_cast %get3A_965 : i32 to index
        %get3A_967 = arith.index_cast %add3A_801 : i32 to index
        %get3A_968 = arith.constant 48 : index
        %get3A_969 = tpu.vector_load %arg8[%get3A_966, %get3A_967, %get3A_968] {strides = array<i32>} : memref<4x100x64xf32, #tpu.memory_space<vmem>>, vector<1x1x16xf32>,
        %get3A_970 = vector.shape_cast %get3A_969 : vector<1x1x16xf32> to vector<16xf32>
        %swap3A_971 = arith.constant 1 : i32
        %swap3A_972 = arith.constant 2 : i32
        %swap3A_973 = arith.index_cast %swap3A_971 : i32 to index
        %swap3A_974 = arith.index_cast %swap3A_972 : i32 to index
        %swap3A_975 = arith.index_cast %add3A_801 : i32 to index
        %swap3A_976 = arith.constant 48 : index
        %swap3A_977 = tpu.vector_load %arg7[%swap3A_973, %swap3A_974, %swap3A_975, %swap3A_976] {strides = array<i32>} : memref<4x4x100x64xf32, #tpu.memory_space<vmem>>, vector<1x1x1x16xf32>,
        %swap3A_978 = vector.shape_cast %swap3A_977 : vector<1x1x1x16xf32> to vector<16xf32>
        %swap3A_979 = vector.shape_cast %get3A_970 : vector<16xf32> to vector<1x1x1x16xf32>
        tpu.vector_store %arg7[%swap3A_973, %swap3A_974, %swap3A_975, %swap3A_976], %swap3A_979 {add = true, strides = array<i32>} : memref<4x4x100x64xf32, #tpu.memory_space<vmem>>, vector<1x1x1x16xf32>,
        %get3A_980 = arith.constant 3 : i32
        %get3A_981 = arith.index_cast %get3A_980 : i32 to index
        %get3A_982 = arith.index_cast %add3A_801 : i32 to index
        %get3A_983 = arith.constant 0 : index
        %get3A_984 = tpu.vector_load %arg8[%get3A_981, %get3A_982, %get3A_983] {strides = array<i32>} : memref<4x100x64xf32, #tpu.memory_space<vmem>>, vector<1x1x16xf32>,
        %get3A_985 = vector.shape_cast %get3A_984 : vector<1x1x16xf32> to vector<16xf32>
        %swap3A_986 = arith.constant 1 : i32
        %swap3A_987 = arith.constant 3 : i32
        %swap3A_988 = arith.index_cast %swap3A_986 : i32 to index
        %swap3A_989 = arith.index_cast %swap3A_987 : i32 to index
        %swap3A_990 = arith.index_cast %add3A_801 : i32 to index
        %swap3A_991 = arith.constant 0 : index
        %swap3A_992 = tpu.vector_load %arg7[%swap3A_988, %swap3A_989, %swap3A_990, %swap3A_991] {strides = array<i32>} : memref<4x4x100x64xf32, #tpu.memory_space<vmem>>, vector<1x1x1x16xf32>,
        %swap3A_993 = vector.shape_cast %swap3A_992 : vector<1x1x1x16xf32> to vector<16xf32>
        %swap3A_994 = vector.shape_cast %get3A_985 : vector<16xf32> to vector<1x1x1x16xf32>
        tpu.vector_store %arg7[%swap3A_988, %swap3A_989, %swap3A_990, %swap3A_991], %swap3A_994 {add = true, strides = array<i32>} : memref<4x4x100x64xf32, #tpu.memory_space<vmem>>, vector<1x1x1x16xf32>,
        %get3A_995 = arith.constant 3 : i32
        %get3A_996 = arith.index_cast %get3A_995 : i32 to index
        %get3A_997 = arith.index_cast %add3A_801 : i32 to index
        %get3A_998 = arith.constant 16 : index
        %get3A_999 = tpu.vector_load %arg8[%get3A_996, %get3A_997, %get3A_998] {strides = array<i32>} : memref<4x100x64xf32, #tpu.memory_space<vmem>>, vector<1x1x16xf32>,
        %get3A_1000 = vector.shape_cast %get3A_999 : vector<1x1x16xf32> to vector<16xf32>
        %swap3A_1001 = arith.constant 1 : i32
        %swap3A_1002 = arith.constant 3 : i32
        %swap3A_1003 = arith.index_cast %swap3A_1001 : i32 to index
        %swap3A_1004 = arith.index_cast %swap3A_1002 : i32 to index
        %swap3A_1005 = arith.index_cast %add3A_801 : i32 to index
        %swap3A_1006 = arith.constant 16 : index
        %swap3A_1007 = tpu.vector_load %arg7[%swap3A_1003, %swap3A_1004, %swap3A_1005, %swap3A_1006] {strides = array<i32>} : memref<4x4x100x64xf32, #tpu.memory_space<vmem>>, vector<1x1x1x16xf32>,
        %swap3A_1008 = vector.shape_cast %swap3A_1007 : vector<1x1x1x16xf32> to vector<16xf32>
        %swap3A_1009 = vector.shape_cast %get3A_1000 : vector<16xf32> to vector<1x1x1x16xf32>
        tpu.vector_store %arg7[%swap3A_1003, %swap3A_1004, %swap3A_1005, %swap3A_1006], %swap3A_1009 {add = true, strides = array<i32>} : memref<4x4x100x64xf32, #tpu.memory_space<vmem>>, vector<1x1x1x16xf32>,
        %get3A_1010 = arith.constant 3 : i32
        %get3A_1011 = arith.index_cast %get3A_1010 : i32 to index
        %get3A_1012 = arith.index_cast %add3A_801 : i32 to index
        %get3A_1013 = arith.constant 32 : index
        %get3A_1014 = tpu.vector_load %arg8[%get3A_1011, %get3A_1012, %get3A_1013] {strides = array<i32>} : memref<4x100x64xf32, #tpu.memory_space<vmem>>, vector<1x1x16xf32>,
        %get3A_1015 = vector.shape_cast %get3A_1014 : vector<1x1x16xf32> to vector<16xf32>
        %swap3A_1016 = arith.constant 1 : i32
        %swap3A_1017 = arith.constant 3 : i32
        %swap3A_1018 = arith.index_cast %swap3A_1016 : i32 to index
        %swap3A_1019 = arith.index_cast %swap3A_1017 : i32 to index
        %swap3A_1020 = arith.index_cast %add3A_801 : i32 to index
        %swap3A_1021 = arith.constant 32 : index
        %swap3A_1022 = tpu.vector_load %arg7[%swap3A_1018, %swap3A_1019, %swap3A_1020, %swap3A_1021] {strides = array<i32>} : memref<4x4x100x64xf32, #tpu.memory_space<vmem>>, vector<1x1x1x16xf32>,
        %swap3A_1023 = vector.shape_cast %swap3A_1022 : vector<1x1x1x16xf32> to vector<16xf32>
        %swap3A_1024 = vector.shape_cast %get3A_1015 : vector<16xf32> to vector<1x1x1x16xf32>
        tpu.vector_store %arg7[%swap3A_1018, %swap3A_1019, %swap3A_1020, %swap3A_1021], %swap3A_1024 {add = true, strides = array<i32>} : memref<4x4x100x64xf32, #tpu.memory_space<vmem>>, vector<1x1x1x16xf32>,
        %get3A_1025 = arith.constant 3 : i32
        %get3A_1026 = arith.index_cast %get3A_1025 : i32 to index
        %get3A_1027 = arith.index_cast %add3A_801 : i32 to index
        %get3A_1028 = arith.constant 48 : index
        %get3A_1029 = tpu.vector_load %arg8[%get3A_1026, %get3A_1027, %get3A_1028] {strides = array<i32>} : memref<4x100x64xf32, #tpu.memory_space<vmem>>, vector<1x1x16xf32>,
        %get3A_1030 = vector.shape_cast %get3A_1029 : vector<1x1x16xf32> to vector<16xf32>
        %swap3A_1031 = arith.constant 1 : i32
        %swap3A_1032 = arith.constant 3 : i32
        %swap3A_1033 = arith.index_cast %swap3A_1031 : i32 to index
        %swap3A_1034 = arith.index_cast %swap3A_1032 : i32 to index
        %swap3A_1035 = arith.index_cast %add3A_801 : i32 to index
        %swap3A_1036 = arith.constant 48 : index
        %swap3A_1037 = tpu.vector_load %arg7[%swap3A_1033, %swap3A_1034, %swap3A_1035, %swap3A_1036] {strides = array<i32>} : memref<4x4x100x64xf32, #tpu.memory_space<vmem>>, vector<1x1x1x16xf32>,
        %swap3A_1038 = vector.shape_cast %swap3A_1037 : vector<1x1x1x16xf32> to vector<16xf32>
        %swap3A_1039 = vector.shape_cast %get3A_1030 : vector<16xf32> to vector<1x1x1x16xf32>
        tpu.vector_store %arg7[%swap3A_1033, %swap3A_1034, %swap3A_1035, %swap3A_1036], %swap3A_1039 {add = true, strides = array<i32>} : memref<4x4x100x64xf32, #tpu.memory_space<vmem>>, vector<1x1x1x16xf32>,
      }
      %scan3A_605 = arith.constant 100 : i32
      %sub3A_606 = arith.constant 1 : i32
      %sub3A_607 = arith.subi %add3A_473, %sub3A_606 : i32
      %mul3A_608 = arith.constant 4 : i32
      %mul3A_609 = arith.muli %sub3A_607, %mul3A_608 : i32
      %add3A_610 = arith.addi %mul3A_2, %mul3A_609 : i32
      %dma_start3A_611 = arith.constant 1 : i32
      %dma_start3A_612 = arith.constant 0 : i32
      %dma_start3A_613 = arith.constant 0 : i32
      %dma_start3A_614 = arith.constant 0 : i32
      %dma_start3A_615 = tpu.memref_slice %arg7[%dma_start3A_611, %dma_start3A_612, %dma_start3A_613, %dma_start3A_614] : memref<4x4x100x64xf32, #tpu.memory_space<vmem>> -> memref<1x4x100x64xf32, #tpu.memory_space<vmem>>
      %dma_start3A_616 = tpu.memref_squeeze %dma_start3A_615 : memref<1x4x100x64xf32, #tpu.memory_space<vmem>> -> memref<4x100x64xf32, #tpu.memory_space<vmem>>
      %dma_start3A_617 = arith.constant 0 : i32
      %dma_start3A_618 = arith.constant 0 : i32
      %dma_start3A_619 = tpu.memref_slice %arg5[%add3A_610, %dma_start3A_617, %dma_start3A_618] : memref<8192x100x64xf32, #tpu.memory_space<hbm>> -> memref<4x100x64xf32, #tpu.memory_space<hbm>>
      %dma_start3A_620 = arith.constant 0 : i32
      %dma_start3A_621 = arith.constant 0 : i32
      %dma_start3A_622 = tpu.memref_slice %arg5[%add3A_610, %dma_start3A_620, %dma_start3A_621] : memref<8192x100x64xf32, #tpu.memory_space<hbm>> -> memref<4x100x64xf32, #tpu.memory_space<hbm>>
      %dma_start3A_623 = arith.constant 0 : i32
      %dma_start3A_624 = arith.constant 0 : i32
      %dma_start3A_625 = arith.constant 0 : i32
      %dma_start3A_626 = tpu.memref_slice %arg7[%dma_start3A_611, %dma_start3A_623, %dma_start3A_624, %dma_start3A_625] : memref<4x4x100x64xf32, #tpu.memory_space<vmem>> -> memref<1x4x100x64xf32, #tpu.memory_space<vmem>>
      %dma_start3A_627 = tpu.memref_squeeze %dma_start3A_626 : memref<1x4x100x64xf32, #tpu.memory_space<vmem>> -> memref<4x100x64xf32, #tpu.memory_space<vmem>>
      tpu.enqueue_dma source(%dma_start3A_627 : memref<4x100x64xf32, #tpu.memory_space<vmem>>) target(%dma_start3A_622 : memref<4x100x64xf32, #tpu.memory_space<hbm>>) target_semaphore(%arg18 : memref<!tpu.dma_semaphore, #tpu.memory_space<semaphore_mem>>)
      %add3A_628 = arith.constant 2 : i32
      %add3A_629 = arith.addi %add3A_473, %add3A_628 : i32
      %lt3A = arith.constant 64 : i32
      %lt3A_630 = arith.cmpi slt, %add3A_629, %lt3A : i32
      %convert_element_type3A_631 = arith.extui %lt3A_630 : i1 to i32
      %cond3A_632 = arith.constant 0 : i32
      %cond3A_633 = arith.cmpi ne, %convert_element_type3A_631, %cond3A_632 : i32
      scf.if %cond3A_633 {
        %dma_wait3A_797 = arith.constant 0 : i32
        %dma_wait3A_798 = arith.constant 0 : i32
        %dma_wait3A_799 = arith.constant 0 : i32
        %dma_wait3A_800 = arith.constant 0 : i32
        %dma_wait3A_801 = tpu.memref_slice %arg7[%dma_wait3A_797, %dma_wait3A_798, %dma_wait3A_799, %dma_wait3A_800] : memref<4x4x100x64xf32, #tpu.memory_space<vmem>> -> memref<1x4x100x64xf32, #tpu.memory_space<vmem>>
        %dma_wait3A_802 = tpu.memref_squeeze %dma_wait3A_801 : memref<1x4x100x64xf32, #tpu.memory_space<vmem>> -> memref<4x100x64xf32, #tpu.memory_space<vmem>>
        %dma_wait3A_803 = arith.constant 0 : i32
        %dma_wait3A_804 = arith.constant 0 : i32
        %dma_wait3A_805 = arith.constant 0 : i32
        %dma_wait3A_806 = tpu.memref_slice %arg5[%dma_wait3A_803, %dma_wait3A_804, %dma_wait3A_805] : memref<8192x100x64xf32, #tpu.memory_space<hbm>> -> memref<4x100x64xf32, #tpu.memory_space<hbm>>
        %dma_wait3A_807 = arith.constant 0 : i32
        %dma_wait3A_808 = arith.constant 0 : i32
        %dma_wait3A_809 = arith.constant 0 : i32
        %dma_wait3A_810 = tpu.memref_slice %arg5[%dma_wait3A_807, %dma_wait3A_808, %dma_wait3A_809] : memref<8192x100x64xf32, #tpu.memory_space<hbm>> -> memref<4x100x64xf32, #tpu.memory_space<hbm>>
        %dma_wait3A_811 = arith.constant 0 : i32
        %dma_wait3A_812 = arith.constant 0 : i32
        %dma_wait3A_813 = arith.constant 0 : i32
        %dma_wait3A_814 = tpu.memref_slice %arg7[%dma_wait3A_797, %dma_wait3A_811, %dma_wait3A_812, %dma_wait3A_813] : memref<4x4x100x64xf32, #tpu.memory_space<vmem>> -> memref<1x4x100x64xf32, #tpu.memory_space<vmem>>
        %dma_wait3A_815 = tpu.memref_squeeze %dma_wait3A_814 : memref<1x4x100x64xf32, #tpu.memory_space<vmem>> -> memref<4x100x64xf32, #tpu.memory_space<vmem>>
        tpu.wait_dma2 semaphore(%arg17 : memref<!tpu.dma_semaphore, #tpu.memory_space<semaphore_mem>>) src(%dma_wait3A_815 : memref<4x100x64xf32, #tpu.memory_space<vmem>>) dst(%dma_wait3A_810 : memref<4x100x64xf32, #tpu.memory_space<hbm>>)
        %add3A_816 = arith.constant 2 : i32
        %add3A_817 = arith.addi %add3A_473, %add3A_816 : i32
        %mul3A_818 = arith.constant 4 : i32
        %mul3A_819 = arith.muli %add3A_817, %mul3A_818 : i32
        %add3A_820 = arith.addi %mul3A_2, %mul3A_819 : i32
        %dma_start3A_821 = arith.constant 0 : i32
        %dma_start3A_822 = arith.constant 0 : i32
        %dma_start3A_823 = arith.constant 0 : i32
        %dma_start3A_824 = tpu.memref_slice %arg6[%dma_start3A_821, %dma_start3A_822, %dma_start3A_823] : memref<4x4x100xi32, #tpu.memory_space<vmem>> -> memref<1x4x100xi32, #tpu.memory_space<vmem>>
        %dma_start3A_825 = tpu.memref_squeeze %dma_start3A_824 : memref<1x4x100xi32, #tpu.memory_space<vmem>> -> memref<4x100xi32, #tpu.memory_space<vmem>>
        %dma_start3A_826 = arith.constant 0 : i32
        %dma_start3A_827 = tpu.memref_slice %arg2[%add3A_820, %dma_start3A_826] : memref<8192x100xi32, #tpu.memory_space<hbm>> -> memref<4x100xi32, #tpu.memory_space<hbm>>
        %dma_start3A_828 = arith.constant 0 : i32
        %dma_start3A_829 = arith.constant 0 : i32
        %dma_start3A_830 = tpu.memref_slice %arg6[%dma_start3A_821, %dma_start3A_828, %dma_start3A_829] : memref<4x4x100xi32, #tpu.memory_space<vmem>> -> memref<1x4x100xi32, #tpu.memory_space<vmem>>
        %dma_start3A_831 = tpu.memref_squeeze %dma_start3A_830 : memref<1x4x100xi32, #tpu.memory_space<vmem>> -> memref<4x100xi32, #tpu.memory_space<vmem>>
        %dma_start3A_832 = arith.constant 0 : i32
        %dma_start3A_833 = tpu.memref_slice %arg2[%add3A_820, %dma_start3A_832] : memref<8192x100xi32, #tpu.memory_space<hbm>> -> memref<4x100xi32, #tpu.memory_space<hbm>>
        tpu.enqueue_dma source(%dma_start3A_833 : memref<4x100xi32, #tpu.memory_space<hbm>>) target(%dma_start3A_831 : memref<4x100xi32, #tpu.memory_space<vmem>>) target_semaphore(%arg9 : memref<!tpu.dma_semaphore, #tpu.memory_space<semaphore_mem>>)
      } else {
      }
      %add3A_634 = arith.constant 3 : i32
      %add3A_635 = arith.addi %add3A_195, %add3A_634 : i32
      %dma_wait3A_636 = arith.constant 3 : i32
      %dma_wait3A_637 = arith.constant 0 : i32
      %dma_wait3A_638 = arith.constant 0 : i32
      %dma_wait3A_639 = tpu.memref_slice %arg6[%dma_wait3A_636, %dma_wait3A_637, %dma_wait3A_638] : memref<4x4x100xi32, #tpu.memory_space<vmem>> -> memref<1x4x100xi32, #tpu.memory_space<vmem>>
      %dma_wait3A_640 = tpu.memref_squeeze %dma_wait3A_639 : memref<1x4x100xi32, #tpu.memory_space<vmem>> -> memref<4x100xi32, #tpu.memory_space<vmem>>
      %dma_wait3A_641 = arith.constant 0 : i32
      %dma_wait3A_642 = arith.constant 0 : i32
      %dma_wait3A_643 = tpu.memref_slice %arg2[%dma_wait3A_641, %dma_wait3A_642] : memref<8192x100xi32, #tpu.memory_space<hbm>> -> memref<4x100xi32, #tpu.memory_space<hbm>>
      %dma_wait3A_644 = arith.constant 0 : i32
      %dma_wait3A_645 = arith.constant 0 : i32
      %dma_wait3A_646 = tpu.memref_slice %arg6[%dma_wait3A_636, %dma_wait3A_644, %dma_wait3A_645] : memref<4x4x100xi32, #tpu.memory_space<vmem>> -> memref<1x4x100xi32, #tpu.memory_space<vmem>>
      %dma_wait3A_647 = tpu.memref_squeeze %dma_wait3A_646 : memref<1x4x100xi32, #tpu.memory_space<vmem>> -> memref<4x100xi32, #tpu.memory_space<vmem>>
      %dma_wait3A_648 = arith.constant 0 : i32
      %dma_wait3A_649 = arith.constant 0 : i32
      %dma_wait3A_650 = tpu.memref_slice %arg2[%dma_wait3A_648, %dma_wait3A_649] : memref<8192x100xi32, #tpu.memory_space<hbm>> -> memref<4x100xi32, #tpu.memory_space<hbm>>
      tpu.wait_dma2 semaphore(%arg12 : memref<!tpu.dma_semaphore, #tpu.memory_space<semaphore_mem>>) src(%dma_wait3A_650 : memref<4x100xi32, #tpu.memory_space<hbm>>) dst(%dma_wait3A_647 : memref<4x100xi32, #tpu.memory_space<vmem>>)
      %dma_start3A_651 = arith.constant 3 : i32
      %dma_start3A_652 = arith.constant 0 : i32
      %dma_start3A_653 = arith.constant 3 : i32
      %dma_start3A_654 = arith.constant 0 : i32
      %dma_start3A_655 = arith.constant 0 : i32
      %dma_start3A_656 = arith.constant 0 : i32
      %dma_start3A_657 = tpu.memref_slice %arg7[%dma_start3A_653, %dma_start3A_654, %dma_start3A_655, %dma_start3A_656] : memref<4x4x100x64xf32, #tpu.memory_space<vmem>> -> memref<1x1x100x64xf32, #tpu.memory_space<vmem>>
      %dma_start3A_658 = tpu.memref_squeeze %dma_start3A_657 : memref<1x1x100x64xf32, #tpu.memory_space<vmem>> -> memref<100x64xf32, #tpu.memory_space<vmem>>
      %dma_start3A_659 = arith.constant 0 : i32
      %dma_start3A_660 = tpu.memref_slice %arg6[%dma_start3A_651, %dma_start3A_652, %dma_start3A_659] : memref<4x4x100xi32, #tpu.memory_space<vmem>> -> memref<1x1x100xi32, #tpu.memory_space<vmem>>
      %dma_start3A_661 = tpu.memref_squeeze %dma_start3A_660 : memref<1x1x100xi32, #tpu.memory_space<vmem>> -> memref<100xi32, #tpu.memory_space<vmem>>
      %dma_start3A_662 = arith.constant 0 : i32
      %dma_start3A_663 = arith.constant 0 : i32
      %dma_start3A_664 = tpu.memref_slice %arg3[%dma_start3A_662, %dma_start3A_663] : memref<100000x64xf32, #tpu.memory_space<hbm>> -> memref<100000x64xf32, #tpu.memory_space<hbm>>
      tpu.enqueue_indirect_dma source(%dma_start3A_664 : memref<100000x64xf32, #tpu.memory_space<hbm>>) target(%dma_start3A_658 : memref<100x64xf32, #tpu.memory_space<vmem>>) offsets(%dma_start3A_661 : memref<100xi32, #tpu.memory_space<vmem>>) semaphore(%arg16 : memref<!tpu.dma_semaphore, #tpu.memory_space<semaphore_mem>>)
      %dma_start3A_665 = arith.constant 3 : i32
      %dma_start3A_666 = arith.constant 1 : i32
      %dma_start3A_667 = arith.constant 3 : i32
      %dma_start3A_668 = arith.constant 1 : i32
      %dma_start3A_669 = arith.constant 0 : i32
      %dma_start3A_670 = arith.constant 0 : i32
      %dma_start3A_671 = tpu.memref_slice %arg7[%dma_start3A_667, %dma_start3A_668, %dma_start3A_669, %dma_start3A_670] : memref<4x4x100x64xf32, #tpu.memory_space<vmem>> -> memref<1x1x100x64xf32, #tpu.memory_space<vmem>>
      %dma_start3A_672 = tpu.memref_squeeze %dma_start3A_671 : memref<1x1x100x64xf32, #tpu.memory_space<vmem>> -> memref<100x64xf32, #tpu.memory_space<vmem>>
      %dma_start3A_673 = arith.constant 0 : i32
      %dma_start3A_674 = tpu.memref_slice %arg6[%dma_start3A_665, %dma_start3A_666, %dma_start3A_673] : memref<4x4x100xi32, #tpu.memory_space<vmem>> -> memref<1x1x100xi32, #tpu.memory_space<vmem>>
      %dma_start3A_675 = tpu.memref_squeeze %dma_start3A_674 : memref<1x1x100xi32, #tpu.memory_space<vmem>> -> memref<100xi32, #tpu.memory_space<vmem>>
      %dma_start3A_676 = arith.constant 0 : i32
      %dma_start3A_677 = arith.constant 0 : i32
      %dma_start3A_678 = tpu.memref_slice %arg3[%dma_start3A_676, %dma_start3A_677] : memref<100000x64xf32, #tpu.memory_space<hbm>> -> memref<100000x64xf32, #tpu.memory_space<hbm>>
      tpu.enqueue_indirect_dma source(%dma_start3A_678 : memref<100000x64xf32, #tpu.memory_space<hbm>>) target(%dma_start3A_672 : memref<100x64xf32, #tpu.memory_space<vmem>>) offsets(%dma_start3A_675 : memref<100xi32, #tpu.memory_space<vmem>>) semaphore(%arg16 : memref<!tpu.dma_semaphore, #tpu.memory_space<semaphore_mem>>)
      %dma_start3A_679 = arith.constant 3 : i32
      %dma_start3A_680 = arith.constant 2 : i32
      %dma_start3A_681 = arith.constant 3 : i32
      %dma_start3A_682 = arith.constant 2 : i32
      %dma_start3A_683 = arith.constant 0 : i32
      %dma_start3A_684 = arith.constant 0 : i32
      %dma_start3A_685 = tpu.memref_slice %arg7[%dma_start3A_681, %dma_start3A_682, %dma_start3A_683, %dma_start3A_684] : memref<4x4x100x64xf32, #tpu.memory_space<vmem>> -> memref<1x1x100x64xf32, #tpu.memory_space<vmem>>
      %dma_start3A_686 = tpu.memref_squeeze %dma_start3A_685 : memref<1x1x100x64xf32, #tpu.memory_space<vmem>> -> memref<100x64xf32, #tpu.memory_space<vmem>>
      %dma_start3A_687 = arith.constant 0 : i32
      %dma_start3A_688 = tpu.memref_slice %arg6[%dma_start3A_679, %dma_start3A_680, %dma_start3A_687] : memref<4x4x100xi32, #tpu.memory_space<vmem>> -> memref<1x1x100xi32, #tpu.memory_space<vmem>>
      %dma_start3A_689 = tpu.memref_squeeze %dma_start3A_688 : memref<1x1x100xi32, #tpu.memory_space<vmem>> -> memref<100xi32, #tpu.memory_space<vmem>>
      %dma_start3A_690 = arith.constant 0 : i32
      %dma_start3A_691 = arith.constant 0 : i32
      %dma_start3A_692 = tpu.memref_slice %arg3[%dma_start3A_690, %dma_start3A_691] : memref<100000x64xf32, #tpu.memory_space<hbm>> -> memref<100000x64xf32, #tpu.memory_space<hbm>>
      tpu.enqueue_indirect_dma source(%dma_start3A_692 : memref<100000x64xf32, #tpu.memory_space<hbm>>) target(%dma_start3A_686 : memref<100x64xf32, #tpu.memory_space<vmem>>) offsets(%dma_start3A_689 : memref<100xi32, #tpu.memory_space<vmem>>) semaphore(%arg16 : memref<!tpu.dma_semaphore, #tpu.memory_space<semaphore_mem>>)
      %dma_start3A_693 = arith.constant 3 : i32
      %dma_start3A_694 = arith.constant 3 : i32
      %dma_start3A_695 = arith.constant 3 : i32
      %dma_start3A_696 = arith.constant 3 : i32
      %dma_start3A_697 = arith.constant 0 : i32
      %dma_start3A_698 = arith.constant 0 : i32
      %dma_start3A_699 = tpu.memref_slice %arg7[%dma_start3A_695, %dma_start3A_696, %dma_start3A_697, %dma_start3A_698] : memref<4x4x100x64xf32, #tpu.memory_space<vmem>> -> memref<1x1x100x64xf32, #tpu.memory_space<vmem>>
      %dma_start3A_700 = tpu.memref_squeeze %dma_start3A_699 : memref<1x1x100x64xf32, #tpu.memory_space<vmem>> -> memref<100x64xf32, #tpu.memory_space<vmem>>
      %dma_start3A_701 = arith.constant 0 : i32
      %dma_start3A_702 = tpu.memref_slice %arg6[%dma_start3A_693, %dma_start3A_694, %dma_start3A_701] : memref<4x4x100xi32, #tpu.memory_space<vmem>> -> memref<1x1x100xi32, #tpu.memory_space<vmem>>
      %dma_start3A_703 = tpu.memref_squeeze %dma_start3A_702 : memref<1x1x100xi32, #tpu.memory_space<vmem>> -> memref<100xi32, #tpu.memory_space<vmem>>
      %dma_start3A_704 = arith.constant 0 : i32
      %dma_start3A_705 = arith.constant 0 : i32
      %dma_start3A_706 = tpu.memref_slice %arg3[%dma_start3A_704, %dma_start3A_705] : memref<100000x64xf32, #tpu.memory_space<hbm>> -> memref<100000x64xf32, #tpu.memory_space<hbm>>
      tpu.enqueue_indirect_dma source(%dma_start3A_706 : memref<100000x64xf32, #tpu.memory_space<hbm>>) target(%dma_start3A_700 : memref<100x64xf32, #tpu.memory_space<vmem>>) offsets(%dma_start3A_703 : memref<100xi32, #tpu.memory_space<vmem>>) semaphore(%arg16 : memref<!tpu.dma_semaphore, #tpu.memory_space<semaphore_mem>>)
      %dma_wait3A_707 = arith.constant 2 : i32
      %dma_wait3A_708 = arith.constant 0 : i32
      %dma_wait3A_709 = arith.constant 2 : i32
      %dma_wait3A_710 = arith.constant 0 : i32
      %dma_wait3A_711 = arith.constant 0 : i32
      %dma_wait3A_712 = arith.constant 0 : i32
      %dma_wait3A_713 = tpu.memref_slice %arg7[%dma_wait3A_709, %dma_wait3A_710, %dma_wait3A_711, %dma_wait3A_712] : memref<4x4x100x64xf32, #tpu.memory_space<vmem>> -> memref<1x1x100x64xf32, #tpu.memory_space<vmem>>
      %dma_wait3A_714 = tpu.memref_squeeze %dma_wait3A_713 : memref<1x1x100x64xf32, #tpu.memory_space<vmem>> -> memref<100x64xf32, #tpu.memory_space<vmem>>
      %dma_wait3A_715 = arith.constant 0 : i32
      %dma_wait3A_716 = tpu.memref_slice %arg6[%dma_wait3A_707, %dma_wait3A_708, %dma_wait3A_715] : memref<4x4x100xi32, #tpu.memory_space<vmem>> -> memref<1x1x100xi32, #tpu.memory_space<vmem>>
      %dma_wait3A_717 = tpu.memref_squeeze %dma_wait3A_716 : memref<1x1x100xi32, #tpu.memory_space<vmem>> -> memref<100xi32, #tpu.memory_space<vmem>>
      %dma_wait3A_718 = arith.constant 0 : i32
      %dma_wait3A_719 = arith.constant 0 : i32
      %dma_wait3A_720 = tpu.memref_slice %arg3[%dma_wait3A_718, %dma_wait3A_719] : memref<100000x64xf32, #tpu.memory_space<hbm>> -> memref<100000x64xf32, #tpu.memory_space<hbm>>
      tpu.wait_indirect_dma semaphore(%arg15 : memref<!tpu.dma_semaphore, #tpu.memory_space<semaphore_mem>>) src(%dma_wait3A_720 : memref<100000x64xf32, #tpu.memory_space<hbm>>) dst(%dma_wait3A_714 : memref<100x64xf32, #tpu.memory_space<vmem>>)
      %dma_wait3A_721 = arith.constant 2 : i32
      %dma_wait3A_722 = arith.constant 1 : i32
      %dma_wait3A_723 = arith.constant 2 : i32
      %dma_wait3A_724 = arith.constant 1 : i32
      %dma_wait3A_725 = arith.constant 0 : i32
      %dma_wait3A_726 = arith.constant 0 : i32
      %dma_wait3A_727 = tpu.memref_slice %arg7[%dma_wait3A_723, %dma_wait3A_724, %dma_wait3A_725, %dma_wait3A_726] : memref<4x4x100x64xf32, #tpu.memory_space<vmem>> -> memref<1x1x100x64xf32, #tpu.memory_space<vmem>>
      %dma_wait3A_728 = tpu.memref_squeeze %dma_wait3A_727 : memref<1x1x100x64xf32, #tpu.memory_space<vmem>> -> memref<100x64xf32, #tpu.memory_space<vmem>>
      %dma_wait3A_729 = arith.constant 0 : i32
      %dma_wait3A_730 = tpu.memref_slice %arg6[%dma_wait3A_721, %dma_wait3A_722, %dma_wait3A_729] : memref<4x4x100xi32, #tpu.memory_space<vmem>> -> memref<1x1x100xi32, #tpu.memory_space<vmem>>
      %dma_wait3A_731 = tpu.memref_squeeze %dma_wait3A_730 : memref<1x1x100xi32, #tpu.memory_space<vmem>> -> memref<100xi32, #tpu.memory_space<vmem>>
      %dma_wait3A_732 = arith.constant 0 : i32
      %dma_wait3A_733 = arith.constant 0 : i32
      %dma_wait3A_734 = tpu.memref_slice %arg3[%dma_wait3A_732, %dma_wait3A_733] : memref<100000x64xf32, #tpu.memory_space<hbm>> -> memref<100000x64xf32, #tpu.memory_space<hbm>>
      tpu.wait_indirect_dma semaphore(%arg15 : memref<!tpu.dma_semaphore, #tpu.memory_space<semaphore_mem>>) src(%dma_wait3A_734 : memref<100000x64xf32, #tpu.memory_space<hbm>>) dst(%dma_wait3A_728 : memref<100x64xf32, #tpu.memory_space<vmem>>)
      %dma_wait3A_735 = arith.constant 2 : i32
      %dma_wait3A_736 = arith.constant 2 : i32
      %dma_wait3A_737 = arith.constant 2 : i32
      %dma_wait3A_738 = arith.constant 2 : i32
      %dma_wait3A_739 = arith.constant 0 : i32
      %dma_wait3A_740 = arith.constant 0 : i32
      %dma_wait3A_741 = tpu.memref_slice %arg7[%dma_wait3A_737, %dma_wait3A_738, %dma_wait3A_739, %dma_wait3A_740] : memref<4x4x100x64xf32, #tpu.memory_space<vmem>> -> memref<1x1x100x64xf32, #tpu.memory_space<vmem>>
      %dma_wait3A_742 = tpu.memref_squeeze %dma_wait3A_741 : memref<1x1x100x64xf32, #tpu.memory_space<vmem>> -> memref<100x64xf32, #tpu.memory_space<vmem>>
      %dma_wait3A_743 = arith.constant 0 : i32
      %dma_wait3A_744 = tpu.memref_slice %arg6[%dma_wait3A_735, %dma_wait3A_736, %dma_wait3A_743] : memref<4x4x100xi32, #tpu.memory_space<vmem>> -> memref<1x1x100xi32, #tpu.memory_space<vmem>>
      %dma_wait3A_745 = tpu.memref_squeeze %dma_wait3A_744 : memref<1x1x100xi32, #tpu.memory_space<vmem>> -> memref<100xi32, #tpu.memory_space<vmem>>
      %dma_wait3A_746 = arith.constant 0 : i32
      %dma_wait3A_747 = arith.constant 0 : i32
      %dma_wait3A_748 = tpu.memref_slice %arg3[%dma_wait3A_746, %dma_wait3A_747] : memref<100000x64xf32, #tpu.memory_space<hbm>> -> memref<100000x64xf32, #tpu.memory_space<hbm>>
      tpu.wait_indirect_dma semaphore(%arg15 : memref<!tpu.dma_semaphore, #tpu.memory_space<semaphore_mem>>) src(%dma_wait3A_748 : memref<100000x64xf32, #tpu.memory_space<hbm>>) dst(%dma_wait3A_742 : memref<100x64xf32, #tpu.memory_space<vmem>>)
      %dma_wait3A_749 = arith.constant 2 : i32
      %dma_wait3A_750 = arith.constant 3 : i32
      %dma_wait3A_751 = arith.constant 2 : i32
      %dma_wait3A_752 = arith.constant 3 : i32
      %dma_wait3A_753 = arith.constant 0 : i32
      %dma_wait3A_754 = arith.constant 0 : i32
      %dma_wait3A_755 = tpu.memref_slice %arg7[%dma_wait3A_751, %dma_wait3A_752, %dma_wait3A_753, %dma_wait3A_754] : memref<4x4x100x64xf32, #tpu.memory_space<vmem>> -> memref<1x1x100x64xf32, #tpu.memory_space<vmem>>
      %dma_wait3A_756 = tpu.memref_squeeze %dma_wait3A_755 : memref<1x1x100x64xf32, #tpu.memory_space<vmem>> -> memref<100x64xf32, #tpu.memory_space<vmem>>
      %dma_wait3A_757 = arith.constant 0 : i32
      %dma_wait3A_758 = tpu.memref_slice %arg6[%dma_wait3A_749, %dma_wait3A_750, %dma_wait3A_757] : memref<4x4x100xi32, #tpu.memory_space<vmem>> -> memref<1x1x100xi32, #tpu.memory_space<vmem>>
      %dma_wait3A_759 = tpu.memref_squeeze %dma_wait3A_758 : memref<1x1x100xi32, #tpu.memory_space<vmem>> -> memref<100xi32, #tpu.memory_space<vmem>>
      %dma_wait3A_760 = arith.constant 0 : i32
      %dma_wait3A_761 = arith.constant 0 : i32
      %dma_wait3A_762 = tpu.memref_slice %arg3[%dma_wait3A_760, %dma_wait3A_761] : memref<100000x64xf32, #tpu.memory_space<hbm>> -> memref<100000x64xf32, #tpu.memory_space<hbm>>
      tpu.wait_indirect_dma semaphore(%arg15 : memref<!tpu.dma_semaphore, #tpu.memory_space<semaphore_mem>>) src(%dma_wait3A_762 : memref<100000x64xf32, #tpu.memory_space<hbm>>) dst(%dma_wait3A_756 : memref<100x64xf32, #tpu.memory_space<vmem>>)
      %scan3A_763 = arith.constant 0 : i32
      %scan3A_764 = arith.constant 100 : i32
      %scan3A_765 = arith.addi %scan3A_763, %scan3A_764 : i32
      %scan3A_766 = arith.constant 1 : i32
      scf.for %scan3A_797 = %scan3A_763 to %scan3A_765 step %scan3A_766  : i32 {
        %mul3A_798 = arith.constant 1 : i32
        %mul3A_799 = arith.muli %scan3A_797, %mul3A_798 : i32
        %add3A_800 = arith.constant 0 : i32
        %add3A_801 = arith.addi %add3A_800, %mul3A_799 : i32
        %get3A = arith.constant 0 : i32
        %get3A_802 = arith.index_cast %get3A : i32 to index
        %get3A_803 = arith.index_cast %add3A_801 : i32 to index
        %get3A_804 = arith.constant 0 : index
        %get3A_805 = tpu.vector_load %arg8[%get3A_802, %get3A_803, %get3A_804] {strides = array<i32>} : memref<4x100x64xf32, #tpu.memory_space<vmem>>, vector<1x1x16xf32>,
        %get3A_806 = vector.shape_cast %get3A_805 : vector<1x1x16xf32> to vector<16xf32>
        %swap3A = arith.constant 2 : i32
        %swap3A_807 = arith.constant 0 : i32
        %swap3A_808 = arith.index_cast %swap3A : i32 to index
        %swap3A_809 = arith.index_cast %swap3A_807 : i32 to index
        %swap3A_810 = arith.index_cast %add3A_801 : i32 to index
        %swap3A_811 = arith.constant 0 : index
        %swap3A_812 = tpu.vector_load %arg7[%swap3A_808, %swap3A_809, %swap3A_810, %swap3A_811] {strides = array<i32>} : memref<4x4x100x64xf32, #tpu.memory_space<vmem>>, vector<1x1x1x16xf32>,
        %swap3A_813 = vector.shape_cast %swap3A_812 : vector<1x1x1x16xf32> to vector<16xf32>
        %swap3A_814 = vector.shape_cast %get3A_806 : vector<16xf32> to vector<1x1x1x16xf32>
        tpu.vector_store %arg7[%swap3A_808, %swap3A_809, %swap3A_810, %swap3A_811], %swap3A_814 {add = true, strides = array<i32>} : memref<4x4x100x64xf32, #tpu.memory_space<vmem>>, vector<1x1x1x16xf32>,
        %get3A_815 = arith.constant 0 : i32
        %get3A_816 = arith.index_cast %get3A_815 : i32 to index
        %get3A_817 = arith.index_cast %add3A_801 : i32 to index
        %get3A_818 = arith.constant 16 : index
        %get3A_819 = tpu.vector_load %arg8[%get3A_816, %get3A_817, %get3A_818] {strides = array<i32>} : memref<4x100x64xf32, #tpu.memory_space<vmem>>, vector<1x1x16xf32>,
        %get3A_820 = vector.shape_cast %get3A_819 : vector<1x1x16xf32> to vector<16xf32>
        %swap3A_821 = arith.constant 2 : i32
        %swap3A_822 = arith.constant 0 : i32
        %swap3A_823 = arith.index_cast %swap3A_821 : i32 to index
        %swap3A_824 = arith.index_cast %swap3A_822 : i32 to index
        %swap3A_825 = arith.index_cast %add3A_801 : i32 to index
        %swap3A_826 = arith.constant 16 : index
        %swap3A_827 = tpu.vector_load %arg7[%swap3A_823, %swap3A_824, %swap3A_825, %swap3A_826] {strides = array<i32>} : memref<4x4x100x64xf32, #tpu.memory_space<vmem>>, vector<1x1x1x16xf32>,
        %swap3A_828 = vector.shape_cast %swap3A_827 : vector<1x1x1x16xf32> to vector<16xf32>
        %swap3A_829 = vector.shape_cast %get3A_820 : vector<16xf32> to vector<1x1x1x16xf32>
        tpu.vector_store %arg7[%swap3A_823, %swap3A_824, %swap3A_825, %swap3A_826], %swap3A_829 {add = true, strides = array<i32>} : memref<4x4x100x64xf32, #tpu.memory_space<vmem>>, vector<1x1x1x16xf32>,
        %get3A_830 = arith.constant 0 : i32
        %get3A_831 = arith.index_cast %get3A_830 : i32 to index
        %get3A_832 = arith.index_cast %add3A_801 : i32 to index
        %get3A_833 = arith.constant 32 : index
        %get3A_834 = tpu.vector_load %arg8[%get3A_831, %get3A_832, %get3A_833] {strides = array<i32>} : memref<4x100x64xf32, #tpu.memory_space<vmem>>, vector<1x1x16xf32>,
        %get3A_835 = vector.shape_cast %get3A_834 : vector<1x1x16xf32> to vector<16xf32>
        %swap3A_836 = arith.constant 2 : i32
        %swap3A_837 = arith.constant 0 : i32
        %swap3A_838 = arith.index_cast %swap3A_836 : i32 to index
        %swap3A_839 = arith.index_cast %swap3A_837 : i32 to index
        %swap3A_840 = arith.index_cast %add3A_801 : i32 to index
        %swap3A_841 = arith.constant 32 : index
        %swap3A_842 = tpu.vector_load %arg7[%swap3A_838, %swap3A_839, %swap3A_840, %swap3A_841] {strides = array<i32>} : memref<4x4x100x64xf32, #tpu.memory_space<vmem>>, vector<1x1x1x16xf32>,
        %swap3A_843 = vector.shape_cast %swap3A_842 : vector<1x1x1x16xf32> to vector<16xf32>
        %swap3A_844 = vector.shape_cast %get3A_835 : vector<16xf32> to vector<1x1x1x16xf32>
        tpu.vector_store %arg7[%swap3A_838, %swap3A_839, %swap3A_840, %swap3A_841], %swap3A_844 {add = true, strides = array<i32>} : memref<4x4x100x64xf32, #tpu.memory_space<vmem>>, vector<1x1x1x16xf32>,
        %get3A_845 = arith.constant 0 : i32
        %get3A_846 = arith.index_cast %get3A_845 : i32 to index
        %get3A_847 = arith.index_cast %add3A_801 : i32 to index
        %get3A_848 = arith.constant 48 : index
        %get3A_849 = tpu.vector_load %arg8[%get3A_846, %get3A_847, %get3A_848] {strides = array<i32>} : memref<4x100x64xf32, #tpu.memory_space<vmem>>, vector<1x1x16xf32>,
        %get3A_850 = vector.shape_cast %get3A_849 : vector<1x1x16xf32> to vector<16xf32>
        %swap3A_851 = arith.constant 2 : i32
        %swap3A_852 = arith.constant 0 : i32
        %swap3A_853 = arith.index_cast %swap3A_851 : i32 to index
        %swap3A_854 = arith.index_cast %swap3A_852 : i32 to index
        %swap3A_855 = arith.index_cast %add3A_801 : i32 to index
        %swap3A_856 = arith.constant 48 : index
        %swap3A_857 = tpu.vector_load %arg7[%swap3A_853, %swap3A_854, %swap3A_855, %swap3A_856] {strides = array<i32>} : memref<4x4x100x64xf32, #tpu.memory_space<vmem>>, vector<1x1x1x16xf32>,
        %swap3A_858 = vector.shape_cast %swap3A_857 : vector<1x1x1x16xf32> to vector<16xf32>
        %swap3A_859 = vector.shape_cast %get3A_850 : vector<16xf32> to vector<1x1x1x16xf32>
        tpu.vector_store %arg7[%swap3A_853, %swap3A_854, %swap3A_855, %swap3A_856], %swap3A_859 {add = true, strides = array<i32>} : memref<4x4x100x64xf32, #tpu.memory_space<vmem>>, vector<1x1x1x16xf32>,
        %get3A_860 = arith.constant 1 : i32
        %get3A_861 = arith.index_cast %get3A_860 : i32 to index
        %get3A_862 = arith.index_cast %add3A_801 : i32 to index
        %get3A_863 = arith.constant 0 : index
        %get3A_864 = tpu.vector_load %arg8[%get3A_861, %get3A_862, %get3A_863] {strides = array<i32>} : memref<4x100x64xf32, #tpu.memory_space<vmem>>, vector<1x1x16xf32>,
        %get3A_865 = vector.shape_cast %get3A_864 : vector<1x1x16xf32> to vector<16xf32>
        %swap3A_866 = arith.constant 2 : i32
        %swap3A_867 = arith.constant 1 : i32
        %swap3A_868 = arith.index_cast %swap3A_866 : i32 to index
        %swap3A_869 = arith.index_cast %swap3A_867 : i32 to index
        %swap3A_870 = arith.index_cast %add3A_801 : i32 to index
        %swap3A_871 = arith.constant 0 : index
        %swap3A_872 = tpu.vector_load %arg7[%swap3A_868, %swap3A_869, %swap3A_870, %swap3A_871] {strides = array<i32>} : memref<4x4x100x64xf32, #tpu.memory_space<vmem>>, vector<1x1x1x16xf32>,
        %swap3A_873 = vector.shape_cast %swap3A_872 : vector<1x1x1x16xf32> to vector<16xf32>
        %swap3A_874 = vector.shape_cast %get3A_865 : vector<16xf32> to vector<1x1x1x16xf32>
        tpu.vector_store %arg7[%swap3A_868, %swap3A_869, %swap3A_870, %swap3A_871], %swap3A_874 {add = true, strides = array<i32>} : memref<4x4x100x64xf32, #tpu.memory_space<vmem>>, vector<1x1x1x16xf32>,
        %get3A_875 = arith.constant 1 : i32
        %get3A_876 = arith.index_cast %get3A_875 : i32 to index
        %get3A_877 = arith.index_cast %add3A_801 : i32 to index
        %get3A_878 = arith.constant 16 : index
        %get3A_879 = tpu.vector_load %arg8[%get3A_876, %get3A_877, %get3A_878] {strides = array<i32>} : memref<4x100x64xf32, #tpu.memory_space<vmem>>, vector<1x1x16xf32>,
        %get3A_880 = vector.shape_cast %get3A_879 : vector<1x1x16xf32> to vector<16xf32>
        %swap3A_881 = arith.constant 2 : i32
        %swap3A_882 = arith.constant 1 : i32
        %swap3A_883 = arith.index_cast %swap3A_881 : i32 to index
        %swap3A_884 = arith.index_cast %swap3A_882 : i32 to index
        %swap3A_885 = arith.index_cast %add3A_801 : i32 to index
        %swap3A_886 = arith.constant 16 : index
        %swap3A_887 = tpu.vector_load %arg7[%swap3A_883, %swap3A_884, %swap3A_885, %swap3A_886] {strides = array<i32>} : memref<4x4x100x64xf32, #tpu.memory_space<vmem>>, vector<1x1x1x16xf32>,
        %swap3A_888 = vector.shape_cast %swap3A_887 : vector<1x1x1x16xf32> to vector<16xf32>
        %swap3A_889 = vector.shape_cast %get3A_880 : vector<16xf32> to vector<1x1x1x16xf32>
        tpu.vector_store %arg7[%swap3A_883, %swap3A_884, %swap3A_885, %swap3A_886], %swap3A_889 {add = true, strides = array<i32>} : memref<4x4x100x64xf32, #tpu.memory_space<vmem>>, vector<1x1x1x16xf32>,
        %get3A_890 = arith.constant 1 : i32
        %get3A_891 = arith.index_cast %get3A_890 : i32 to index
        %get3A_892 = arith.index_cast %add3A_801 : i32 to index
        %get3A_893 = arith.constant 32 : index
        %get3A_894 = tpu.vector_load %arg8[%get3A_891, %get3A_892, %get3A_893] {strides = array<i32>} : memref<4x100x64xf32, #tpu.memory_space<vmem>>, vector<1x1x16xf32>,
        %get3A_895 = vector.shape_cast %get3A_894 : vector<1x1x16xf32> to vector<16xf32>
        %swap3A_896 = arith.constant 2 : i32
        %swap3A_897 = arith.constant 1 : i32
        %swap3A_898 = arith.index_cast %swap3A_896 : i32 to index
        %swap3A_899 = arith.index_cast %swap3A_897 : i32 to index
        %swap3A_900 = arith.index_cast %add3A_801 : i32 to index
        %swap3A_901 = arith.constant 32 : index
        %swap3A_902 = tpu.vector_load %arg7[%swap3A_898, %swap3A_899, %swap3A_900, %swap3A_901] {strides = array<i32>} : memref<4x4x100x64xf32, #tpu.memory_space<vmem>>, vector<1x1x1x16xf32>,
        %swap3A_903 = vector.shape_cast %swap3A_902 : vector<1x1x1x16xf32> to vector<16xf32>
        %swap3A_904 = vector.shape_cast %get3A_895 : vector<16xf32> to vector<1x1x1x16xf32>
        tpu.vector_store %arg7[%swap3A_898, %swap3A_899, %swap3A_900, %swap3A_901], %swap3A_904 {add = true, strides = array<i32>} : memref<4x4x100x64xf32, #tpu.memory_space<vmem>>, vector<1x1x1x16xf32>,
        %get3A_905 = arith.constant 1 : i32
        %get3A_906 = arith.index_cast %get3A_905 : i32 to index
        %get3A_907 = arith.index_cast %add3A_801 : i32 to index
        %get3A_908 = arith.constant 48 : index
        %get3A_909 = tpu.vector_load %arg8[%get3A_906, %get3A_907, %get3A_908] {strides = array<i32>} : memref<4x100x64xf32, #tpu.memory_space<vmem>>, vector<1x1x16xf32>,
        %get3A_910 = vector.shape_cast %get3A_909 : vector<1x1x16xf32> to vector<16xf32>
        %swap3A_911 = arith.constant 2 : i32
        %swap3A_912 = arith.constant 1 : i32
        %swap3A_913 = arith.index_cast %swap3A_911 : i32 to index
        %swap3A_914 = arith.index_cast %swap3A_912 : i32 to index
        %swap3A_915 = arith.index_cast %add3A_801 : i32 to index
        %swap3A_916 = arith.constant 48 : index
        %swap3A_917 = tpu.vector_load %arg7[%swap3A_913, %swap3A_914, %swap3A_915, %swap3A_916] {strides = array<i32>} : memref<4x4x100x64xf32, #tpu.memory_space<vmem>>, vector<1x1x1x16xf32>,
        %swap3A_918 = vector.shape_cast %swap3A_917 : vector<1x1x1x16xf32> to vector<16xf32>
        %swap3A_919 = vector.shape_cast %get3A_910 : vector<16xf32> to vector<1x1x1x16xf32>
        tpu.vector_store %arg7[%swap3A_913, %swap3A_914, %swap3A_915, %swap3A_916], %swap3A_919 {add = true, strides = array<i32>} : memref<4x4x100x64xf32, #tpu.memory_space<vmem>>, vector<1x1x1x16xf32>,
        %get3A_920 = arith.constant 2 : i32
        %get3A_921 = arith.index_cast %get3A_920 : i32 to index
        %get3A_922 = arith.index_cast %add3A_801 : i32 to index
        %get3A_923 = arith.constant 0 : index
        %get3A_924 = tpu.vector_load %arg8[%get3A_921, %get3A_922, %get3A_923] {strides = array<i32>} : memref<4x100x64xf32, #tpu.memory_space<vmem>>, vector<1x1x16xf32>,
        %get3A_925 = vector.shape_cast %get3A_924 : vector<1x1x16xf32> to vector<16xf32>
        %swap3A_926 = arith.constant 2 : i32
        %swap3A_927 = arith.constant 2 : i32
        %swap3A_928 = arith.index_cast %swap3A_926 : i32 to index
        %swap3A_929 = arith.index_cast %swap3A_927 : i32 to index
        %swap3A_930 = arith.index_cast %add3A_801 : i32 to index
        %swap3A_931 = arith.constant 0 : index
        %swap3A_932 = tpu.vector_load %arg7[%swap3A_928, %swap3A_929, %swap3A_930, %swap3A_931] {strides = array<i32>} : memref<4x4x100x64xf32, #tpu.memory_space<vmem>>, vector<1x1x1x16xf32>,
        %swap3A_933 = vector.shape_cast %swap3A_932 : vector<1x1x1x16xf32> to vector<16xf32>
        %swap3A_934 = vector.shape_cast %get3A_925 : vector<16xf32> to vector<1x1x1x16xf32>
        tpu.vector_store %arg7[%swap3A_928, %swap3A_929, %swap3A_930, %swap3A_931], %swap3A_934 {add = true, strides = array<i32>} : memref<4x4x100x64xf32, #tpu.memory_space<vmem>>, vector<1x1x1x16xf32>,
        %get3A_935 = arith.constant 2 : i32
        %get3A_936 = arith.index_cast %get3A_935 : i32 to index
        %get3A_937 = arith.index_cast %add3A_801 : i32 to index
        %get3A_938 = arith.constant 16 : index
        %get3A_939 = tpu.vector_load %arg8[%get3A_936, %get3A_937, %get3A_938] {strides = array<i32>} : memref<4x100x64xf32, #tpu.memory_space<vmem>>, vector<1x1x16xf32>,
        %get3A_940 = vector.shape_cast %get3A_939 : vector<1x1x16xf32> to vector<16xf32>
        %swap3A_941 = arith.constant 2 : i32
        %swap3A_942 = arith.constant 2 : i32
        %swap3A_943 = arith.index_cast %swap3A_941 : i32 to index
        %swap3A_944 = arith.index_cast %swap3A_942 : i32 to index
        %swap3A_945 = arith.index_cast %add3A_801 : i32 to index
        %swap3A_946 = arith.constant 16 : index
        %swap3A_947 = tpu.vector_load %arg7[%swap3A_943, %swap3A_944, %swap3A_945, %swap3A_946] {strides = array<i32>} : memref<4x4x100x64xf32, #tpu.memory_space<vmem>>, vector<1x1x1x16xf32>,
        %swap3A_948 = vector.shape_cast %swap3A_947 : vector<1x1x1x16xf32> to vector<16xf32>
        %swap3A_949 = vector.shape_cast %get3A_940 : vector<16xf32> to vector<1x1x1x16xf32>
        tpu.vector_store %arg7[%swap3A_943, %swap3A_944, %swap3A_945, %swap3A_946], %swap3A_949 {add = true, strides = array<i32>} : memref<4x4x100x64xf32, #tpu.memory_space<vmem>>, vector<1x1x1x16xf32>,
        %get3A_950 = arith.constant 2 : i32
        %get3A_951 = arith.index_cast %get3A_950 : i32 to index
        %get3A_952 = arith.index_cast %add3A_801 : i32 to index
        %get3A_953 = arith.constant 32 : index
        %get3A_954 = tpu.vector_load %arg8[%get3A_951, %get3A_952, %get3A_953] {strides = array<i32>} : memref<4x100x64xf32, #tpu.memory_space<vmem>>, vector<1x1x16xf32>,
        %get3A_955 = vector.shape_cast %get3A_954 : vector<1x1x16xf32> to vector<16xf32>
        %swap3A_956 = arith.constant 2 : i32
        %swap3A_957 = arith.constant 2 : i32
        %swap3A_958 = arith.index_cast %swap3A_956 : i32 to index
        %swap3A_959 = arith.index_cast %swap3A_957 : i32 to index
        %swap3A_960 = arith.index_cast %add3A_801 : i32 to index
        %swap3A_961 = arith.constant 32 : index
        %swap3A_962 = tpu.vector_load %arg7[%swap3A_958, %swap3A_959, %swap3A_960, %swap3A_961] {strides = array<i32>} : memref<4x4x100x64xf32, #tpu.memory_space<vmem>>, vector<1x1x1x16xf32>,
        %swap3A_963 = vector.shape_cast %swap3A_962 : vector<1x1x1x16xf32> to vector<16xf32>
        %swap3A_964 = vector.shape_cast %get3A_955 : vector<16xf32> to vector<1x1x1x16xf32>
        tpu.vector_store %arg7[%swap3A_958, %swap3A_959, %swap3A_960, %swap3A_961], %swap3A_964 {add = true, strides = array<i32>} : memref<4x4x100x64xf32, #tpu.memory_space<vmem>>, vector<1x1x1x16xf32>,
        %get3A_965 = arith.constant 2 : i32
        %get3A_966 = arith.index_cast %get3A_965 : i32 to index
        %get3A_967 = arith.index_cast %add3A_801 : i32 to index
        %get3A_968 = arith.constant 48 : index
        %get3A_969 = tpu.vector_load %arg8[%get3A_966, %get3A_967, %get3A_968] {strides = array<i32>} : memref<4x100x64xf32, #tpu.memory_space<vmem>>, vector<1x1x16xf32>,
        %get3A_970 = vector.shape_cast %get3A_969 : vector<1x1x16xf32> to vector<16xf32>
        %swap3A_971 = arith.constant 2 : i32
        %swap3A_972 = arith.constant 2 : i32
        %swap3A_973 = arith.index_cast %swap3A_971 : i32 to index
        %swap3A_974 = arith.index_cast %swap3A_972 : i32 to index
        %swap3A_975 = arith.index_cast %add3A_801 : i32 to index
        %swap3A_976 = arith.constant 48 : index
        %swap3A_977 = tpu.vector_load %arg7[%swap3A_973, %swap3A_974, %swap3A_975, %swap3A_976] {strides = array<i32>} : memref<4x4x100x64xf32, #tpu.memory_space<vmem>>, vector<1x1x1x16xf32>,
        %swap3A_978 = vector.shape_cast %swap3A_977 : vector<1x1x1x16xf32> to vector<16xf32>
        %swap3A_979 = vector.shape_cast %get3A_970 : vector<16xf32> to vector<1x1x1x16xf32>
        tpu.vector_store %arg7[%swap3A_973, %swap3A_974, %swap3A_975, %swap3A_976], %swap3A_979 {add = true, strides = array<i32>} : memref<4x4x100x64xf32, #tpu.memory_space<vmem>>, vector<1x1x1x16xf32>,
        %get3A_980 = arith.constant 3 : i32
        %get3A_981 = arith.index_cast %get3A_980 : i32 to index
        %get3A_982 = arith.index_cast %add3A_801 : i32 to index
        %get3A_983 = arith.constant 0 : index
        %get3A_984 = tpu.vector_load %arg8[%get3A_981, %get3A_982, %get3A_983] {strides = array<i32>} : memref<4x100x64xf32, #tpu.memory_space<vmem>>, vector<1x1x16xf32>,
        %get3A_985 = vector.shape_cast %get3A_984 : vector<1x1x16xf32> to vector<16xf32>
        %swap3A_986 = arith.constant 2 : i32
        %swap3A_987 = arith.constant 3 : i32
        %swap3A_988 = arith.index_cast %swap3A_986 : i32 to index
        %swap3A_989 = arith.index_cast %swap3A_987 : i32 to index
        %swap3A_990 = arith.index_cast %add3A_801 : i32 to index
        %swap3A_991 = arith.constant 0 : index
        %swap3A_992 = tpu.vector_load %arg7[%swap3A_988, %swap3A_989, %swap3A_990, %swap3A_991] {strides = array<i32>} : memref<4x4x100x64xf32, #tpu.memory_space<vmem>>, vector<1x1x1x16xf32>,
        %swap3A_993 = vector.shape_cast %swap3A_992 : vector<1x1x1x16xf32> to vector<16xf32>
        %swap3A_994 = vector.shape_cast %get3A_985 : vector<16xf32> to vector<1x1x1x16xf32>
        tpu.vector_store %arg7[%swap3A_988, %swap3A_989, %swap3A_990, %swap3A_991], %swap3A_994 {add = true, strides = array<i32>} : memref<4x4x100x64xf32, #tpu.memory_space<vmem>>, vector<1x1x1x16xf32>,
        %get3A_995 = arith.constant 3 : i32
        %get3A_996 = arith.index_cast %get3A_995 : i32 to index
        %get3A_997 = arith.index_cast %add3A_801 : i32 to index
        %get3A_998 = arith.constant 16 : index
        %get3A_999 = tpu.vector_load %arg8[%get3A_996, %get3A_997, %get3A_998] {strides = array<i32>} : memref<4x100x64xf32, #tpu.memory_space<vmem>>, vector<1x1x16xf32>,
        %get3A_1000 = vector.shape_cast %get3A_999 : vector<1x1x16xf32> to vector<16xf32>
        %swap3A_1001 = arith.constant 2 : i32
        %swap3A_1002 = arith.constant 3 : i32
        %swap3A_1003 = arith.index_cast %swap3A_1001 : i32 to index
        %swap3A_1004 = arith.index_cast %swap3A_1002 : i32 to index
        %swap3A_1005 = arith.index_cast %add3A_801 : i32 to index
        %swap3A_1006 = arith.constant 16 : index
        %swap3A_1007 = tpu.vector_load %arg7[%swap3A_1003, %swap3A_1004, %swap3A_1005, %swap3A_1006] {strides = array<i32>} : memref<4x4x100x64xf32, #tpu.memory_space<vmem>>, vector<1x1x1x16xf32>,
        %swap3A_1008 = vector.shape_cast %swap3A_1007 : vector<1x1x1x16xf32> to vector<16xf32>
        %swap3A_1009 = vector.shape_cast %get3A_1000 : vector<16xf32> to vector<1x1x1x16xf32>
        tpu.vector_store %arg7[%swap3A_1003, %swap3A_1004, %swap3A_1005, %swap3A_1006], %swap3A_1009 {add = true, strides = array<i32>} : memref<4x4x100x64xf32, #tpu.memory_space<vmem>>, vector<1x1x1x16xf32>,
        %get3A_1010 = arith.constant 3 : i32
        %get3A_1011 = arith.index_cast %get3A_1010 : i32 to index
        %get3A_1012 = arith.index_cast %add3A_801 : i32 to index
        %get3A_1013 = arith.constant 32 : index
        %get3A_1014 = tpu.vector_load %arg8[%get3A_1011, %get3A_1012, %get3A_1013] {strides = array<i32>} : memref<4x100x64xf32, #tpu.memory_space<vmem>>, vector<1x1x16xf32>,
        %get3A_1015 = vector.shape_cast %get3A_1014 : vector<1x1x16xf32> to vector<16xf32>
        %swap3A_1016 = arith.constant 2 : i32
        %swap3A_1017 = arith.constant 3 : i32
        %swap3A_1018 = arith.index_cast %swap3A_1016 : i32 to index
        %swap3A_1019 = arith.index_cast %swap3A_1017 : i32 to index
        %swap3A_1020 = arith.index_cast %add3A_801 : i32 to index
        %swap3A_1021 = arith.constant 32 : index
        %swap3A_1022 = tpu.vector_load %arg7[%swap3A_1018, %swap3A_1019, %swap3A_1020, %swap3A_1021] {strides = array<i32>} : memref<4x4x100x64xf32, #tpu.memory_space<vmem>>, vector<1x1x1x16xf32>,
        %swap3A_1023 = vector.shape_cast %swap3A_1022 : vector<1x1x1x16xf32> to vector<16xf32>
        %swap3A_1024 = vector.shape_cast %get3A_1015 : vector<16xf32> to vector<1x1x1x16xf32>
        tpu.vector_store %arg7[%swap3A_1018, %swap3A_1019, %swap3A_1020, %swap3A_1021], %swap3A_1024 {add = true, strides = array<i32>} : memref<4x4x100x64xf32, #tpu.memory_space<vmem>>, vector<1x1x1x16xf32>,
        %get3A_1025 = arith.constant 3 : i32
        %get3A_1026 = arith.index_cast %get3A_1025 : i32 to index
        %get3A_1027 = arith.index_cast %add3A_801 : i32 to index
        %get3A_1028 = arith.constant 48 : index
        %get3A_1029 = tpu.vector_load %arg8[%get3A_1026, %get3A_1027, %get3A_1028] {strides = array<i32>} : memref<4x100x64xf32, #tpu.memory_space<vmem>>, vector<1x1x16xf32>,
        %get3A_1030 = vector.shape_cast %get3A_1029 : vector<1x1x16xf32> to vector<16xf32>
        %swap3A_1031 = arith.constant 2 : i32
        %swap3A_1032 = arith.constant 3 : i32
        %swap3A_1033 = arith.index_cast %swap3A_1031 : i32 to index
        %swap3A_1034 = arith.index_cast %swap3A_1032 : i32 to index
        %swap3A_1035 = arith.index_cast %add3A_801 : i32 to index
        %swap3A_1036 = arith.constant 48 : index
        %swap3A_1037 = tpu.vector_load %arg7[%swap3A_1033, %swap3A_1034, %swap3A_1035, %swap3A_1036] {strides = array<i32>} : memref<4x4x100x64xf32, #tpu.memory_space<vmem>>, vector<1x1x1x16xf32>,
        %swap3A_1038 = vector.shape_cast %swap3A_1037 : vector<1x1x1x16xf32> to vector<16xf32>
        %swap3A_1039 = vector.shape_cast %get3A_1030 : vector<16xf32> to vector<1x1x1x16xf32>
        tpu.vector_store %arg7[%swap3A_1033, %swap3A_1034, %swap3A_1035, %swap3A_1036], %swap3A_1039 {add = true, strides = array<i32>} : memref<4x4x100x64xf32, #tpu.memory_space<vmem>>, vector<1x1x1x16xf32>,
      }
      %scan3A_767 = arith.constant 100 : i32
      %sub3A_768 = arith.constant 1 : i32
      %sub3A_769 = arith.subi %add3A_635, %sub3A_768 : i32
      %mul3A_770 = arith.constant 4 : i32
      %mul3A_771 = arith.muli %sub3A_769, %mul3A_770 : i32
      %add3A_772 = arith.addi %mul3A_2, %mul3A_771 : i32
      %dma_start3A_773 = arith.constant 2 : i32
      %dma_start3A_774 = arith.constant 0 : i32
      %dma_start3A_775 = arith.constant 0 : i32
      %dma_start3A_776 = arith.constant 0 : i32
      %dma_start3A_777 = tpu.memref_slice %arg7[%dma_start3A_773, %dma_start3A_774, %dma_start3A_775, %dma_start3A_776] : memref<4x4x100x64xf32, #tpu.memory_space<vmem>> -> memref<1x4x100x64xf32, #tpu.memory_space<vmem>>
      %dma_start3A_778 = tpu.memref_squeeze %dma_start3A_777 : memref<1x4x100x64xf32, #tpu.memory_space<vmem>> -> memref<4x100x64xf32, #tpu.memory_space<vmem>>
      %dma_start3A_779 = arith.constant 0 : i32
      %dma_start3A_780 = arith.constant 0 : i32
      %dma_start3A_781 = tpu.memref_slice %arg5[%add3A_772, %dma_start3A_779, %dma_start3A_780] : memref<8192x100x64xf32, #tpu.memory_space<hbm>> -> memref<4x100x64xf32, #tpu.memory_space<hbm>>
      %dma_start3A_782 = arith.constant 0 : i32
      %dma_start3A_783 = arith.constant 0 : i32
      %dma_start3A_784 = tpu.memref_slice %arg5[%add3A_772, %dma_start3A_782, %dma_start3A_783] : memref<8192x100x64xf32, #tpu.memory_space<hbm>> -> memref<4x100x64xf32, #tpu.memory_space<hbm>>
      %dma_start3A_785 = arith.constant 0 : i32
      %dma_start3A_786 = arith.constant 0 : i32
      %dma_start3A_787 = arith.constant 0 : i32
      %dma_start3A_788 = tpu.memref_slice %arg7[%dma_start3A_773, %dma_start3A_785, %dma_start3A_786, %dma_start3A_787] : memref<4x4x100x64xf32, #tpu.memory_space<vmem>> -> memref<1x4x100x64xf32, #tpu.memory_space<vmem>>
      %dma_start3A_789 = tpu.memref_squeeze %dma_start3A_788 : memref<1x4x100x64xf32, #tpu.memory_space<vmem>> -> memref<4x100x64xf32, #tpu.memory_space<vmem>>
      tpu.enqueue_dma source(%dma_start3A_789 : memref<4x100x64xf32, #tpu.memory_space<vmem>>) target(%dma_start3A_784 : memref<4x100x64xf32, #tpu.memory_space<hbm>>) target_semaphore(%arg19 : memref<!tpu.dma_semaphore, #tpu.memory_space<semaphore_mem>>)
      %add3A_790 = arith.constant 2 : i32
      %add3A_791 = arith.addi %add3A_635, %add3A_790 : i32
      %lt3A_792 = arith.constant 64 : i32
      %lt3A_793 = arith.cmpi slt, %add3A_791, %lt3A_792 : i32
      %convert_element_type3A_794 = arith.extui %lt3A_793 : i1 to i32
      %cond3A_795 = arith.constant 0 : i32
      %cond3A_796 = arith.cmpi ne, %convert_element_type3A_794, %cond3A_795 : i32
      scf.if %cond3A_796 {
        %dma_wait3A_797 = arith.constant 1 : i32
        %dma_wait3A_798 = arith.constant 0 : i32
        %dma_wait3A_799 = arith.constant 0 : i32
        %dma_wait3A_800 = arith.constant 0 : i32
        %dma_wait3A_801 = tpu.memref_slice %arg7[%dma_wait3A_797, %dma_wait3A_798, %dma_wait3A_799, %dma_wait3A_800] : memref<4x4x100x64xf32, #tpu.memory_space<vmem>> -> memref<1x4x100x64xf32, #tpu.memory_space<vmem>>
        %dma_wait3A_802 = tpu.memref_squeeze %dma_wait3A_801 : memref<1x4x100x64xf32, #tpu.memory_space<vmem>> -> memref<4x100x64xf32, #tpu.memory_space<vmem>>
        %dma_wait3A_803 = arith.constant 0 : i32
        %dma_wait3A_804 = arith.constant 0 : i32
        %dma_wait3A_805 = arith.constant 0 : i32
        %dma_wait3A_806 = tpu.memref_slice %arg5[%dma_wait3A_803, %dma_wait3A_804, %dma_wait3A_805] : memref<8192x100x64xf32, #tpu.memory_space<hbm>> -> memref<4x100x64xf32, #tpu.memory_space<hbm>>
        %dma_wait3A_807 = arith.constant 0 : i32
        %dma_wait3A_808 = arith.constant 0 : i32
        %dma_wait3A_809 = arith.constant 0 : i32
        %dma_wait3A_810 = tpu.memref_slice %arg5[%dma_wait3A_807, %dma_wait3A_808, %dma_wait3A_809] : memref<8192x100x64xf32, #tpu.memory_space<hbm>> -> memref<4x100x64xf32, #tpu.memory_space<hbm>>
        %dma_wait3A_811 = arith.constant 0 : i32
        %dma_wait3A_812 = arith.constant 0 : i32
        %dma_wait3A_813 = arith.constant 0 : i32
        %dma_wait3A_814 = tpu.memref_slice %arg7[%dma_wait3A_797, %dma_wait3A_811, %dma_wait3A_812, %dma_wait3A_813] : memref<4x4x100x64xf32, #tpu.memory_space<vmem>> -> memref<1x4x100x64xf32, #tpu.memory_space<vmem>>
        %dma_wait3A_815 = tpu.memref_squeeze %dma_wait3A_814 : memref<1x4x100x64xf32, #tpu.memory_space<vmem>> -> memref<4x100x64xf32, #tpu.memory_space<vmem>>
        tpu.wait_dma2 semaphore(%arg18 : memref<!tpu.dma_semaphore, #tpu.memory_space<semaphore_mem>>) src(%dma_wait3A_815 : memref<4x100x64xf32, #tpu.memory_space<vmem>>) dst(%dma_wait3A_810 : memref<4x100x64xf32, #tpu.memory_space<hbm>>)
        %add3A_816 = arith.constant 2 : i32
        %add3A_817 = arith.addi %add3A_635, %add3A_816 : i32
        %mul3A_818 = arith.constant 4 : i32
        %mul3A_819 = arith.muli %add3A_817, %mul3A_818 : i32
        %add3A_820 = arith.addi %mul3A_2, %mul3A_819 : i32
        %dma_start3A_821 = arith.constant 1 : i32
        %dma_start3A_822 = arith.constant 0 : i32
        %dma_start3A_823 = arith.constant 0 : i32
        %dma_start3A_824 = tpu.memref_slice %arg6[%dma_start3A_821, %dma_start3A_822, %dma_start3A_823] : memref<4x4x100xi32, #tpu.memory_space<vmem>> -> memref<1x4x100xi32, #tpu.memory_space<vmem>>
        %dma_start3A_825 = tpu.memref_squeeze %dma_start3A_824 : memref<1x4x100xi32, #tpu.memory_space<vmem>> -> memref<4x100xi32, #tpu.memory_space<vmem>>
        %dma_start3A_826 = arith.constant 0 : i32
        %dma_start3A_827 = tpu.memref_slice %arg2[%add3A_820, %dma_start3A_826] : memref<8192x100xi32, #tpu.memory_space<hbm>> -> memref<4x100xi32, #tpu.memory_space<hbm>>
        %dma_start3A_828 = arith.constant 0 : i32
        %dma_start3A_829 = arith.constant 0 : i32
        %dma_start3A_830 = tpu.memref_slice %arg6[%dma_start3A_821, %dma_start3A_828, %dma_start3A_829] : memref<4x4x100xi32, #tpu.memory_space<vmem>> -> memref<1x4x100xi32, #tpu.memory_space<vmem>>
        %dma_start3A_831 = tpu.memref_squeeze %dma_start3A_830 : memref<1x4x100xi32, #tpu.memory_space<vmem>> -> memref<4x100xi32, #tpu.memory_space<vmem>>
        %dma_start3A_832 = arith.constant 0 : i32
        %dma_start3A_833 = tpu.memref_slice %arg2[%add3A_820, %dma_start3A_832] : memref<8192x100xi32, #tpu.memory_space<hbm>> -> memref<4x100xi32, #tpu.memory_space<hbm>>
        tpu.enqueue_dma source(%dma_start3A_833 : memref<4x100xi32, #tpu.memory_space<hbm>>) target(%dma_start3A_831 : memref<4x100xi32, #tpu.memory_space<vmem>>) target_semaphore(%arg10 : memref<!tpu.dma_semaphore, #tpu.memory_space<semaphore_mem>>)
      } else {
      }
    }
    %scan3A_35 = arith.constant 16 : i32
    %dma_wait3A = arith.constant 3 : i32
    %dma_wait3A_36 = arith.constant 0 : i32
    %dma_wait3A_37 = arith.constant 3 : i32
    %dma_wait3A_38 = arith.constant 0 : i32
    %dma_wait3A_39 = arith.constant 0 : i32
    %dma_wait3A_40 = arith.constant 0 : i32
    %dma_wait3A_41 = tpu.memref_slice %arg7[%dma_wait3A_37, %dma_wait3A_38, %dma_wait3A_39, %dma_wait3A_40] : memref<4x4x100x64xf32, #tpu.memory_space<vmem>> -> memref<1x1x100x64xf32, #tpu.memory_space<vmem>>
    %dma_wait3A_42 = tpu.memref_squeeze %dma_wait3A_41 : memref<1x1x100x64xf32, #tpu.memory_space<vmem>> -> memref<100x64xf32, #tpu.memory_space<vmem>>
    %dma_wait3A_43 = arith.constant 0 : i32
    %dma_wait3A_44 = tpu.memref_slice %arg6[%dma_wait3A, %dma_wait3A_36, %dma_wait3A_43] : memref<4x4x100xi32, #tpu.memory_space<vmem>> -> memref<1x1x100xi32, #tpu.memory_space<vmem>>
    %dma_wait3A_45 = tpu.memref_squeeze %dma_wait3A_44 : memref<1x1x100xi32, #tpu.memory_space<vmem>> -> memref<100xi32, #tpu.memory_space<vmem>>
    %dma_wait3A_46 = arith.constant 0 : i32
    %dma_wait3A_47 = arith.constant 0 : i32
    %dma_wait3A_48 = tpu.memref_slice %arg3[%dma_wait3A_46, %dma_wait3A_47] : memref<100000x64xf32, #tpu.memory_space<hbm>> -> memref<100000x64xf32, #tpu.memory_space<hbm>>
    tpu.wait_indirect_dma semaphore(%arg16 : memref<!tpu.dma_semaphore, #tpu.memory_space<semaphore_mem>>) src(%dma_wait3A_48 : memref<100000x64xf32, #tpu.memory_space<hbm>>) dst(%dma_wait3A_42 : memref<100x64xf32, #tpu.memory_space<vmem>>)
    %dma_wait3A_49 = arith.constant 3 : i32
    %dma_wait3A_50 = arith.constant 1 : i32
    %dma_wait3A_51 = arith.constant 3 : i32
    %dma_wait3A_52 = arith.constant 1 : i32
    %dma_wait3A_53 = arith.constant 0 : i32
    %dma_wait3A_54 = arith.constant 0 : i32
    %dma_wait3A_55 = tpu.memref_slice %arg7[%dma_wait3A_51, %dma_wait3A_52, %dma_wait3A_53, %dma_wait3A_54] : memref<4x4x100x64xf32, #tpu.memory_space<vmem>> -> memref<1x1x100x64xf32, #tpu.memory_space<vmem>>
    %dma_wait3A_56 = tpu.memref_squeeze %dma_wait3A_55 : memref<1x1x100x64xf32, #tpu.memory_space<vmem>> -> memref<100x64xf32, #tpu.memory_space<vmem>>
    %dma_wait3A_57 = arith.constant 0 : i32
    %dma_wait3A_58 = tpu.memref_slice %arg6[%dma_wait3A_49, %dma_wait3A_50, %dma_wait3A_57] : memref<4x4x100xi32, #tpu.memory_space<vmem>> -> memref<1x1x100xi32, #tpu.memory_space<vmem>>
    %dma_wait3A_59 = tpu.memref_squeeze %dma_wait3A_58 : memref<1x1x100xi32, #tpu.memory_space<vmem>> -> memref<100xi32, #tpu.memory_space<vmem>>
    %dma_wait3A_60 = arith.constant 0 : i32
    %dma_wait3A_61 = arith.constant 0 : i32
    %dma_wait3A_62 = tpu.memref_slice %arg3[%dma_wait3A_60, %dma_wait3A_61] : memref<100000x64xf32, #tpu.memory_space<hbm>> -> memref<100000x64xf32, #tpu.memory_space<hbm>>
    tpu.wait_indirect_dma semaphore(%arg16 : memref<!tpu.dma_semaphore, #tpu.memory_space<semaphore_mem>>) src(%dma_wait3A_62 : memref<100000x64xf32, #tpu.memory_space<hbm>>) dst(%dma_wait3A_56 : memref<100x64xf32, #tpu.memory_space<vmem>>)
    %dma_wait3A_63 = arith.constant 3 : i32
    %dma_wait3A_64 = arith.constant 2 : i32
    %dma_wait3A_65 = arith.constant 3 : i32
    %dma_wait3A_66 = arith.constant 2 : i32
    %dma_wait3A_67 = arith.constant 0 : i32
    %dma_wait3A_68 = arith.constant 0 : i32
    %dma_wait3A_69 = tpu.memref_slice %arg7[%dma_wait3A_65, %dma_wait3A_66, %dma_wait3A_67, %dma_wait3A_68] : memref<4x4x100x64xf32, #tpu.memory_space<vmem>> -> memref<1x1x100x64xf32, #tpu.memory_space<vmem>>
    %dma_wait3A_70 = tpu.memref_squeeze %dma_wait3A_69 : memref<1x1x100x64xf32, #tpu.memory_space<vmem>> -> memref<100x64xf32, #tpu.memory_space<vmem>>
    %dma_wait3A_71 = arith.constant 0 : i32
    %dma_wait3A_72 = tpu.memref_slice %arg6[%dma_wait3A_63, %dma_wait3A_64, %dma_wait3A_71] : memref<4x4x100xi32, #tpu.memory_space<vmem>> -> memref<1x1x100xi32, #tpu.memory_space<vmem>>
    %dma_wait3A_73 = tpu.memref_squeeze %dma_wait3A_72 : memref<1x1x100xi32, #tpu.memory_space<vmem>> -> memref<100xi32, #tpu.memory_space<vmem>>
    %dma_wait3A_74 = arith.constant 0 : i32
    %dma_wait3A_75 = arith.constant 0 : i32
    %dma_wait3A_76 = tpu.memref_slice %arg3[%dma_wait3A_74, %dma_wait3A_75] : memref<100000x64xf32, #tpu.memory_space<hbm>> -> memref<100000x64xf32, #tpu.memory_space<hbm>>
    tpu.wait_indirect_dma semaphore(%arg16 : memref<!tpu.dma_semaphore, #tpu.memory_space<semaphore_mem>>) src(%dma_wait3A_76 : memref<100000x64xf32, #tpu.memory_space<hbm>>) dst(%dma_wait3A_70 : memref<100x64xf32, #tpu.memory_space<vmem>>)
    %dma_wait3A_77 = arith.constant 3 : i32
    %dma_wait3A_78 = arith.constant 3 : i32
    %dma_wait3A_79 = arith.constant 3 : i32
    %dma_wait3A_80 = arith.constant 3 : i32
    %dma_wait3A_81 = arith.constant 0 : i32
    %dma_wait3A_82 = arith.constant 0 : i32
    %dma_wait3A_83 = tpu.memref_slice %arg7[%dma_wait3A_79, %dma_wait3A_80, %dma_wait3A_81, %dma_wait3A_82] : memref<4x4x100x64xf32, #tpu.memory_space<vmem>> -> memref<1x1x100x64xf32, #tpu.memory_space<vmem>>
    %dma_wait3A_84 = tpu.memref_squeeze %dma_wait3A_83 : memref<1x1x100x64xf32, #tpu.memory_space<vmem>> -> memref<100x64xf32, #tpu.memory_space<vmem>>
    %dma_wait3A_85 = arith.constant 0 : i32
    %dma_wait3A_86 = tpu.memref_slice %arg6[%dma_wait3A_77, %dma_wait3A_78, %dma_wait3A_85] : memref<4x4x100xi32, #tpu.memory_space<vmem>> -> memref<1x1x100xi32, #tpu.memory_space<vmem>>
    %dma_wait3A_87 = tpu.memref_squeeze %dma_wait3A_86 : memref<1x1x100xi32, #tpu.memory_space<vmem>> -> memref<100xi32, #tpu.memory_space<vmem>>
    %dma_wait3A_88 = arith.constant 0 : i32
    %dma_wait3A_89 = arith.constant 0 : i32
    %dma_wait3A_90 = tpu.memref_slice %arg3[%dma_wait3A_88, %dma_wait3A_89] : memref<100000x64xf32, #tpu.memory_space<hbm>> -> memref<100000x64xf32, #tpu.memory_space<hbm>>
    tpu.wait_indirect_dma semaphore(%arg16 : memref<!tpu.dma_semaphore, #tpu.memory_space<semaphore_mem>>) src(%dma_wait3A_90 : memref<100000x64xf32, #tpu.memory_space<hbm>>) dst(%dma_wait3A_84 : memref<100x64xf32, #tpu.memory_space<vmem>>)
    %scan3A_91 = arith.constant 0 : i32
    %scan3A_92 = arith.constant 100 : i32
    %scan3A_93 = arith.addi %scan3A_91, %scan3A_92 : i32
    %scan3A_94 = arith.constant 1 : i32
    scf.for %scan3A_191 = %scan3A_91 to %scan3A_93 step %scan3A_94  : i32 {
      %mul3A_192 = arith.constant 1 : i32
      %mul3A_193 = arith.muli %scan3A_191, %mul3A_192 : i32
      %add3A_194 = arith.constant 0 : i32
      %add3A_195 = arith.addi %add3A_194, %mul3A_193 : i32
      %get3A = arith.constant 0 : i32
      %get3A_196 = arith.index_cast %get3A : i32 to index
      %get3A_197 = arith.index_cast %add3A_195 : i32 to index
      %get3A_198 = arith.constant 0 : index
      %get3A_199 = tpu.vector_load %arg8[%get3A_196, %get3A_197, %get3A_198] {strides = array<i32>} : memref<4x100x64xf32, #tpu.memory_space<vmem>>, vector<1x1x16xf32>,
      %get3A_200 = vector.shape_cast %get3A_199 : vector<1x1x16xf32> to vector<16xf32>
      %swap3A = arith.constant 3 : i32
      %swap3A_201 = arith.constant 0 : i32
      %swap3A_202 = arith.index_cast %swap3A : i32 to index
      %swap3A_203 = arith.index_cast %swap3A_201 : i32 to index
      %swap3A_204 = arith.index_cast %add3A_195 : i32 to index
      %swap3A_205 = arith.constant 0 : index
      %swap3A_206 = tpu.vector_load %arg7[%swap3A_202, %swap3A_203, %swap3A_204, %swap3A_205] {strides = array<i32>} : memref<4x4x100x64xf32, #tpu.memory_space<vmem>>, vector<1x1x1x16xf32>,
      %swap3A_207 = vector.shape_cast %swap3A_206 : vector<1x1x1x16xf32> to vector<16xf32>
      %swap3A_208 = vector.shape_cast %get3A_200 : vector<16xf32> to vector<1x1x1x16xf32>
      tpu.vector_store %arg7[%swap3A_202, %swap3A_203, %swap3A_204, %swap3A_205], %swap3A_208 {add = true, strides = array<i32>} : memref<4x4x100x64xf32, #tpu.memory_space<vmem>>, vector<1x1x1x16xf32>,
      %get3A_209 = arith.constant 0 : i32
      %get3A_210 = arith.index_cast %get3A_209 : i32 to index
      %get3A_211 = arith.index_cast %add3A_195 : i32 to index
      %get3A_212 = arith.constant 16 : index
      %get3A_213 = tpu.vector_load %arg8[%get3A_210, %get3A_211, %get3A_212] {strides = array<i32>} : memref<4x100x64xf32, #tpu.memory_space<vmem>>, vector<1x1x16xf32>,
      %get3A_214 = vector.shape_cast %get3A_213 : vector<1x1x16xf32> to vector<16xf32>
      %swap3A_215 = arith.constant 3 : i32
      %swap3A_216 = arith.constant 0 : i32
      %swap3A_217 = arith.index_cast %swap3A_215 : i32 to index
      %swap3A_218 = arith.index_cast %swap3A_216 : i32 to index
      %swap3A_219 = arith.index_cast %add3A_195 : i32 to index
      %swap3A_220 = arith.constant 16 : index
      %swap3A_221 = tpu.vector_load %arg7[%swap3A_217, %swap3A_218, %swap3A_219, %swap3A_220] {strides = array<i32>} : memref<4x4x100x64xf32, #tpu.memory_space<vmem>>, vector<1x1x1x16xf32>,
      %swap3A_222 = vector.shape_cast %swap3A_221 : vector<1x1x1x16xf32> to vector<16xf32>
      %swap3A_223 = vector.shape_cast %get3A_214 : vector<16xf32> to vector<1x1x1x16xf32>
      tpu.vector_store %arg7[%swap3A_217, %swap3A_218, %swap3A_219, %swap3A_220], %swap3A_223 {add = true, strides = array<i32>} : memref<4x4x100x64xf32, #tpu.memory_space<vmem>>, vector<1x1x1x16xf32>,
      %get3A_224 = arith.constant 0 : i32
      %get3A_225 = arith.index_cast %get3A_224 : i32 to index
      %get3A_226 = arith.index_cast %add3A_195 : i32 to index
      %get3A_227 = arith.constant 32 : index
      %get3A_228 = tpu.vector_load %arg8[%get3A_225, %get3A_226, %get3A_227] {strides = array<i32>} : memref<4x100x64xf32, #tpu.memory_space<vmem>>, vector<1x1x16xf32>,
      %get3A_229 = vector.shape_cast %get3A_228 : vector<1x1x16xf32> to vector<16xf32>
      %swap3A_230 = arith.constant 3 : i32
      %swap3A_231 = arith.constant 0 : i32
      %swap3A_232 = arith.index_cast %swap3A_230 : i32 to index
      %swap3A_233 = arith.index_cast %swap3A_231 : i32 to index
      %swap3A_234 = arith.index_cast %add3A_195 : i32 to index
      %swap3A_235 = arith.constant 32 : index
      %swap3A_236 = tpu.vector_load %arg7[%swap3A_232, %swap3A_233, %swap3A_234, %swap3A_235] {strides = array<i32>} : memref<4x4x100x64xf32, #tpu.memory_space<vmem>>, vector<1x1x1x16xf32>,
      %swap3A_237 = vector.shape_cast %swap3A_236 : vector<1x1x1x16xf32> to vector<16xf32>
      %swap3A_238 = vector.shape_cast %get3A_229 : vector<16xf32> to vector<1x1x1x16xf32>
      tpu.vector_store %arg7[%swap3A_232, %swap3A_233, %swap3A_234, %swap3A_235], %swap3A_238 {add = true, strides = array<i32>} : memref<4x4x100x64xf32, #tpu.memory_space<vmem>>, vector<1x1x1x16xf32>,
      %get3A_239 = arith.constant 0 : i32
      %get3A_240 = arith.index_cast %get3A_239 : i32 to index
      %get3A_241 = arith.index_cast %add3A_195 : i32 to index
      %get3A_242 = arith.constant 48 : index
      %get3A_243 = tpu.vector_load %arg8[%get3A_240, %get3A_241, %get3A_242] {strides = array<i32>} : memref<4x100x64xf32, #tpu.memory_space<vmem>>, vector<1x1x16xf32>,
      %get3A_244 = vector.shape_cast %get3A_243 : vector<1x1x16xf32> to vector<16xf32>
      %swap3A_245 = arith.constant 3 : i32
      %swap3A_246 = arith.constant 0 : i32
      %swap3A_247 = arith.index_cast %swap3A_245 : i32 to index
      %swap3A_248 = arith.index_cast %swap3A_246 : i32 to index
      %swap3A_249 = arith.index_cast %add3A_195 : i32 to index
      %swap3A_250 = arith.constant 48 : index
      %swap3A_251 = tpu.vector_load %arg7[%swap3A_247, %swap3A_248, %swap3A_249, %swap3A_250] {strides = array<i32>} : memref<4x4x100x64xf32, #tpu.memory_space<vmem>>, vector<1x1x1x16xf32>,
      %swap3A_252 = vector.shape_cast %swap3A_251 : vector<1x1x1x16xf32> to vector<16xf32>
      %swap3A_253 = vector.shape_cast %get3A_244 : vector<16xf32> to vector<1x1x1x16xf32>
      tpu.vector_store %arg7[%swap3A_247, %swap3A_248, %swap3A_249, %swap3A_250], %swap3A_253 {add = true, strides = array<i32>} : memref<4x4x100x64xf32, #tpu.memory_space<vmem>>, vector<1x1x1x16xf32>,
      %get3A_254 = arith.constant 1 : i32
      %get3A_255 = arith.index_cast %get3A_254 : i32 to index
      %get3A_256 = arith.index_cast %add3A_195 : i32 to index
      %get3A_257 = arith.constant 0 : index
      %get3A_258 = tpu.vector_load %arg8[%get3A_255, %get3A_256, %get3A_257] {strides = array<i32>} : memref<4x100x64xf32, #tpu.memory_space<vmem>>, vector<1x1x16xf32>,
      %get3A_259 = vector.shape_cast %get3A_258 : vector<1x1x16xf32> to vector<16xf32>
      %swap3A_260 = arith.constant 3 : i32
      %swap3A_261 = arith.constant 1 : i32
      %swap3A_262 = arith.index_cast %swap3A_260 : i32 to index
      %swap3A_263 = arith.index_cast %swap3A_261 : i32 to index
      %swap3A_264 = arith.index_cast %add3A_195 : i32 to index
      %swap3A_265 = arith.constant 0 : index
      %swap3A_266 = tpu.vector_load %arg7[%swap3A_262, %swap3A_263, %swap3A_264, %swap3A_265] {strides = array<i32>} : memref<4x4x100x64xf32, #tpu.memory_space<vmem>>, vector<1x1x1x16xf32>,
      %swap3A_267 = vector.shape_cast %swap3A_266 : vector<1x1x1x16xf32> to vector<16xf32>
      %swap3A_268 = vector.shape_cast %get3A_259 : vector<16xf32> to vector<1x1x1x16xf32>
      tpu.vector_store %arg7[%swap3A_262, %swap3A_263, %swap3A_264, %swap3A_265], %swap3A_268 {add = true, strides = array<i32>} : memref<4x4x100x64xf32, #tpu.memory_space<vmem>>, vector<1x1x1x16xf32>,
      %get3A_269 = arith.constant 1 : i32
      %get3A_270 = arith.index_cast %get3A_269 : i32 to index
      %get3A_271 = arith.index_cast %add3A_195 : i32 to index
      %get3A_272 = arith.constant 16 : index
      %get3A_273 = tpu.vector_load %arg8[%get3A_270, %get3A_271, %get3A_272] {strides = array<i32>} : memref<4x100x64xf32, #tpu.memory_space<vmem>>, vector<1x1x16xf32>,
      %get3A_274 = vector.shape_cast %get3A_273 : vector<1x1x16xf32> to vector<16xf32>
      %swap3A_275 = arith.constant 3 : i32
      %swap3A_276 = arith.constant 1 : i32
      %swap3A_277 = arith.index_cast %swap3A_275 : i32 to index
      %swap3A_278 = arith.index_cast %swap3A_276 : i32 to index
      %swap3A_279 = arith.index_cast %add3A_195 : i32 to index
      %swap3A_280 = arith.constant 16 : index
      %swap3A_281 = tpu.vector_load %arg7[%swap3A_277, %swap3A_278, %swap3A_279, %swap3A_280] {strides = array<i32>} : memref<4x4x100x64xf32, #tpu.memory_space<vmem>>, vector<1x1x1x16xf32>,
      %swap3A_282 = vector.shape_cast %swap3A_281 : vector<1x1x1x16xf32> to vector<16xf32>
      %swap3A_283 = vector.shape_cast %get3A_274 : vector<16xf32> to vector<1x1x1x16xf32>
      tpu.vector_store %arg7[%swap3A_277, %swap3A_278, %swap3A_279, %swap3A_280], %swap3A_283 {add = true, strides = array<i32>} : memref<4x4x100x64xf32, #tpu.memory_space<vmem>>, vector<1x1x1x16xf32>,
      %get3A_284 = arith.constant 1 : i32
      %get3A_285 = arith.index_cast %get3A_284 : i32 to index
      %get3A_286 = arith.index_cast %add3A_195 : i32 to index
      %get3A_287 = arith.constant 32 : index
      %get3A_288 = tpu.vector_load %arg8[%get3A_285, %get3A_286, %get3A_287] {strides = array<i32>} : memref<4x100x64xf32, #tpu.memory_space<vmem>>, vector<1x1x16xf32>,
      %get3A_289 = vector.shape_cast %get3A_288 : vector<1x1x16xf32> to vector<16xf32>
      %swap3A_290 = arith.constant 3 : i32
      %swap3A_291 = arith.constant 1 : i32
      %swap3A_292 = arith.index_cast %swap3A_290 : i32 to index
      %swap3A_293 = arith.index_cast %swap3A_291 : i32 to index
      %swap3A_294 = arith.index_cast %add3A_195 : i32 to index
      %swap3A_295 = arith.constant 32 : index
      %swap3A_296 = tpu.vector_load %arg7[%swap3A_292, %swap3A_293, %swap3A_294, %swap3A_295] {strides = array<i32>} : memref<4x4x100x64xf32, #tpu.memory_space<vmem>>, vector<1x1x1x16xf32>,
      %swap3A_297 = vector.shape_cast %swap3A_296 : vector<1x1x1x16xf32> to vector<16xf32>
      %swap3A_298 = vector.shape_cast %get3A_289 : vector<16xf32> to vector<1x1x1x16xf32>
      tpu.vector_store %arg7[%swap3A_292, %swap3A_293, %swap3A_294, %swap3A_295], %swap3A_298 {add = true, strides = array<i32>} : memref<4x4x100x64xf32, #tpu.memory_space<vmem>>, vector<1x1x1x16xf32>,
      %get3A_299 = arith.constant 1 : i32
      %get3A_300 = arith.index_cast %get3A_299 : i32 to index
      %get3A_301 = arith.index_cast %add3A_195 : i32 to index
      %get3A_302 = arith.constant 48 : index
      %get3A_303 = tpu.vector_load %arg8[%get3A_300, %get3A_301, %get3A_302] {strides = array<i32>} : memref<4x100x64xf32, #tpu.memory_space<vmem>>, vector<1x1x16xf32>,
      %get3A_304 = vector.shape_cast %get3A_303 : vector<1x1x16xf32> to vector<16xf32>
      %swap3A_305 = arith.constant 3 : i32
      %swap3A_306 = arith.constant 1 : i32
      %swap3A_307 = arith.index_cast %swap3A_305 : i32 to index
      %swap3A_308 = arith.index_cast %swap3A_306 : i32 to index
      %swap3A_309 = arith.index_cast %add3A_195 : i32 to index
      %swap3A_310 = arith.constant 48 : index
      %swap3A_311 = tpu.vector_load %arg7[%swap3A_307, %swap3A_308, %swap3A_309, %swap3A_310] {strides = array<i32>} : memref<4x4x100x64xf32, #tpu.memory_space<vmem>>, vector<1x1x1x16xf32>,
      %swap3A_312 = vector.shape_cast %swap3A_311 : vector<1x1x1x16xf32> to vector<16xf32>
      %swap3A_313 = vector.shape_cast %get3A_304 : vector<16xf32> to vector<1x1x1x16xf32>
      tpu.vector_store %arg7[%swap3A_307, %swap3A_308, %swap3A_309, %swap3A_310], %swap3A_313 {add = true, strides = array<i32>} : memref<4x4x100x64xf32, #tpu.memory_space<vmem>>, vector<1x1x1x16xf32>,
      %get3A_314 = arith.constant 2 : i32
      %get3A_315 = arith.index_cast %get3A_314 : i32 to index
      %get3A_316 = arith.index_cast %add3A_195 : i32 to index
      %get3A_317 = arith.constant 0 : index
      %get3A_318 = tpu.vector_load %arg8[%get3A_315, %get3A_316, %get3A_317] {strides = array<i32>} : memref<4x100x64xf32, #tpu.memory_space<vmem>>, vector<1x1x16xf32>,
      %get3A_319 = vector.shape_cast %get3A_318 : vector<1x1x16xf32> to vector<16xf32>
      %swap3A_320 = arith.constant 3 : i32
      %swap3A_321 = arith.constant 2 : i32
      %swap3A_322 = arith.index_cast %swap3A_320 : i32 to index
      %swap3A_323 = arith.index_cast %swap3A_321 : i32 to index
      %swap3A_324 = arith.index_cast %add3A_195 : i32 to index
      %swap3A_325 = arith.constant 0 : index
      %swap3A_326 = tpu.vector_load %arg7[%swap3A_322, %swap3A_323, %swap3A_324, %swap3A_325] {strides = array<i32>} : memref<4x4x100x64xf32, #tpu.memory_space<vmem>>, vector<1x1x1x16xf32>,
      %swap3A_327 = vector.shape_cast %swap3A_326 : vector<1x1x1x16xf32> to vector<16xf32>
      %swap3A_328 = vector.shape_cast %get3A_319 : vector<16xf32> to vector<1x1x1x16xf32>
      tpu.vector_store %arg7[%swap3A_322, %swap3A_323, %swap3A_324, %swap3A_325], %swap3A_328 {add = true, strides = array<i32>} : memref<4x4x100x64xf32, #tpu.memory_space<vmem>>, vector<1x1x1x16xf32>,
      %get3A_329 = arith.constant 2 : i32
      %get3A_330 = arith.index_cast %get3A_329 : i32 to index
      %get3A_331 = arith.index_cast %add3A_195 : i32 to index
      %get3A_332 = arith.constant 16 : index
      %get3A_333 = tpu.vector_load %arg8[%get3A_330, %get3A_331, %get3A_332] {strides = array<i32>} : memref<4x100x64xf32, #tpu.memory_space<vmem>>, vector<1x1x16xf32>,
      %get3A_334 = vector.shape_cast %get3A_333 : vector<1x1x16xf32> to vector<16xf32>
      %swap3A_335 = arith.constant 3 : i32
      %swap3A_336 = arith.constant 2 : i32
      %swap3A_337 = arith.index_cast %swap3A_335 : i32 to index
      %swap3A_338 = arith.index_cast %swap3A_336 : i32 to index
      %swap3A_339 = arith.index_cast %add3A_195 : i32 to index
      %swap3A_340 = arith.constant 16 : index
      %swap3A_341 = tpu.vector_load %arg7[%swap3A_337, %swap3A_338, %swap3A_339, %swap3A_340] {strides = array<i32>} : memref<4x4x100x64xf32, #tpu.memory_space<vmem>>, vector<1x1x1x16xf32>,
      %swap3A_342 = vector.shape_cast %swap3A_341 : vector<1x1x1x16xf32> to vector<16xf32>
      %swap3A_343 = vector.shape_cast %get3A_334 : vector<16xf32> to vector<1x1x1x16xf32>
      tpu.vector_store %arg7[%swap3A_337, %swap3A_338, %swap3A_339, %swap3A_340], %swap3A_343 {add = true, strides = array<i32>} : memref<4x4x100x64xf32, #tpu.memory_space<vmem>>, vector<1x1x1x16xf32>,
      %get3A_344 = arith.constant 2 : i32
      %get3A_345 = arith.index_cast %get3A_344 : i32 to index
      %get3A_346 = arith.index_cast %add3A_195 : i32 to index
      %get3A_347 = arith.constant 32 : index
      %get3A_348 = tpu.vector_load %arg8[%get3A_345, %get3A_346, %get3A_347] {strides = array<i32>} : memref<4x100x64xf32, #tpu.memory_space<vmem>>, vector<1x1x16xf32>,
      %get3A_349 = vector.shape_cast %get3A_348 : vector<1x1x16xf32> to vector<16xf32>
      %swap3A_350 = arith.constant 3 : i32
      %swap3A_351 = arith.constant 2 : i32
      %swap3A_352 = arith.index_cast %swap3A_350 : i32 to index
      %swap3A_353 = arith.index_cast %swap3A_351 : i32 to index
      %swap3A_354 = arith.index_cast %add3A_195 : i32 to index
      %swap3A_355 = arith.constant 32 : index
      %swap3A_356 = tpu.vector_load %arg7[%swap3A_352, %swap3A_353, %swap3A_354, %swap3A_355] {strides = array<i32>} : memref<4x4x100x64xf32, #tpu.memory_space<vmem>>, vector<1x1x1x16xf32>,
      %swap3A_357 = vector.shape_cast %swap3A_356 : vector<1x1x1x16xf32> to vector<16xf32>
      %swap3A_358 = vector.shape_cast %get3A_349 : vector<16xf32> to vector<1x1x1x16xf32>
      tpu.vector_store %arg7[%swap3A_352, %swap3A_353, %swap3A_354, %swap3A_355], %swap3A_358 {add = true, strides = array<i32>} : memref<4x4x100x64xf32, #tpu.memory_space<vmem>>, vector<1x1x1x16xf32>,
      %get3A_359 = arith.constant 2 : i32
      %get3A_360 = arith.index_cast %get3A_359 : i32 to index
      %get3A_361 = arith.index_cast %add3A_195 : i32 to index
      %get3A_362 = arith.constant 48 : index
      %get3A_363 = tpu.vector_load %arg8[%get3A_360, %get3A_361, %get3A_362] {strides = array<i32>} : memref<4x100x64xf32, #tpu.memory_space<vmem>>, vector<1x1x16xf32>,
      %get3A_364 = vector.shape_cast %get3A_363 : vector<1x1x16xf32> to vector<16xf32>
      %swap3A_365 = arith.constant 3 : i32
      %swap3A_366 = arith.constant 2 : i32
      %swap3A_367 = arith.index_cast %swap3A_365 : i32 to index
      %swap3A_368 = arith.index_cast %swap3A_366 : i32 to index
      %swap3A_369 = arith.index_cast %add3A_195 : i32 to index
      %swap3A_370 = arith.constant 48 : index
      %swap3A_371 = tpu.vector_load %arg7[%swap3A_367, %swap3A_368, %swap3A_369, %swap3A_370] {strides = array<i32>} : memref<4x4x100x64xf32, #tpu.memory_space<vmem>>, vector<1x1x1x16xf32>,
      %swap3A_372 = vector.shape_cast %swap3A_371 : vector<1x1x1x16xf32> to vector<16xf32>
      %swap3A_373 = vector.shape_cast %get3A_364 : vector<16xf32> to vector<1x1x1x16xf32>
      tpu.vector_store %arg7[%swap3A_367, %swap3A_368, %swap3A_369, %swap3A_370], %swap3A_373 {add = true, strides = array<i32>} : memref<4x4x100x64xf32, #tpu.memory_space<vmem>>, vector<1x1x1x16xf32>,
      %get3A_374 = arith.constant 3 : i32
      %get3A_375 = arith.index_cast %get3A_374 : i32 to index
      %get3A_376 = arith.index_cast %add3A_195 : i32 to index
      %get3A_377 = arith.constant 0 : index
      %get3A_378 = tpu.vector_load %arg8[%get3A_375, %get3A_376, %get3A_377] {strides = array<i32>} : memref<4x100x64xf32, #tpu.memory_space<vmem>>, vector<1x1x16xf32>,
      %get3A_379 = vector.shape_cast %get3A_378 : vector<1x1x16xf32> to vector<16xf32>
      %swap3A_380 = arith.constant 3 : i32
      %swap3A_381 = arith.constant 3 : i32
      %swap3A_382 = arith.index_cast %swap3A_380 : i32 to index
      %swap3A_383 = arith.index_cast %swap3A_381 : i32 to index
      %swap3A_384 = arith.index_cast %add3A_195 : i32 to index
      %swap3A_385 = arith.constant 0 : index
      %swap3A_386 = tpu.vector_load %arg7[%swap3A_382, %swap3A_383, %swap3A_384, %swap3A_385] {strides = array<i32>} : memref<4x4x100x64xf32, #tpu.memory_space<vmem>>, vector<1x1x1x16xf32>,
      %swap3A_387 = vector.shape_cast %swap3A_386 : vector<1x1x1x16xf32> to vector<16xf32>
      %swap3A_388 = vector.shape_cast %get3A_379 : vector<16xf32> to vector<1x1x1x16xf32>
      tpu.vector_store %arg7[%swap3A_382, %swap3A_383, %swap3A_384, %swap3A_385], %swap3A_388 {add = true, strides = array<i32>} : memref<4x4x100x64xf32, #tpu.memory_space<vmem>>, vector<1x1x1x16xf32>,
      %get3A_389 = arith.constant 3 : i32
      %get3A_390 = arith.index_cast %get3A_389 : i32 to index
      %get3A_391 = arith.index_cast %add3A_195 : i32 to index
      %get3A_392 = arith.constant 16 : index
      %get3A_393 = tpu.vector_load %arg8[%get3A_390, %get3A_391, %get3A_392] {strides = array<i32>} : memref<4x100x64xf32, #tpu.memory_space<vmem>>, vector<1x1x16xf32>,
      %get3A_394 = vector.shape_cast %get3A_393 : vector<1x1x16xf32> to vector<16xf32>
      %swap3A_395 = arith.constant 3 : i32
      %swap3A_396 = arith.constant 3 : i32
      %swap3A_397 = arith.index_cast %swap3A_395 : i32 to index
      %swap3A_398 = arith.index_cast %swap3A_396 : i32 to index
      %swap3A_399 = arith.index_cast %add3A_195 : i32 to index
      %swap3A_400 = arith.constant 16 : index
      %swap3A_401 = tpu.vector_load %arg7[%swap3A_397, %swap3A_398, %swap3A_399, %swap3A_400] {strides = array<i32>} : memref<4x4x100x64xf32, #tpu.memory_space<vmem>>, vector<1x1x1x16xf32>,
      %swap3A_402 = vector.shape_cast %swap3A_401 : vector<1x1x1x16xf32> to vector<16xf32>
      %swap3A_403 = vector.shape_cast %get3A_394 : vector<16xf32> to vector<1x1x1x16xf32>
      tpu.vector_store %arg7[%swap3A_397, %swap3A_398, %swap3A_399, %swap3A_400], %swap3A_403 {add = true, strides = array<i32>} : memref<4x4x100x64xf32, #tpu.memory_space<vmem>>, vector<1x1x1x16xf32>,
      %get3A_404 = arith.constant 3 : i32
      %get3A_405 = arith.index_cast %get3A_404 : i32 to index
      %get3A_406 = arith.index_cast %add3A_195 : i32 to index
      %get3A_407 = arith.constant 32 : index
      %get3A_408 = tpu.vector_load %arg8[%get3A_405, %get3A_406, %get3A_407] {strides = array<i32>} : memref<4x100x64xf32, #tpu.memory_space<vmem>>, vector<1x1x16xf32>,
      %get3A_409 = vector.shape_cast %get3A_408 : vector<1x1x16xf32> to vector<16xf32>
      %swap3A_410 = arith.constant 3 : i32
      %swap3A_411 = arith.constant 3 : i32
      %swap3A_412 = arith.index_cast %swap3A_410 : i32 to index
      %swap3A_413 = arith.index_cast %swap3A_411 : i32 to index
      %swap3A_414 = arith.index_cast %add3A_195 : i32 to index
      %swap3A_415 = arith.constant 32 : index
      %swap3A_416 = tpu.vector_load %arg7[%swap3A_412, %swap3A_413, %swap3A_414, %swap3A_415] {strides = array<i32>} : memref<4x4x100x64xf32, #tpu.memory_space<vmem>>, vector<1x1x1x16xf32>,
      %swap3A_417 = vector.shape_cast %swap3A_416 : vector<1x1x1x16xf32> to vector<16xf32>
      %swap3A_418 = vector.shape_cast %get3A_409 : vector<16xf32> to vector<1x1x1x16xf32>
      tpu.vector_store %arg7[%swap3A_412, %swap3A_413, %swap3A_414, %swap3A_415], %swap3A_418 {add = true, strides = array<i32>} : memref<4x4x100x64xf32, #tpu.memory_space<vmem>>, vector<1x1x1x16xf32>,
      %get3A_419 = arith.constant 3 : i32
      %get3A_420 = arith.index_cast %get3A_419 : i32 to index
      %get3A_421 = arith.index_cast %add3A_195 : i32 to index
      %get3A_422 = arith.constant 48 : index
      %get3A_423 = tpu.vector_load %arg8[%get3A_420, %get3A_421, %get3A_422] {strides = array<i32>} : memref<4x100x64xf32, #tpu.memory_space<vmem>>, vector<1x1x16xf32>,
      %get3A_424 = vector.shape_cast %get3A_423 : vector<1x1x16xf32> to vector<16xf32>
      %swap3A_425 = arith.constant 3 : i32
      %swap3A_426 = arith.constant 3 : i32
      %swap3A_427 = arith.index_cast %swap3A_425 : i32 to index
      %swap3A_428 = arith.index_cast %swap3A_426 : i32 to index
      %swap3A_429 = arith.index_cast %add3A_195 : i32 to index
      %swap3A_430 = arith.constant 48 : index
      %swap3A_431 = tpu.vector_load %arg7[%swap3A_427, %swap3A_428, %swap3A_429, %swap3A_430] {strides = array<i32>} : memref<4x4x100x64xf32, #tpu.memory_space<vmem>>, vector<1x1x1x16xf32>,
      %swap3A_432 = vector.shape_cast %swap3A_431 : vector<1x1x1x16xf32> to vector<16xf32>
      %swap3A_433 = vector.shape_cast %get3A_424 : vector<16xf32> to vector<1x1x1x16xf32>
      tpu.vector_store %arg7[%swap3A_427, %swap3A_428, %swap3A_429, %swap3A_430], %swap3A_433 {add = true, strides = array<i32>} : memref<4x4x100x64xf32, #tpu.memory_space<vmem>>, vector<1x1x1x16xf32>,
    }
    %scan3A_95 = arith.constant 100 : i32
    %add3A_96 = arith.constant 252 : i32
    %add3A_97 = arith.addi %mul3A_2, %add3A_96 : i32
    %dma_start3A_98 = arith.constant 3 : i32
    %dma_start3A_99 = arith.constant 0 : i32
    %dma_start3A_100 = arith.constant 0 : i32
    %dma_start3A_101 = arith.constant 0 : i32
    %dma_start3A_102 = tpu.memref_slice %arg7[%dma_start3A_98, %dma_start3A_99, %dma_start3A_100, %dma_start3A_101] : memref<4x4x100x64xf32, #tpu.memory_space<vmem>> -> memref<1x4x100x64xf32, #tpu.memory_space<vmem>>
    %dma_start3A_103 = tpu.memref_squeeze %dma_start3A_102 : memref<1x4x100x64xf32, #tpu.memory_space<vmem>> -> memref<4x100x64xf32, #tpu.memory_space<vmem>>
    %dma_start3A_104 = arith.constant 0 : i32
    %dma_start3A_105 = arith.constant 0 : i32
    %dma_start3A_106 = tpu.memref_slice %arg5[%add3A_97, %dma_start3A_104, %dma_start3A_105] : memref<8192x100x64xf32, #tpu.memory_space<hbm>> -> memref<4x100x64xf32, #tpu.memory_space<hbm>>
    %dma_start3A_107 = arith.constant 0 : i32
    %dma_start3A_108 = arith.constant 0 : i32
    %dma_start3A_109 = tpu.memref_slice %arg5[%add3A_97, %dma_start3A_107, %dma_start3A_108] : memref<8192x100x64xf32, #tpu.memory_space<hbm>> -> memref<4x100x64xf32, #tpu.memory_space<hbm>>
    %dma_start3A_110 = arith.constant 0 : i32
    %dma_start3A_111 = arith.constant 0 : i32
    %dma_start3A_112 = arith.constant 0 : i32
    %dma_start3A_113 = tpu.memref_slice %arg7[%dma_start3A_98, %dma_start3A_110, %dma_start3A_111, %dma_start3A_112] : memref<4x4x100x64xf32, #tpu.memory_space<vmem>> -> memref<1x4x100x64xf32, #tpu.memory_space<vmem>>
    %dma_start3A_114 = tpu.memref_squeeze %dma_start3A_113 : memref<1x4x100x64xf32, #tpu.memory_space<vmem>> -> memref<4x100x64xf32, #tpu.memory_space<vmem>>
    tpu.enqueue_dma source(%dma_start3A_114 : memref<4x100x64xf32, #tpu.memory_space<vmem>>) target(%dma_start3A_109 : memref<4x100x64xf32, #tpu.memory_space<hbm>>) target_semaphore(%arg20 : memref<!tpu.dma_semaphore, #tpu.memory_space<semaphore_mem>>)
    %dma_wait3A_115 = arith.constant 0 : i32
    %dma_wait3A_116 = arith.constant 0 : i32
    %dma_wait3A_117 = arith.constant 0 : i32
    %dma_wait3A_118 = arith.constant 0 : i32
    %dma_wait3A_119 = tpu.memref_slice %arg7[%dma_wait3A_115, %dma_wait3A_116, %dma_wait3A_117, %dma_wait3A_118] : memref<4x4x100x64xf32, #tpu.memory_space<vmem>> -> memref<1x4x100x64xf32, #tpu.memory_space<vmem>>
    %dma_wait3A_120 = tpu.memref_squeeze %dma_wait3A_119 : memref<1x4x100x64xf32, #tpu.memory_space<vmem>> -> memref<4x100x64xf32, #tpu.memory_space<vmem>>
    %dma_wait3A_121 = arith.constant 0 : i32
    %dma_wait3A_122 = arith.constant 0 : i32
    %dma_wait3A_123 = arith.constant 0 : i32
    %dma_wait3A_124 = tpu.memref_slice %arg5[%dma_wait3A_121, %dma_wait3A_122, %dma_wait3A_123] : memref<8192x100x64xf32, #tpu.memory_space<hbm>> -> memref<4x100x64xf32, #tpu.memory_space<hbm>>
    %dma_wait3A_125 = arith.constant 0 : i32
    %dma_wait3A_126 = arith.constant 0 : i32
    %dma_wait3A_127 = arith.constant 0 : i32
    %dma_wait3A_128 = tpu.memref_slice %arg5[%dma_wait3A_125, %dma_wait3A_126, %dma_wait3A_127] : memref<8192x100x64xf32, #tpu.memory_space<hbm>> -> memref<4x100x64xf32, #tpu.memory_space<hbm>>
    %dma_wait3A_129 = arith.constant 0 : i32
    %dma_wait3A_130 = arith.constant 0 : i32
    %dma_wait3A_131 = arith.constant 0 : i32
    %dma_wait3A_132 = tpu.memref_slice %arg7[%dma_wait3A_115, %dma_wait3A_129, %dma_wait3A_130, %dma_wait3A_131] : memref<4x4x100x64xf32, #tpu.memory_space<vmem>> -> memref<1x4x100x64xf32, #tpu.memory_space<vmem>>
    %dma_wait3A_133 = tpu.memref_squeeze %dma_wait3A_132 : memref<1x4x100x64xf32, #tpu.memory_space<vmem>> -> memref<4x100x64xf32, #tpu.memory_space<vmem>>
    tpu.wait_dma2 semaphore(%arg17 : memref<!tpu.dma_semaphore, #tpu.memory_space<semaphore_mem>>) src(%dma_wait3A_133 : memref<4x100x64xf32, #tpu.memory_space<vmem>>) dst(%dma_wait3A_128 : memref<4x100x64xf32, #tpu.memory_space<hbm>>)
    %dma_wait3A_134 = arith.constant 1 : i32
    %dma_wait3A_135 = arith.constant 0 : i32
    %dma_wait3A_136 = arith.constant 0 : i32
    %dma_wait3A_137 = arith.constant 0 : i32
    %dma_wait3A_138 = tpu.memref_slice %arg7[%dma_wait3A_134, %dma_wait3A_135, %dma_wait3A_136, %dma_wait3A_137] : memref<4x4x100x64xf32, #tpu.memory_space<vmem>> -> memref<1x4x100x64xf32, #tpu.memory_space<vmem>>
    %dma_wait3A_139 = tpu.memref_squeeze %dma_wait3A_138 : memref<1x4x100x64xf32, #tpu.memory_space<vmem>> -> memref<4x100x64xf32, #tpu.memory_space<vmem>>
    %dma_wait3A_140 = arith.constant 0 : i32
    %dma_wait3A_141 = arith.constant 0 : i32
    %dma_wait3A_142 = arith.constant 0 : i32
    %dma_wait3A_143 = tpu.memref_slice %arg5[%dma_wait3A_140, %dma_wait3A_141, %dma_wait3A_142] : memref<8192x100x64xf32, #tpu.memory_space<hbm>> -> memref<4x100x64xf32, #tpu.memory_space<hbm>>
    %dma_wait3A_144 = arith.constant 0 : i32
    %dma_wait3A_145 = arith.constant 0 : i32
    %dma_wait3A_146 = arith.constant 0 : i32
    %dma_wait3A_147 = tpu.memref_slice %arg5[%dma_wait3A_144, %dma_wait3A_145, %dma_wait3A_146] : memref<8192x100x64xf32, #tpu.memory_space<hbm>> -> memref<4x100x64xf32, #tpu.memory_space<hbm>>
    %dma_wait3A_148 = arith.constant 0 : i32
    %dma_wait3A_149 = arith.constant 0 : i32
    %dma_wait3A_150 = arith.constant 0 : i32
    %dma_wait3A_151 = tpu.memref_slice %arg7[%dma_wait3A_134, %dma_wait3A_148, %dma_wait3A_149, %dma_wait3A_150] : memref<4x4x100x64xf32, #tpu.memory_space<vmem>> -> memref<1x4x100x64xf32, #tpu.memory_space<vmem>>
    %dma_wait3A_152 = tpu.memref_squeeze %dma_wait3A_151 : memref<1x4x100x64xf32, #tpu.memory_space<vmem>> -> memref<4x100x64xf32, #tpu.memory_space<vmem>>
    tpu.wait_dma2 semaphore(%arg18 : memref<!tpu.dma_semaphore, #tpu.memory_space<semaphore_mem>>) src(%dma_wait3A_152 : memref<4x100x64xf32, #tpu.memory_space<vmem>>) dst(%dma_wait3A_147 : memref<4x100x64xf32, #tpu.memory_space<hbm>>)
    %dma_wait3A_153 = arith.constant 2 : i32
    %dma_wait3A_154 = arith.constant 0 : i32
    %dma_wait3A_155 = arith.constant 0 : i32
    %dma_wait3A_156 = arith.constant 0 : i32
    %dma_wait3A_157 = tpu.memref_slice %arg7[%dma_wait3A_153, %dma_wait3A_154, %dma_wait3A_155, %dma_wait3A_156] : memref<4x4x100x64xf32, #tpu.memory_space<vmem>> -> memref<1x4x100x64xf32, #tpu.memory_space<vmem>>
    %dma_wait3A_158 = tpu.memref_squeeze %dma_wait3A_157 : memref<1x4x100x64xf32, #tpu.memory_space<vmem>> -> memref<4x100x64xf32, #tpu.memory_space<vmem>>
    %dma_wait3A_159 = arith.constant 0 : i32
    %dma_wait3A_160 = arith.constant 0 : i32
    %dma_wait3A_161 = arith.constant 0 : i32
    %dma_wait3A_162 = tpu.memref_slice %arg5[%dma_wait3A_159, %dma_wait3A_160, %dma_wait3A_161] : memref<8192x100x64xf32, #tpu.memory_space<hbm>> -> memref<4x100x64xf32, #tpu.memory_space<hbm>>
    %dma_wait3A_163 = arith.constant 0 : i32
    %dma_wait3A_164 = arith.constant 0 : i32
    %dma_wait3A_165 = arith.constant 0 : i32
    %dma_wait3A_166 = tpu.memref_slice %arg5[%dma_wait3A_163, %dma_wait3A_164, %dma_wait3A_165] : memref<8192x100x64xf32, #tpu.memory_space<hbm>> -> memref<4x100x64xf32, #tpu.memory_space<hbm>>
    %dma_wait3A_167 = arith.constant 0 : i32
    %dma_wait3A_168 = arith.constant 0 : i32
    %dma_wait3A_169 = arith.constant 0 : i32
    %dma_wait3A_170 = tpu.memref_slice %arg7[%dma_wait3A_153, %dma_wait3A_167, %dma_wait3A_168, %dma_wait3A_169] : memref<4x4x100x64xf32, #tpu.memory_space<vmem>> -> memref<1x4x100x64xf32, #tpu.memory_space<vmem>>
    %dma_wait3A_171 = tpu.memref_squeeze %dma_wait3A_170 : memref<1x4x100x64xf32, #tpu.memory_space<vmem>> -> memref<4x100x64xf32, #tpu.memory_space<vmem>>
    tpu.wait_dma2 semaphore(%arg19 : memref<!tpu.dma_semaphore, #tpu.memory_space<semaphore_mem>>) src(%dma_wait3A_171 : memref<4x100x64xf32, #tpu.memory_space<vmem>>) dst(%dma_wait3A_166 : memref<4x100x64xf32, #tpu.memory_space<hbm>>)
    %dma_wait3A_172 = arith.constant 3 : i32
    %dma_wait3A_173 = arith.constant 0 : i32
    %dma_wait3A_174 = arith.constant 0 : i32
    %dma_wait3A_175 = arith.constant 0 : i32
    %dma_wait3A_176 = tpu.memref_slice %arg7[%dma_wait3A_172, %dma_wait3A_173, %dma_wait3A_174, %dma_wait3A_175] : memref<4x4x100x64xf32, #tpu.memory_space<vmem>> -> memref<1x4x100x64xf32, #tpu.memory_space<vmem>>
    %dma_wait3A_177 = tpu.memref_squeeze %dma_wait3A_176 : memref<1x4x100x64xf32, #tpu.memory_space<vmem>> -> memref<4x100x64xf32, #tpu.memory_space<vmem>>
    %dma_wait3A_178 = arith.constant 0 : i32
    %dma_wait3A_179 = arith.constant 0 : i32
    %dma_wait3A_180 = arith.constant 0 : i32
    %dma_wait3A_181 = tpu.memref_slice %arg5[%dma_wait3A_178, %dma_wait3A_179, %dma_wait3A_180] : memref<8192x100x64xf32, #tpu.memory_space<hbm>> -> memref<4x100x64xf32, #tpu.memory_space<hbm>>
    %dma_wait3A_182 = arith.constant 0 : i32
    %dma_wait3A_183 = arith.constant 0 : i32
    %dma_wait3A_184 = arith.constant 0 : i32
    %dma_wait3A_185 = tpu.memref_slice %arg5[%dma_wait3A_182, %dma_wait3A_183, %dma_wait3A_184] : memref<8192x100x64xf32, #tpu.memory_space<hbm>> -> memref<4x100x64xf32, #tpu.memory_space<hbm>>
    %dma_wait3A_186 = arith.constant 0 : i32
    %dma_wait3A_187 = arith.constant 0 : i32
    %dma_wait3A_188 = arith.constant 0 : i32
    %dma_wait3A_189 = tpu.memref_slice %arg7[%dma_wait3A_172, %dma_wait3A_186, %dma_wait3A_187, %dma_wait3A_188] : memref<4x4x100x64xf32, #tpu.memory_space<vmem>> -> memref<1x4x100x64xf32, #tpu.memory_space<vmem>>
    %dma_wait3A_190 = tpu.memref_squeeze %dma_wait3A_189 : memref<1x4x100x64xf32, #tpu.memory_space<vmem>> -> memref<4x100x64xf32, #tpu.memory_space<vmem>>
    tpu.wait_dma2 semaphore(%arg20 : memref<!tpu.dma_semaphore, #tpu.memory_space<semaphore_mem>>) src(%dma_wait3A_190 : memref<4x100x64xf32, #tpu.memory_space<vmem>>) dst(%dma_wait3A_185 : memref<4x100x64xf32, #tpu.memory_space<hbm>>)
    return
  }
}

</mosaic_0001>

<sc_bundles>
// kernel: kernel.3.cloned.1.call-start
scs
__scs_entry_jumppad:
0x0: {  	(pc) =	sbr.rel $0x88, $3  }
0x1: {  	(tag) =	ssettag $0x0;
	lr =	simm.s32 $0x1  }
0x2: {  	[smem:$0x3F9E] =	sst lr;
	_ =	strace $0xD0000000  }
0x3: {  	_ = 	snop  }
0x4: {  	_ = 	snop  }
0x5: {  	_ = 	snop  }
0x6: {  	_ = 	snop  }
0x7: {  	_ = 	snop  }
__scs_overlays_trampoline_lowered:
0x8: {  	[smem:$0x3FAD] =	sst s0  }
0x9: {  	[smem:$0x3FAE] =	sst s1  }
0xa: {  	[smem:$0x3FAF] =	sst s2  }
0xb: {  	[smem:$0x3FB0] =	sst s3  }
0xc: {  	[smem:$0x3FB1] =	sst s4  }
0xd: {  	[smem:$0x3FB2] =	sst s5  }
0xe: {  	[smem:$0x3FB3] =	sst s6  }
0xf: {  	[smem:$0x3FB4] =	sst s7  }
0x10: {  	[smem:$0x3FB5] =	sst s8  }
0x11: {  	[smem:$0x3FB6] =	sst s9;
	s0 =	simm.s32 @!p0 $0x0  }
0x12: {  	s1 =	sld [smem:$0x3F9C];
	s0 =	simm.s32 @p0 $0x1  }
0x13: {  	[smem:$0x3FB7] =	sst s0;
	s0 =	simm.s32 @!p1 $0x0  }
0x14: {  	s2 =	sld [smem:$0x3F9B];
	s0 =	simm.s32 @p1 $0x1  }
0x15: {  	[smem:$0x3FB8] =	sst s0;
	s0 =	simm.s32 @!p2 $0x0  }
0x16: {  	s3 =	sld [smem:$0x3FDB];
	s0 =	simm.s32 @p2 $0x1  }
0x17: {  	s4 =	simm.s32 $0x1BF5;
	[smem:$0x3FBA] =	sst s0  }
0x18: {  	s0 =	sld [smem:$0x3F9D];
	_ =	swait.ge [sflag:s4], $0x0  }
0x19: {  	s7 =	sld [smem:$0x3F9E]  }
0x1a: {  	s8 =	sadd.s32 $0xFFFFE003, lr  }
0x1b: {  	s9 =	sadd.s32 $0xFFFFFEF7, lr;
	s5 =	simm.s32 $0xFFFFFFFF;
	p2 =	slt.u32 s8, $0xFFFFF086  }
0x1c: {  	p1 =	slt.u32 s9, $0xF7A;
	s5 =	simm.s32 @!p2 $0x0  }
0x1d: {  	s5 =	simm.s32 @p1 $0x1;
	p0 =	seq.s32 s7, s2  }
0x1e: {  	s7 =	smul.u32 @!p0 $0xF7A, s2;
	p2 =	seq.s32 @!p0 s5, $0x0  }
0x1f: {  	s9 =	smul.u32 $0xF7A, s1;
	s8 =	simm.s32 @!p0 $0x1BF5;
	p2 =	por !p2, p0  }
0x20: {  	[sflag:s8] =	ssyncset.s32 @!p0 $0xFFFFF086;
	s6 =	sadd.s32 @!p0 s3, s7;
	s7 =	simm.s32 @!p0 $0x108  }
0x21: {  	s3 =	sadd.s32 s3, s9;
	s6 =	sadd.s32 @!p0 $0x88, s6;
	s7 =	simm.s32 @p2 $0x1082  }
0x22: {  	[simem:s7], [sflag:s8] =	dma.local @!p0 [hbm:s6], $0xF7A  }
0x23: {  	s9 =	sor.u32 $0xD0000000, s2;
	s6 =	simm.s32 $0x108;
	_ =	swait.ge @!p0 [sflag:s8], $0x0  }
0x24: {  	s3 =	sadd.s32 $0x88, s3;
	s6 =	simm.s32 @!p1 $0x1082;
	[sflag:s4] =	ssyncset.s32 $0xFFFFF086  }
0x25: {  	[simem:s6], [sflag:s4] =	dma.local [hbm:s3], $0xF7A  }
0x26: {  	[smem:$0x3F9E] =	sst s1;
	(tag) =	ssettag s2;
	_ =	strace s9  }
0x27: {  	s1 =	sld [smem:$0x3FAE]  }
0x28: {  	s2 =	sld [smem:$0x3FAF]  }
0x29: {  	s4 =	sld [smem:$0x3FB1]  }
0x2a: {  	p0 =	seq.s32 s5, $0x0;
	s5 =	sld [smem:$0x3FB2]  }
0x2b: {  	s6 =	sld [smem:$0x3FB3]  }
0x2c: {  	s7 =	sld [smem:$0x3FB4]  }
0x2d: {  	s3 =	simm.s32 $0x108;
	s8 =	sld [smem:$0x3FB5]  }
0x2e: {  	s3 =	simm.s32 @!p0 $0x1082;
	s9 =	sld [smem:$0x3FB6]  }
0x2f: {  	lr =	sadd.s32 s0, s3;
	s0 =	sld [smem:$0x3FAD]  }
0x30: {  	s3 =	sld [smem:$0x3FB0]  }
0x31: {  	[smem:$0x3FB9] =	sst s10  }
0x32: {  	s10 =	sld [smem:$0x3FB7];
	_ =	sdelay $0x3  }
0x33: {  	p0 =	seq.s32 s10, $0x1;
	s10 =	sld [smem:$0x3FB9];
	_ =	sdelay $0x3  }
0x34: {  	[smem:$0x3FB9] =	sst s10  }
0x35: {  	s10 =	sld [smem:$0x3FB8];
	_ =	sdelay $0x3  }
0x36: {  	p1 =	seq.s32 s10, $0x1;
	s10 =	sld [smem:$0x3FB9];
	_ =	sdelay $0x3  }
0x37: {  	[smem:$0x3FB9] =	sst s10  }
0x38: {  	s10 =	sld [smem:$0x3FBA]  }
0x39: {  	_ = 	snop;
	(pc) =	sbr.ind lr, $3  }
0x3a: {  	_ = 	snop  }
0x3b: {  	_ = 	snop  }
0x3c: {  	p2 =	seq.s32 s10, $0x1;
	s10 =	sld [smem:$0x3FB9]  }
0x3d: {  	_ =	shalt  }
0x3e: {  	_ =	shalt  }
0x3f: {  	_ =	shalt  }
0x40: {  	_ =	shalt  }
0x41: {  	_ =	shalt  }
0x42: {  	_ =	shalt  }
0x43: {  	_ =	shalt  }
0x44: {  	_ =	shalt  }
0x45: {  	_ =	shalt  }
0x46: {  	_ =	shalt  }
0x47: {  	_ =	shalt  }
0x48: {  	_ =	shalt  }
0x49: {  	_ =	shalt  }
0x4a: {  	_ =	shalt  }
0x4b: {  	_ =	shalt  }
0x4c: {  	_ =	shalt  }
0x4d: {  	_ =	shalt  }
0x4e: {  	_ =	shalt  }
0x4f: {  	_ =	shalt  }
0x50: {  	_ =	shalt  }
0x51: {  	_ =	shalt  }
0x52: {  	_ =	shalt  }
0x53: {  	_ =	shalt  }
0x54: {  	_ =	shalt  }
0x55: {  	_ =	shalt  }
0x56: {  	_ =	shalt  }
0x57: {  	_ =	shalt  }
0x58: {  	_ =	shalt  }
0x59: {  	_ =	shalt  }
0x5a: {  	_ =	shalt  }
0x5b: {  	_ =	shalt  }
0x5c: {  	_ =	shalt  }
0x5d: {  	_ =	shalt  }
0x5e: {  	_ =	shalt  }
0x5f: {  	_ =	shalt  }
0x60: {  	_ =	shalt  }
0x61: {  	_ =	shalt  }
0x62: {  	_ =	shalt  }
0x63: {  	_ =	shalt  }
0x64: {  	_ =	shalt  }
0x65: {  	_ =	shalt  }
0x66: {  	_ =	shalt  }
0x67: {  	_ =	shalt  }
0x68: {  	_ =	shalt  }
0x69: {  	_ =	shalt  }
0x6a: {  	_ =	shalt  }
0x6b: {  	_ =	shalt  }
0x6c: {  	_ =	shalt  }
0x6d: {  	_ =	shalt  }
0x6e: {  	_ =	shalt  }
0x6f: {  	_ =	shalt  }
0x70: {  	_ =	shalt  }
0x71: {  	_ =	shalt  }
0x72: {  	_ =	shalt  }
0x73: {  	_ =	shalt  }
0x74: {  	_ =	shalt  }
0x75: {  	_ =	shalt  }
0x76: {  	_ =	shalt  }
0x77: {  	_ =	shalt  }
0x78: {  	_ =	shalt  }
0x79: {  	_ =	shalt  }
0x7a: {  	_ =	shalt  }
0x7b: {  	_ =	shalt  }
0x7c: {  	_ =	shalt  }
0x7d: {  	_ =	shalt  }
0x7e: {  	_ =	shalt  }
0x7f: {  	_ =	shalt  }
0x80: {  	_ =	shalt  }
0x81: {  	_ =	shalt  }
0x82: {  	_ =	shalt  }
0x83: {  	_ =	shalt  }
0x84: {  	_ =	shalt  }
0x85: {  	_ =	shalt  }
0x86: {  	_ =	shalt  }
0x87: {  	_ =	shalt  }
.Lfunc_end0:
.L_simem_size_0:
called_computation.1_lowered:
.L_overlay_start_0:
0x88: {  	s2 =	sld [smem:$0x3FD9]  }
0x89: {  	s3 =	sld [smem:$0x3FFE];
	_ =	sdelay $0x1  }
0x8a: {  	s1 =	srdreg.scid  }
0x8b: {  	s0 =	sand.u32 $0x1, s1  }
0x8c: {  	s17 =	sshll.u32 s0, $0xA;
	s2 =	sadd.s32 s3, s2  }
0x8d: {  	s2 =	sadd.s32 s2, s17  }
0x8e: {  	[smem:$0x3FC5] =	sst s2  }
0x8f: {  	_ = 	snop  }
0x90: {  	s2 =	sld [smem:$0x3FD0];
	(tm) =	ssettm $0x1  }
0x91: {  	s18 =	sld [smem:$0x3FFB];
	_ =	sdelay $0x3  }
0x92: {  	_ =	strace s18  }
0x93: {  	s3 =	sld [smem:$0x3FFC];
	_ =	sdelay $0x3  }
0x94: {  	_ =	strace s3  }
0x95: {  	s3 =	sld [smem:$0x3FFD];
	_ =	sdelay $0x3  }
0x96: {  	_ =	strace s3  }
0x97: {  	_ =	strace $0x8FFFFFFF  }
0x98: {  	s19 =	sld [smem:$0x3FDB];
	_ =	sdelay $0x1  }
0x99: {  	s4 =	simm.s32 $_scs_section_size  }
0x9a: {  	s5 =	simm.s32 $_size__tile_overlayer_lowered;
	s6 =	simm.s32 $_tile_overlayer_lowered  }
0x9b: {  	s22 =	simm.s32 $0x1BFF;
	s21 =	sshll.u32 s6, $0x1;
	s3 =	sadd.s32 s4, s19  }
0x9c: {  	s7 =	simm.s32 $0x0;
	s20 =	sshll.u32 s5, $0x1;
	s5 =	sadd.s32 s21, s3  }
0x9d: {  	[timem:s7], [sflag:s22] =	dma.local [hbm:s5], s20  }
0x9e: {  	_ =	swait.ge [sflag:s22], s20  }
0x9f: {  	s4 =	ssub.s32 $0x0, s20;
	[sflag:s22] =	ssyncset.done $0x0  }
0xa0: {  	[sflag:s22] =	ssyncadd.s32 s4;
	_ =	sdelay $0x1  }
0xa1: {  	s23 =	simm.s32 $0x1B8B  }
0xa2: {  	_ =	swait.ge [sflag:s23], $0x1  }
0xa3: {  	[sflag:s23] =	ssyncset.done $0x0  }
0xa4: {  	s25 =	simm.s32 $0x1B8E;
	s24 =	sld [smem:$0x3FFE];
	[sflag:s23] =	ssyncadd.s32 $0xFFFFFFFF  }
0xa5: {  	s26 =	simm.s32 $execute0_lowered;
	[smem:$0x3FD2] =	sst s25  }
0xa6: {  	s5 =	sshll.u32 s26, $0x1;
	_ =	strace $0x80000046;
	[dreg:$0x1] =	wrdreg $0xFFFFFFFF  }
0xa7: {  	s28 =	simm.s32 $_size_execute0_lowered;
	s3 =	sadd.s32 s3, s5;
	[dreg:$0x0] =	wrdreg $0x0  }
0xa8: {  	s5 =	sshll.u32 s28, $0x1;
	[dreg:$0x2] =	wrdreg s3  }
0xa9: {  	[dreg:$0x3] =	wrdreg s5  }
0xaa: {  	[dreg:$0x4] =	wrdreg $0xC0  }
0xab: {  	_ =	task [dreg:s7], $0x5FFFF  }
0xac: {  	[dreg:$0x1] =	wrdreg $0xFFFFFFFF  }
0xad: {  	[dreg:$0x0] =	wrdreg $0x60  }
0xae: {  	[dreg:$0x2] =	wrdreg s24  }
0xaf: {  	[dreg:$0x3] =	wrdreg s2  }
0xb0: {  	[dreg:$0x4] =	wrdreg $0x9  }
0xb1: {  	_ =	task.clear_ibuf [dreg:s7], $0x5FFFF;
	_ =	strace $0x90000046  }
0xb2: {  	s29 =	simm.s32 $0x9;
	_ =	strace $0x80000048  }
0xb3: {  	_ =	swait.ge [sflag:s29], $0x1  }
0xb4: {  	[sflag:s29] =	ssyncadd.s32 $0xFFFFFFFF  }
0xb5: {  	_ =	strace $0x90000048  }
0xb6: {  	_ =	sfence  }
0xb7: {  	s30 =	sld [smem:$0x0];
	_ =	sdelay $0x2  }
0xb8: {  	s31 =	sshll.u32 s1, $0xD;
	s1 =	sshrl.u32 s1, $0x2  }
0xb9: {  	s3 =	sand.u32 $0x4000, s31;
	s1 =	sadd.s32 s1, s30  }
0xba: {  	s0 =	sor.u32 s3, s0;
	s1 =	sshll.u32 s1, $0x11  }
0xbb: {  	s0 =	sor.u32 s1, s0  }
0xbc: {  	s0 =	sadd.s32 $0x8F2B, s0  }
0xbd: {  	[sflag:s0] =	ssyncadd.remote.s32 $0x1  }
0xbe: {  	_ =	sfence.sel $0xFFFF  }
0xbf: {  	[dreg:$0x0] =	wrdreg $0xFFFFFFFF;
	(pc) =	sbr.abs _section_cstart, $3  }
0xc0: {  	[dreg:$0x1] =	wrdreg $0xFFFFFFFF  }
0xc1: {  	_ =	task.clear_ibuf [dreg:s7], $0x2FFFF;
	_ =	strace $0x9FFFFFFF  }
0xc2: {  	(tm) =	ssettm $0x7FFFFFFF  }
0xc3: {  	_ =	shalt  }
tec
execute0_lowered:
.L_overlay_start_1:
0x0: {  	(tag) =	ssettag $0x1  }
0x1: {  	s0 =	rddreg [dreg:$0x0]  }
0x2: {  	s2 =	rddreg [dreg:$0x1]  }
0x3: {  	s1 =	srdreg.scid;
	s4 =	stileid.u32  }
0x4: {  	s3 =	simm.s32 $0x0;
	s18 =	simm.s32 $0x1A0;
	s19 =	simm.s32 $0x1  }
0x5: {  	s20 =	simm.s32 $0x64;
	s29 =	simm.s32 $0x340;
	s30 =	simm.s32 $0x2  }
0x6: {  	s31 =	simm.s32 $0x6A80;
	s14 =	simm.s32 $0x5;
	s17 =	simm.s32 $0x3  }
0x7: {  	s16 =	simm.s32 $0x4;
	s1 =	sand.u32 $0x1, s1;
	s4 =	sshll.u32 s4, $0x1  }
0x8: {  	s28 =	simm.s32 $0x7;
	s13 =	simm.s32 $0xB;
	s6 =	sor.u32 s1, s4  }
0x9: {  	[smem:$0x7FF] =	sst s3;
	s5 =	sadd.s32 $0x35400, s0;
	s7 =	smul.u32 $0xC80, s6  }
0xa: {  	_ =	strace $0x80000047;
	s1 =	ssub.s32 $0x2, s1;
	s8 =	smul.u32 $0xD00, s6  }
0xb: {  	s21 =	sshrl.u32 s1, $0x1;
	s9 =	smul.u32 $0x190000, s6;
	s6 =	sshll.u32 s6, $0x8  }
0xc: {  	s4 =	sadd.s32 $0x2400, s0;
	s1 =	ssub.s32 s1, s21;
	s25 =	sadd.s32 $0xFFFFFFFC, s6  }
0xd: {  	s11 =	sor.u32 $0x10, s6;
	s12 =	sor.u32 $0x14, s6;
	s15 =	sor.u32 $0x8, s6  }
0xe: {  	s21 =	simm.s32 $0x680;
	s0 =	sadd.s32 s7, s0;
	s22 =	sadd.s32 s4, s8  }
0xf: {  	s24 =	sshrl.u32 s9, $0x3;
	[dreg:$0x6] =	wrdreg s25;
	s26 =	smax.u32 s1, $0x1  }
0x10: {  	s7 =	simm.s32 $0x4E0;
	s1 =	simm.s32 $0x6;
	[dreg:$0x3] =	wrdreg s22  }
0x11: {  	s9 =	simm.s32 $0xA;
	s0 =	sadd.s32 $0x1C400, s0;
	[dreg:$0x8] =	wrdreg s26  }
0x12: {  	s23 =	sadd.s32 $0x34, s22;
	[dreg:$0x4] =	wrdreg s0;
	s0 =	sadd.s32 s2, s24  }
0x13: {  	s22 =	simm.s32 $0xCE80;
	[dreg:$0x5] =	wrdreg s23;
	s0 =	sadd.s32 $0x31380, s0  }
0x14: {  	s23 =	simm.s32 $0x0;
	[dreg:$0x7] =	wrdreg s0;
	s0 =	simm.s32 $0x8  }
.LBB2_1:
0x15: {  	[dreg:$0x9] =	wrdreg s23  }
0x16: {  	s8 =	rddreg [dreg:$0x4];
	s10 =	simm.s32 $0x19680;
	s24 =	simm.s32 $0xD  }
0x17: {  	[tilespmem:s10], [sflag:$0xD] =	stream.linear.gather [hbm4b:s8+s3], $0x6400, $0x38;
	[tilespmem:$0x1FA80] =	vst v63  }
0x18: {  	_ =	swait.ge [sflag:s24], $0x6400  }
0x19: {  	[sflag:s24] =	ssyncset.done $0x0  }
0x1a: {  	s25 =	rddreg [dreg:$0x3];
	[sflag:s24] =	ssyncadd.s32 $0xFFFF9C00  }
0x1b: {  	[tilespmem:s3], [sflag:$0x1] =	stream.linear.gather [hbm4b:s25+s3], $0x1A0, $0x38;
	[tilespmem:$0x1FA80] =	vst v63  }
0x1c: {  	s23 =	simm.s32 $0x0;
	s26 =	rddreg [dreg:$0x5]  }
0x1d: {  	[tilespmem:s18], [sflag:$0x2] =	stream.linear.gather [hbm4b:s26+s3], $0x1A0, $0x38;
	[tilespmem:$0x1FA80] =	vst v63  }
.LBB2_2:
0x1e: {  	_ =	swait.ge [sflag:s19], $0x1A0  }
0x1f: {  	[sflag:s19] =	ssyncset.done $0x0  }
0x20: {  	[sflag:s19] =	ssyncadd.s32 $0xFFFFFE60  }
0x21: {  	[tilespmem:s21], [sflag:$0x5] =	stream.indirect.gather [hbm4b:s5+s20], $0x40, s3, s20, $0xb8;
	[tilespmem:$0x1FA80] =	vst v63  }
0x22: {  	s8 =	simm.s32 $0x68;
	s10 =	simm.s32 $0x1F80;
	p0 =	seq.s32 s23, $0x0  }
0x23: {  	[tilespmem:s10], [sflag:$0x5] =	stream.indirect.gather [hbm4b:s5+s20], $0x40, s8, s20, $0xb8;
	[tilespmem:$0x1FA80] =	vst v63  }
.Ltmp0:
0x24: {  	_ = 	snop;
	(pc) =	sbr.rel @p0 .LBB2_6-.Ltmp0, $4  }
0x25: {  	s24 =	simm.s32 $0x3880;
	s10 =	simm.s32 $0xD0  }
0x26: {  	[tilespmem:s24], [sflag:$0x5] =	stream.indirect.gather [hbm4b:s5+s20], $0x40, s10, s20, $0xb8;
	[tilespmem:$0x1FA80] =	vst v63  }
0x27: {  	s25 =	simm.s32 $0x138;
	s26 =	simm.s32 $0x5180;
	s24 =	sshll.u32 s23, $0x4  }
0x28: {  	[tilespmem:s26], [sflag:$0x5] =	stream.indirect.gather [hbm4b:s5+s20], $0x40, s25, s20, $0xb8;
	[tilespmem:$0x1FA80] =	vst v63  }
0x29: {  	_ =	swait.ge [sflag:s0], $0x1900  }
0x2a: {  	[sflag:s0] =	ssyncset.done $0x0  }
0x2b: {  	[sflag:s0] =	ssyncadd.s32 $0xFFFFE700  }
0x2c: {  	_ =	swait.ge [sflag:s0], $0x1900  }
0x2d: {  	[sflag:s0] =	ssyncset.done $0x0  }
0x2e: {  	[sflag:s0] =	ssyncadd.s32 $0xFFFFE700  }
0x2f: {  	_ =	swait.ge [sflag:s0], $0x1900  }
0x30: {  	[sflag:s0] =	ssyncset.done $0x0  }
0x31: {  	[sflag:s0] =	ssyncadd.s32 $0xFFFFE700  }
0x32: {  	_ =	swait.ge [sflag:s0], $0x1900  }
0x33: {  	[sflag:s0] =	ssyncset.done $0x0  }
0x34: {  	s25 =	simm.s32 $0x0;
	s10 =	simm.s32 $0x100;
	[sflag:s0] =	ssyncadd.s32 $0xFFFFE700  }
.LBB2_4:
0x35: {  	p1 =	sne.s32 s10, $0x6300;
	v0 =	vld [tilespmem:s25+$0x1E1B0]  }
0x36: {  	v1 =	vld [tilespmem:s25+$0x19680]  }
0x37: {  	v2 =	vld [tilespmem:s25+$0x19690]  }
0x38: {  	v3 =	vld [tilespmem:s25+$0x196A0]  }
0x39: {  	v4 =	vld [tilespmem:s25+$0x196B0]  }
0x3a: {  	[tilespmem:s25+$0x17DB0] =	vst.add.f32.msk $0xffff, v0  }
0x3b: {  	v0 =	vld [tilespmem:s25+$0x1AF80]  }
0x3c: {  	v5 =	vld [tilespmem:s25+$0x1AF90]  }
0x3d: {  	v6 =	vld [tilespmem:s25+$0x1AFA0]  }
0x3e: {  	v7 =	vld [tilespmem:s25+$0x1AFB0]  }
0x3f: {  	v8 =	vld [tilespmem:s25+$0x1C880]  }
0x40: {  	v9 =	vld [tilespmem:s25+$0x1C890]  }
0x41: {  	v10 =	vld [tilespmem:s25+$0x1C8A0]  }
0x42: {  	v11 =	vld [tilespmem:s25+$0x1C8B0]  }
0x43: {  	v12 =	vld [tilespmem:s25+$0x1E180]  }
0x44: {  	v13 =	vld [tilespmem:s25+$0x1E190]  }
0x45: {  	v14 =	vld [tilespmem:s25+$0x1E1A0]  }
0x46: {  	[tilespmem:s25+$0x13280] =	vst.add.f32.msk $0xffff, v1  }
0x47: {  	[tilespmem:s25+$0x13290] =	vst.add.f32.msk $0xffff, v2  }
0x48: {  	[tilespmem:s25+$0x132A0] =	vst.add.f32.msk $0xffff, v3  }
0x49: {  	[tilespmem:s25+$0x132B0] =	vst.add.f32.msk $0xffff, v4  }
0x4a: {  	[tilespmem:s25+$0x14B80] =	vst.add.f32.msk $0xffff, v0  }
0x4b: {  	[tilespmem:s25+$0x14B90] =	vst.add.f32.msk $0xffff, v5  }
0x4c: {  	[tilespmem:s25+$0x14BA0] =	vst.add.f32.msk $0xffff, v6  }
0x4d: {  	[tilespmem:s25+$0x14BB0] =	vst.add.f32.msk $0xffff, v7  }
0x4e: {  	[tilespmem:s25+$0x16480] =	vst.add.f32.msk $0xffff, v8  }
0x4f: {  	[tilespmem:s25+$0x16490] =	vst.add.f32.msk $0xffff, v9  }
.Ltmp1:
0x50: {  	[tilespmem:s25+$0x164A0] =	vst.add.f32.msk $0xffff, v10;
	(pc) =	sbr.rel @p1 .LBB2_4-.Ltmp1, $4  }
0x51: {  	[tilespmem:s25+$0x164B0] =	vst.add.f32.msk $0xffff, v11  }
0x52: {  	[tilespmem:s25+$0x17D80] =	vst.add.f32.msk $0xffff, v12  }
0x53: {  	[tilespmem:s25+$0x17D90] =	vst.add.f32.msk $0xffff, v13  }
0x54: {  	[tilespmem:s25+$0x17DA0] =	vst.add.f32.msk $0xffff, v14;
	s25 =	sshra.s32 s10, $0x2;
	s10 =	sadd.s32 $0x100, s10  }
0x55: {  	v0 =	vld [tilespmem:s25+$0x1E1B0]  }
0x56: {  	v1 =	vld [tilespmem:s25+$0x19680]  }
0x57: {  	v2 =	vld [tilespmem:s25+$0x19690]  }
0x58: {  	v3 =	vld [tilespmem:s25+$0x196A0]  }
0x59: {  	v4 =	vld [tilespmem:s25+$0x196B0]  }
0x5a: {  	v63 =	vld [tilespmem:s25+$0x1AF80]  }
0x5b: {  	v5 =	vld [tilespmem:s25+$0x1AF90]  }
0x5c: {  	v6 =	vld [tilespmem:s25+$0x1AFA0]  }
0x5d: {  	v7 =	vld [tilespmem:s25+$0x1AFB0]  }
0x5e: {  	v8 =	vld [tilespmem:s25+$0x1C880]  }
0x5f: {  	v9 =	vld [tilespmem:s25+$0x1C890]  }
0x60: {  	v10 =	vld [tilespmem:s25+$0x1C8A0]  }
0x61: {  	v11 =	vld [tilespmem:s25+$0x1C8B0]  }
0x62: {  	v12 =	vld [tilespmem:s25+$0x1E180]  }
0x63: {  	v13 =	vld [tilespmem:s25+$0x1E190]  }
0x64: {  	v14 =	vld [tilespmem:s25+$0x1E1A0]  }
0x65: {  	[tilespmem:s25+$0x17DB0] =	vst.add.f32.msk $0xffff, v0  }
0x66: {  	[tilespmem:s25+$0x13280] =	vst.add.f32.msk $0xffff, v1  }
0x67: {  	[tilespmem:s25+$0x13290] =	vst.add.f32.msk $0xffff, v2  }
0x68: {  	[tilespmem:s25+$0x132A0] =	vst.add.f32.msk $0xffff, v3  }
0x69: {  	[tilespmem:s25+$0x132B0] =	vst.add.f32.msk $0xffff, v4  }
0x6a: {  	[tilespmem:s25+$0x14B80] =	vst.add.f32.msk $0xffff, v63  }
0x6b: {  	[tilespmem:s25+$0x14B90] =	vst.add.f32.msk $0xffff, v5  }
0x6c: {  	[tilespmem:s25+$0x14BA0] =	vst.add.f32.msk $0xffff, v6  }
0x6d: {  	[tilespmem:s25+$0x14BB0] =	vst.add.f32.msk $0xffff, v7  }
0x6e: {  	[tilespmem:s25+$0x16480] =	vst.add.f32.msk $0xffff, v8  }
0x6f: {  	s8 =	rddreg [dreg:$0x6];
	[tilespmem:s25+$0x16490] =	vst.add.f32.msk $0xffff, v9  }
0x70: {  	s8 =	sadd.s32 s24, s8;
	[tilespmem:s25+$0x164A0] =	vst.add.f32.msk $0xffff, v10  }
0x71: {  	s8 =	smul.u32 $0x1900, s8;
	[tilespmem:s25+$0x164B0] =	vst.add.f32.msk $0xffff, v11  }
0x72: {  	[tilespmem:s25+$0x17D80] =	vst.add.f32.msk $0xffff, v12  }
0x73: {  	s8 =	sshrl.u32 s8, $0x3;
	[tilespmem:s25+$0x17D90] =	vst.add.f32.msk $0xffff, v13  }
0x74: {  	s10 =	simm.s32 $0x13280;
	[tilespmem:s25+$0x17DA0] =	vst.add.f32.msk $0xffff, v14;
	s8 =	sadd.s32 s2, s8  }
0x75: {  	[hbm4b:s8+s3] =	stream.linear.scatter [tilespmem:s10], [sflag:$0xC], $0x6400, $0x38;
	[tilespmem:$0x1FA80] =	vst v63  }
0x76: {  	_ =	swait.ge [sflag:s13], $0x6400  }
0x77: {  	[sflag:s13] =	ssyncset.done $0x0  }
0x78: {  	[sflag:s13] =	ssyncadd.s32 $0xFFFF9C00  }
.LBB2_6:
0x79: {  	s25 =	sor.u32 s15, s24  }
0x7a: {  	s8 =	smul.u32 $0xD, s25;
	_ =	sdelay $0x1  }
0x7b: {  	s10 =	simm.s32 $0x0;
	s8 =	sadd.s32 s4, s8  }
0x7c: {  	[tilespmem:s29], [sflag:$0x3] =	stream.linear.gather [hbm4b:s8+s10], $0x1A0, $0x38;
	[tilespmem:$0x1FA80] =	vst v63  }
0x7d: {  	_ =	swait.ge [sflag:s30], $0x1A0  }
0x7e: {  	[sflag:s30] =	ssyncset.done $0x0  }
0x7f: {  	[sflag:s30] =	ssyncadd.s32 $0xFFFFFE60  }
0x80: {  	[tilespmem:s31], [sflag:$0x6] =	stream.indirect.gather [hbm4b:s5+s20], $0x40, s18, s20, $0xb8;
	[tilespmem:$0x1FA80] =	vst v63  }
0x81: {  	s26 =	simm.s32 $0x8380;
	s10 =	simm.s32 $0x208  }
0x82: {  	[tilespmem:s26], [sflag:$0x6] =	stream.indirect.gather [hbm4b:s5+s20], $0x40, s10, s20, $0xb8;
	[tilespmem:$0x1FA80] =	vst v63  }
0x83: {  	s10 =	simm.s32 $0x270;
	s26 =	simm.s32 $0x9C80  }
0x84: {  	[tilespmem:s26], [sflag:$0x6] =	stream.indirect.gather [hbm4b:s5+s20], $0x40, s10, s20, $0xb8;
	[tilespmem:$0x1FA80] =	vst v63  }
0x85: {  	s10 =	simm.s32 $0x2D8;
	s26 =	simm.s32 $0xB580  }
0x86: {  	[tilespmem:s26], [sflag:$0x6] =	stream.indirect.gather [hbm4b:s5+s20], $0x40, s10, s20, $0xb8;
	[tilespmem:$0x1FA80] =	vst v63  }
0x87: {  	_ =	swait.ge [sflag:s14], $0x1900  }
0x88: {  	[sflag:s14] =	ssyncset.done $0x0  }
0x89: {  	[sflag:s14] =	ssyncadd.s32 $0xFFFFE700  }
0x8a: {  	_ =	swait.ge [sflag:s14], $0x1900  }
0x8b: {  	[sflag:s14] =	ssyncset.done $0x0  }
0x8c: {  	[sflag:s14] =	ssyncadd.s32 $0xFFFFE700  }
0x8d: {  	_ =	swait.ge [sflag:s14], $0x1900  }
0x8e: {  	[sflag:s14] =	ssyncset.done $0x0  }
0x8f: {  	[sflag:s14] =	ssyncadd.s32 $0xFFFFE700  }
0x90: {  	_ =	swait.ge [sflag:s14], $0x1900  }
0x91: {  	[sflag:s14] =	ssyncset.done $0x0  }
0x92: {  	s26 =	simm.s32 $0x0;
	s10 =	simm.s32 $0x100;
	[sflag:s14] =	ssyncadd.s32 $0xFFFFE700  }
.LBB2_7:
0x93: {  	p1 =	sne.s32 s10, $0x6300;
	v0 =	vld [tilespmem:s26+$0x1E1B0]  }
0x94: {  	v1 =	vld [tilespmem:s26+$0x19680]  }
0x95: {  	v2 =	vld [tilespmem:s26+$0x19690]  }
0x96: {  	v3 =	vld [tilespmem:s26+$0x196A0]  }
0x97: {  	v4 =	vld [tilespmem:s26+$0x196B0]  }
0x98: {  	[tilespmem:s26+$0x51B0] =	vst.add.f32.msk $0xffff, v0  }
0x99: {  	v0 =	vld [tilespmem:s26+$0x1AF80]  }
0x9a: {  	v5 =	vld [tilespmem:s26+$0x1AF90]  }
0x9b: {  	v6 =	vld [tilespmem:s26+$0x1AFA0]  }
0x9c: {  	v7 =	vld [tilespmem:s26+$0x1AFB0]  }
0x9d: {  	v8 =	vld [tilespmem:s26+$0x1C880]  }
0x9e: {  	v9 =	vld [tilespmem:s26+$0x1C890]  }
0x9f: {  	v10 =	vld [tilespmem:s26+$0x1C8A0]  }
0xa0: {  	v11 =	vld [tilespmem:s26+$0x1C8B0]  }
0xa1: {  	v12 =	vld [tilespmem:s26+$0x1E180]  }
0xa2: {  	v13 =	vld [tilespmem:s26+$0x1E190]  }
0xa3: {  	v14 =	vld [tilespmem:s26+$0x1E1A0]  }
0xa4: {  	[tilespmem:s26+$0x680] =	vst.add.f32.msk $0xffff, v1  }
0xa5: {  	[tilespmem:s26+$0x690] =	vst.add.f32.msk $0xffff, v2  }
0xa6: {  	[tilespmem:s26+$0x6A0] =	vst.add.f32.msk $0xffff, v3  }
0xa7: {  	[tilespmem:s26+$0x6B0] =	vst.add.f32.msk $0xffff, v4  }
0xa8: {  	[tilespmem:s26+$0x1F80] =	vst.add.f32.msk $0xffff, v0  }
0xa9: {  	[tilespmem:s26+$0x1F90] =	vst.add.f32.msk $0xffff, v5  }
0xaa: {  	[tilespmem:s26+$0x1FA0] =	vst.add.f32.msk $0xffff, v6  }
0xab: {  	[tilespmem:s26+$0x1FB0] =	vst.add.f32.msk $0xffff, v7  }
0xac: {  	[tilespmem:s26+$0x3880] =	vst.add.f32.msk $0xffff, v8  }
0xad: {  	[tilespmem:s26+$0x3890] =	vst.add.f32.msk $0xffff, v9  }
.Ltmp2:
0xae: {  	[tilespmem:s26+$0x38A0] =	vst.add.f32.msk $0xffff, v10;
	(pc) =	sbr.rel @p1 .LBB2_7-.Ltmp2, $4  }
0xaf: {  	[tilespmem:s26+$0x38B0] =	vst.add.f32.msk $0xffff, v11  }
0xb0: {  	[tilespmem:s26+$0x5180] =	vst.add.f32.msk $0xffff, v12  }
0xb1: {  	[tilespmem:s26+$0x5190] =	vst.add.f32.msk $0xffff, v13  }
0xb2: {  	[tilespmem:s26+$0x51A0] =	vst.add.f32.msk $0xffff, v14;
	s26 =	sshra.s32 s10, $0x2;
	s10 =	sadd.s32 $0x100, s10  }
0xb3: {  	v0 =	vld [tilespmem:s26+$0x1E1B0]  }
0xb4: {  	v1 =	vld [tilespmem:s26+$0x19680]  }
0xb5: {  	v2 =	vld [tilespmem:s26+$0x19690]  }
0xb6: {  	v3 =	vld [tilespmem:s26+$0x196A0]  }
0xb7: {  	v4 =	vld [tilespmem:s26+$0x196B0]  }
0xb8: {  	v63 =	vld [tilespmem:s26+$0x1AF80]  }
0xb9: {  	v5 =	vld [tilespmem:s26+$0x1AF90]  }
0xba: {  	v6 =	vld [tilespmem:s26+$0x1AFA0]  }
0xbb: {  	v7 =	vld [tilespmem:s26+$0x1AFB0]  }
0xbc: {  	v8 =	vld [tilespmem:s26+$0x1C880]  }
0xbd: {  	v9 =	vld [tilespmem:s26+$0x1C890]  }
0xbe: {  	v10 =	vld [tilespmem:s26+$0x1C8A0]  }
0xbf: {  	v11 =	vld [tilespmem:s26+$0x1C8B0]  }
0xc0: {  	v12 =	vld [tilespmem:s26+$0x1E180]  }
0xc1: {  	v13 =	vld [tilespmem:s26+$0x1E190]  }
0xc2: {  	v14 =	vld [tilespmem:s26+$0x1E1A0]  }
0xc3: {  	[tilespmem:s26+$0x51B0] =	vst.add.f32.msk $0xffff, v0  }
0xc4: {  	[tilespmem:s26+$0x680] =	vst.add.f32.msk $0xffff, v1  }
0xc5: {  	[tilespmem:s26+$0x690] =	vst.add.f32.msk $0xffff, v2  }
0xc6: {  	[tilespmem:s26+$0x6A0] =	vst.add.f32.msk $0xffff, v3  }
0xc7: {  	[tilespmem:s26+$0x6B0] =	vst.add.f32.msk $0xffff, v4  }
0xc8: {  	[tilespmem:s26+$0x1F80] =	vst.add.f32.msk $0xffff, v63  }
0xc9: {  	[tilespmem:s26+$0x1F90] =	vst.add.f32.msk $0xffff, v5  }
0xca: {  	[tilespmem:s26+$0x1FA0] =	vst.add.f32.msk $0xffff, v6  }
0xcb: {  	[tilespmem:s26+$0x1FB0] =	vst.add.f32.msk $0xffff, v7  }
0xcc: {  	[tilespmem:s26+$0x3880] =	vst.add.f32.msk $0xffff, v8  }
0xcd: {  	[tilespmem:s26+$0x3890] =	vst.add.f32.msk $0xffff, v9  }
0xce: {  	[tilespmem:s26+$0x38A0] =	vst.add.f32.msk $0xffff, v10  }
0xcf: {  	s8 =	sadd.s32 s6, s24;
	[tilespmem:s26+$0x38B0] =	vst.add.f32.msk $0xffff, v11  }
0xd0: {  	s8 =	smul.u32 $0x320, s8;
	[tilespmem:s26+$0x5180] =	vst.add.f32.msk $0xffff, v12  }
0xd1: {  	[tilespmem:s26+$0x5190] =	vst.add.f32.msk $0xffff, v13  }
0xd2: {  	s8 =	sadd.s32 s2, s8;
	[tilespmem:s26+$0x51A0] =	vst.add.f32.msk $0xffff, v14;
	s26 =	sadd.s32 s24, s6  }
0xd3: {  	[hbm4b:s8+s3] =	stream.linear.scatter [tilespmem:s21], [sflag:$0x9], $0x6400, $0x38;
	[tilespmem:$0x1FA80] =	vst v63  }
0xd4: {  	s8 =	simm.s32 @!p0 $0xC;
	s10 =	smul.u32 $0xD, s26  }
0xd5: {  	_ =	swait.ge @!p0 [sflag:s8], $0x6400  }
0xd6: {  	[sflag:s8] =	ssyncset.done @!p0 $0x0;
	s10 =	sadd.s32 s4, s10  }
0xd7: {  	[sflag:s8] =	ssyncadd.s32 @!p0 $0xFFFF9C00;
	s8 =	sadd.s32 $0x9C, s10;
	s10 =	simm.s32 $0x0  }
0xd8: {  	[tilespmem:s7], [sflag:$0x4] =	stream.linear.gather [hbm4b:s8+s10], $0x1A0, $0x38;
	[tilespmem:$0x1FA80] =	vst v63  }
0xd9: {  	_ =	swait.ge [sflag:s17], $0x1A0  }
0xda: {  	[sflag:s17] =	ssyncset.done $0x0  }
0xdb: {  	[sflag:s17] =	ssyncadd.s32 $0xFFFFFE60  }
0xdc: {  	[tilespmem:s22], [sflag:$0x7] =	stream.indirect.gather [hbm4b:s5+s20], $0x40, s29, s20, $0xb8;
	[tilespmem:$0x1FA80] =	vst v63  }
0xdd: {  	s8 =	simm.s32 $0x3A8;
	s10 =	simm.s32 $0xE780  }
0xde: {  	[tilespmem:s10], [sflag:$0x7] =	stream.indirect.gather [hbm4b:s5+s20], $0x40, s8, s20, $0xb8;
	[tilespmem:$0x1FA80] =	vst v63  }
0xdf: {  	s8 =	simm.s32 $0x410;
	s10 =	simm.s32 $0x10080  }
0xe0: {  	[tilespmem:s10], [sflag:$0x7] =	stream.indirect.gather [hbm4b:s5+s20], $0x40, s8, s20, $0xb8;
	[tilespmem:$0x1FA80] =	vst v63  }
0xe1: {  	s8 =	simm.s32 $0x478;
	s10 =	simm.s32 $0x11980  }
0xe2: {  	[tilespmem:s10], [sflag:$0x7] =	stream.indirect.gather [hbm4b:s5+s20], $0x40, s8, s20, $0xb8;
	[tilespmem:$0x1FA80] =	vst v63  }
0xe3: {  	_ =	swait.ge [sflag:s1], $0x1900  }
0xe4: {  	[sflag:s1] =	ssyncset.done $0x0  }
0xe5: {  	[sflag:s1] =	ssyncadd.s32 $0xFFFFE700  }
0xe6: {  	_ =	swait.ge [sflag:s1], $0x1900  }
0xe7: {  	[sflag:s1] =	ssyncset.done $0x0  }
0xe8: {  	[sflag:s1] =	ssyncadd.s32 $0xFFFFE700  }
0xe9: {  	_ =	swait.ge [sflag:s1], $0x1900  }
0xea: {  	[sflag:s1] =	ssyncset.done $0x0  }
0xeb: {  	[sflag:s1] =	ssyncadd.s32 $0xFFFFE700  }
0xec: {  	_ =	swait.ge [sflag:s1], $0x1900  }
0xed: {  	[sflag:s1] =	ssyncset.done $0x0  }
0xee: {  	s10 =	simm.s32 $0x0;
	s8 =	simm.s32 $0x100;
	[sflag:s1] =	ssyncadd.s32 $0xFFFFE700  }
.LBB2_9:
0xef: {  	p0 =	sne.s32 s8, $0x6300;
	v0 =	vld [tilespmem:s10+$0x1E1B0]  }
0xf0: {  	v1 =	vld [tilespmem:s10+$0x19680]  }
0xf1: {  	v2 =	vld [tilespmem:s10+$0x19690]  }
0xf2: {  	v3 =	vld [tilespmem:s10+$0x196A0]  }
0xf3: {  	v4 =	vld [tilespmem:s10+$0x196B0]  }
0xf4: {  	[tilespmem:s10+$0xB5B0] =	vst.add.f32.msk $0xffff, v0  }
0xf5: {  	v0 =	vld [tilespmem:s10+$0x1AF80]  }
0xf6: {  	v5 =	vld [tilespmem:s10+$0x1AF90]  }
0xf7: {  	v6 =	vld [tilespmem:s10+$0x1AFA0]  }
0xf8: {  	v7 =	vld [tilespmem:s10+$0x1AFB0]  }
0xf9: {  	v8 =	vld [tilespmem:s10+$0x1C880]  }
0xfa: {  	v9 =	vld [tilespmem:s10+$0x1C890]  }
0xfb: {  	v10 =	vld [tilespmem:s10+$0x1C8A0]  }
0xfc: {  	v11 =	vld [tilespmem:s10+$0x1C8B0]  }
0xfd: {  	v12 =	vld [tilespmem:s10+$0x1E180]  }
0xfe: {  	v13 =	vld [tilespmem:s10+$0x1E190]  }
0xff: {  	v14 =	vld [tilespmem:s10+$0x1E1A0]  }
0x100: {  	[tilespmem:s10+$0x6A80] =	vst.add.f32.msk $0xffff, v1  }
0x101: {  	[tilespmem:s10+$0x6A90] =	vst.add.f32.msk $0xffff, v2  }
0x102: {  	[tilespmem:s10+$0x6AA0] =	vst.add.f32.msk $0xffff, v3  }
0x103: {  	[tilespmem:s10+$0x6AB0] =	vst.add.f32.msk $0xffff, v4  }
0x104: {  	[tilespmem:s10+$0x8380] =	vst.add.f32.msk $0xffff, v0  }
0x105: {  	[tilespmem:s10+$0x8390] =	vst.add.f32.msk $0xffff, v5  }
0x106: {  	[tilespmem:s10+$0x83A0] =	vst.add.f32.msk $0xffff, v6  }
0x107: {  	[tilespmem:s10+$0x83B0] =	vst.add.f32.msk $0xffff, v7  }
0x108: {  	[tilespmem:s10+$0x9C80] =	vst.add.f32.msk $0xffff, v8  }
0x109: {  	[tilespmem:s10+$0x9C90] =	vst.add.f32.msk $0xffff, v9  }
.Ltmp3:
0x10a: {  	[tilespmem:s10+$0x9CA0] =	vst.add.f32.msk $0xffff, v10;
	(pc) =	sbr.rel @p0 .LBB2_9-.Ltmp3, $4  }
0x10b: {  	[tilespmem:s10+$0x9CB0] =	vst.add.f32.msk $0xffff, v11  }
0x10c: {  	[tilespmem:s10+$0xB580] =	vst.add.f32.msk $0xffff, v12  }
0x10d: {  	[tilespmem:s10+$0xB590] =	vst.add.f32.msk $0xffff, v13  }
0x10e: {  	[tilespmem:s10+$0xB5A0] =	vst.add.f32.msk $0xffff, v14;
	s10 =	sshra.s32 s8, $0x2;
	s8 =	sadd.s32 $0x100, s8  }
0x10f: {  	v0 =	vld [tilespmem:s10+$0x1E1B0]  }
0x110: {  	v1 =	vld [tilespmem:s10+$0x19680]  }
0x111: {  	v2 =	vld [tilespmem:s10+$0x19690]  }
0x112: {  	v3 =	vld [tilespmem:s10+$0x196A0]  }
0x113: {  	v4 =	vld [tilespmem:s10+$0x196B0]  }
0x114: {  	v63 =	vld [tilespmem:s10+$0x1AF80]  }
0x115: {  	v5 =	vld [tilespmem:s10+$0x1AF90]  }
0x116: {  	v6 =	vld [tilespmem:s10+$0x1AFA0]  }
0x117: {  	v7 =	vld [tilespmem:s10+$0x1AFB0]  }
0x118: {  	v8 =	vld [tilespmem:s10+$0x1C880]  }
0x119: {  	v9 =	vld [tilespmem:s10+$0x1C890]  }
0x11a: {  	v10 =	vld [tilespmem:s10+$0x1C8A0]  }
0x11b: {  	v11 =	vld [tilespmem:s10+$0x1C8B0]  }
0x11c: {  	v12 =	vld [tilespmem:s10+$0x1E180]  }
0x11d: {  	v13 =	vld [tilespmem:s10+$0x1E190]  }
0x11e: {  	v14 =	vld [tilespmem:s10+$0x1E1A0]  }
0x11f: {  	[tilespmem:s10+$0xB5B0] =	vst.add.f32.msk $0xffff, v0  }
0x120: {  	[tilespmem:s10+$0x6A80] =	vst.add.f32.msk $0xffff, v1  }
0x121: {  	[tilespmem:s10+$0x6A90] =	vst.add.f32.msk $0xffff, v2  }
0x122: {  	[tilespmem:s10+$0x6AA0] =	vst.add.f32.msk $0xffff, v3  }
0x123: {  	[tilespmem:s10+$0x6AB0] =	vst.add.f32.msk $0xffff, v4  }
0x124: {  	[tilespmem:s10+$0x8380] =	vst.add.f32.msk $0xffff, v63  }
0x125: {  	[tilespmem:s10+$0x8390] =	vst.add.f32.msk $0xffff, v5  }
0x126: {  	[tilespmem:s10+$0x83A0] =	vst.add.f32.msk $0xffff, v6  }
0x127: {  	[tilespmem:s10+$0x83B0] =	vst.add.f32.msk $0xffff, v7  }
0x128: {  	[tilespmem:s10+$0x9C80] =	vst.add.f32.msk $0xffff, v8  }
0x129: {  	[tilespmem:s10+$0x9C90] =	vst.add.f32.msk $0xffff, v9  }
0x12a: {  	[tilespmem:s10+$0x9CA0] =	vst.add.f32.msk $0xffff, v10  }
0x12b: {  	s8 =	smul.u32 $0x320, s26;
	[tilespmem:s10+$0x9CB0] =	vst.add.f32.msk $0xffff, v11  }
0x12c: {  	[tilespmem:s10+$0xB580] =	vst.add.f32.msk $0xffff, v12  }
0x12d: {  	s8 =	sadd.s32 s2, s8;
	[tilespmem:s10+$0xB590] =	vst.add.f32.msk $0xffff, v13  }
0x12e: {  	p0 =	seq.s32 s23, $0xF;
	s8 =	sadd.s32 $0xC80, s8;
	[tilespmem:s10+$0xB5A0] =	vst.add.f32.msk $0xffff, v14  }
0x12f: {  	[hbm4b:s8+s3] =	stream.linear.scatter [tilespmem:s31], [sflag:$0xA], $0x6400, $0x38;
	[tilespmem:$0x1FA80] =	vst v63  }
0x130: {  	s10 =	sadd.s32 @!p0 s24, s11;
	s8 =	simm.s32 @!p0 $0x9  }
0x131: {  	s10 =	smul.u32 @!p0 $0xD, s10;
	_ =	swait.ge @!p0 [sflag:s8], $0x6400  }
0x132: {  	[sflag:s8] =	ssyncset.done @!p0 $0x0  }
0x133: {  	[sflag:s8] =	ssyncadd.s32 @!p0 $0xFFFF9C00;
	s8 =	sadd.s32 @!p0 s4, s10;
	s10 =	simm.s32 @!p0 $0x0  }
0x134: {  	[tilespmem:s10], [sflag:$0x1] =	stream.linear.gather @!p0 [hbm4b:s8+s10], $0x1A0, $0x38;
	[tilespmem:$0x1FA80] =	vst v63  }
0x135: {  	_ =	swait.ge [sflag:s16], $0x1A0  }
0x136: {  	[sflag:s16] =	ssyncset.done $0x0  }
0x137: {  	s26 =	simm.s32 $0x13280;
	[sflag:s16] =	ssyncadd.s32 $0xFFFFFE60  }
0x138: {  	[tilespmem:s26], [sflag:$0x8] =	stream.indirect.gather [hbm4b:s5+s20], $0x40, s7, s20, $0xb8;
	[tilespmem:$0x1FA80] =	vst v63  }
0x139: {  	s10 =	simm.s32 $0x548;
	s26 =	simm.s32 $0x14B80  }
0x13a: {  	[tilespmem:s26], [sflag:$0x8] =	stream.indirect.gather [hbm4b:s5+s20], $0x40, s10, s20, $0xb8;
	[tilespmem:$0x1FA80] =	vst v63  }
0x13b: {  	s10 =	simm.s32 $0x5B0;
	s26 =	simm.s32 $0x16480  }
0x13c: {  	[tilespmem:s26], [sflag:$0x8] =	stream.indirect.gather [hbm4b:s5+s20], $0x40, s10, s20, $0xb8;
	[tilespmem:$0x1FA80] =	vst v63  }
0x13d: {  	s10 =	simm.s32 $0x618;
	s26 =	simm.s32 $0x17D80  }
0x13e: {  	[tilespmem:s26], [sflag:$0x8] =	stream.indirect.gather [hbm4b:s5+s20], $0x40, s10, s20, $0xb8;
	[tilespmem:$0x1FA80] =	vst v63  }
0x13f: {  	_ =	swait.ge [sflag:s28], $0x1900  }
0x140: {  	[sflag:s28] =	ssyncset.done $0x0  }
0x141: {  	[sflag:s28] =	ssyncadd.s32 $0xFFFFE700  }
0x142: {  	_ =	swait.ge [sflag:s28], $0x1900  }
0x143: {  	[sflag:s28] =	ssyncset.done $0x0  }
0x144: {  	[sflag:s28] =	ssyncadd.s32 $0xFFFFE700  }
0x145: {  	_ =	swait.ge [sflag:s28], $0x1900  }
0x146: {  	[sflag:s28] =	ssyncset.done $0x0  }
0x147: {  	[sflag:s28] =	ssyncadd.s32 $0xFFFFE700  }
0x148: {  	_ =	swait.ge [sflag:s28], $0x1900  }
0x149: {  	[sflag:s28] =	ssyncset.done $0x0  }
0x14a: {  	s8 =	simm.s32 $0x100;
	s10 =	simm.s32 $0x0;
	[sflag:s28] =	ssyncadd.s32 $0xFFFFE700  }
.LBB2_11:
0x14b: {  	p1 =	sne.s32 s8, $0x6300;
	v0 =	vld [tilespmem:s10+$0x1E1B0]  }
0x14c: {  	v1 =	vld [tilespmem:s10+$0x19680]  }
0x14d: {  	v2 =	vld [tilespmem:s10+$0x19690]  }
0x14e: {  	v3 =	vld [tilespmem:s10+$0x196A0]  }
0x14f: {  	v4 =	vld [tilespmem:s10+$0x196B0]  }
0x150: {  	[tilespmem:s10+$0x119B0] =	vst.add.f32.msk $0xffff, v0  }
0x151: {  	v0 =	vld [tilespmem:s10+$0x1AF80]  }
0x152: {  	v5 =	vld [tilespmem:s10+$0x1AF90]  }
0x153: {  	v6 =	vld [tilespmem:s10+$0x1AFA0]  }
0x154: {  	v7 =	vld [tilespmem:s10+$0x1AFB0]  }
0x155: {  	v8 =	vld [tilespmem:s10+$0x1C880]  }
0x156: {  	v9 =	vld [tilespmem:s10+$0x1C890]  }
0x157: {  	v10 =	vld [tilespmem:s10+$0x1C8A0]  }
0x158: {  	v11 =	vld [tilespmem:s10+$0x1C8B0]  }
0x159: {  	v12 =	vld [tilespmem:s10+$0x1E180]  }
0x15a: {  	v13 =	vld [tilespmem:s10+$0x1E190]  }
0x15b: {  	v14 =	vld [tilespmem:s10+$0x1E1A0]  }
0x15c: {  	[tilespmem:s10+$0xCE80] =	vst.add.f32.msk $0xffff, v1  }
0x15d: {  	[tilespmem:s10+$0xCE90] =	vst.add.f32.msk $0xffff, v2  }
0x15e: {  	[tilespmem:s10+$0xCEA0] =	vst.add.f32.msk $0xffff, v3  }
0x15f: {  	[tilespmem:s10+$0xCEB0] =	vst.add.f32.msk $0xffff, v4  }
0x160: {  	[tilespmem:s10+$0xE780] =	vst.add.f32.msk $0xffff, v0  }
0x161: {  	[tilespmem:s10+$0xE790] =	vst.add.f32.msk $0xffff, v5  }
0x162: {  	[tilespmem:s10+$0xE7A0] =	vst.add.f32.msk $0xffff, v6  }
0x163: {  	[tilespmem:s10+$0xE7B0] =	vst.add.f32.msk $0xffff, v7  }
0x164: {  	[tilespmem:s10+$0x10080] =	vst.add.f32.msk $0xffff, v8  }
0x165: {  	[tilespmem:s10+$0x10090] =	vst.add.f32.msk $0xffff, v9  }
.Ltmp4:
0x166: {  	[tilespmem:s10+$0x100A0] =	vst.add.f32.msk $0xffff, v10;
	(pc) =	sbr.rel @p1 .LBB2_11-.Ltmp4, $4  }
0x167: {  	[tilespmem:s10+$0x100B0] =	vst.add.f32.msk $0xffff, v11  }
0x168: {  	[tilespmem:s10+$0x11980] =	vst.add.f32.msk $0xffff, v12  }
0x169: {  	[tilespmem:s10+$0x11990] =	vst.add.f32.msk $0xffff, v13  }
0x16a: {  	[tilespmem:s10+$0x119A0] =	vst.add.f32.msk $0xffff, v14;
	s10 =	sshra.s32 s8, $0x2;
	s8 =	sadd.s32 $0x100, s8  }
0x16b: {  	v0 =	vld [tilespmem:s10+$0x1E1B0]  }
0x16c: {  	v1 =	vld [tilespmem:s10+$0x19680]  }
0x16d: {  	v2 =	vld [tilespmem:s10+$0x19690]  }
0x16e: {  	v3 =	vld [tilespmem:s10+$0x196A0]  }
0x16f: {  	v4 =	vld [tilespmem:s10+$0x196B0]  }
0x170: {  	v63 =	vld [tilespmem:s10+$0x1AF80]  }
0x171: {  	v5 =	vld [tilespmem:s10+$0x1AF90]  }
0x172: {  	v6 =	vld [tilespmem:s10+$0x1AFA0]  }
0x173: {  	v7 =	vld [tilespmem:s10+$0x1AFB0]  }
0x174: {  	v8 =	vld [tilespmem:s10+$0x1C880]  }
0x175: {  	v9 =	vld [tilespmem:s10+$0x1C890]  }
0x176: {  	v10 =	vld [tilespmem:s10+$0x1C8A0]  }
0x177: {  	v11 =	vld [tilespmem:s10+$0x1C8B0]  }
0x178: {  	v12 =	vld [tilespmem:s10+$0x1E180]  }
0x179: {  	v13 =	vld [tilespmem:s10+$0x1E190]  }
0x17a: {  	v14 =	vld [tilespmem:s10+$0x1E1A0]  }
0x17b: {  	[tilespmem:s10+$0x119B0] =	vst.add.f32.msk $0xffff, v0  }
0x17c: {  	[tilespmem:s10+$0xCE80] =	vst.add.f32.msk $0xffff, v1  }
0x17d: {  	[tilespmem:s10+$0xCE90] =	vst.add.f32.msk $0xffff, v2  }
0x17e: {  	[tilespmem:s10+$0xCEA0] =	vst.add.f32.msk $0xffff, v3  }
0x17f: {  	[tilespmem:s10+$0xCEB0] =	vst.add.f32.msk $0xffff, v4  }
0x180: {  	[tilespmem:s10+$0xE780] =	vst.add.f32.msk $0xffff, v63  }
0x181: {  	[tilespmem:s10+$0xE790] =	vst.add.f32.msk $0xffff, v5  }
0x182: {  	[tilespmem:s10+$0xE7A0] =	vst.add.f32.msk $0xffff, v6  }
0x183: {  	[tilespmem:s10+$0xE7B0] =	vst.add.f32.msk $0xffff, v7  }
0x184: {  	[tilespmem:s10+$0x10080] =	vst.add.f32.msk $0xffff, v8  }
0x185: {  	[tilespmem:s10+$0x10090] =	vst.add.f32.msk $0xffff, v9  }
0x186: {  	[tilespmem:s10+$0x100A0] =	vst.add.f32.msk $0xffff, v10  }
.Ltmp5:
0x187: {  	[tilespmem:s10+$0x100B0] =	vst.add.f32.msk $0xffff, v11;
	(pc) =	sbr.rel @p0 .LBB2_14-.Ltmp5, $4  }
0x188: {  	s8 =	smul.u32 $0x320, s25;
	[tilespmem:s10+$0x11980] =	vst.add.f32.msk $0xffff, v12  }
0x189: {  	[tilespmem:s10+$0x11990] =	vst.add.f32.msk $0xffff, v13  }
0x18a: {  	s8 =	sadd.s32 s2, s8;
	[tilespmem:s10+$0x119A0] =	vst.add.f32.msk $0xffff, v14  }
0x18b: {  	[hbm4b:s8+s3] =	stream.linear.scatter [tilespmem:s22], [sflag:$0xB], $0x6400, $0x38;
	[tilespmem:$0x1FA80] =	vst v63  }
.Ltmp6:
0x18c: {  	s8 =	sadd.s32 s24, s12;
	(pc) =	sbr.rel .LBB2_2-.Ltmp6, $4  }
0x18d: {  	_ =	swait.ge [sflag:s9], $0x6400;
	s8 =	smul.u32 $0xD, s8  }
0x18e: {  	[sflag:s9] =	ssyncset.done $0x0  }
0x18f: {  	s23 =	sadd.s32 $0x1, s23;
	[sflag:s9] =	ssyncadd.s32 $0xFFFF9C00;
	s8 =	sadd.s32 s4, s8  }
0x190: {  	[tilespmem:s18], [sflag:$0x2] =	stream.linear.gather [hbm4b:s8+s3], $0x1A0, $0x38;
	[tilespmem:$0x1FA80] =	vst v63  }
.LBB2_14:
0x191: {  	_ =	swait.ge [sflag:s0], $0x1900  }
0x192: {  	[sflag:s0] =	ssyncset.done $0x0  }
0x193: {  	[sflag:s0] =	ssyncadd.s32 $0xFFFFE700  }
0x194: {  	_ =	swait.ge [sflag:s0], $0x1900  }
0x195: {  	[sflag:s0] =	ssyncset.done $0x0  }
0x196: {  	[sflag:s0] =	ssyncadd.s32 $0xFFFFE700  }
0x197: {  	_ =	swait.ge [sflag:s0], $0x1900  }
0x198: {  	[sflag:s0] =	ssyncset.done $0x0  }
0x199: {  	[sflag:s0] =	ssyncadd.s32 $0xFFFFE700  }
0x19a: {  	_ =	swait.ge [sflag:s0], $0x1900  }
0x19b: {  	[sflag:s0] =	ssyncset.done $0x0  }
0x19c: {  	s10 =	simm.s32 $0x0;
	s8 =	simm.s32 $0x100;
	[sflag:s0] =	ssyncadd.s32 $0xFFFFE700  }
.LBB2_15:
0x19d: {  	p0 =	sne.s32 s8, $0x6300;
	v0 =	vld [tilespmem:s10+$0x1E1B0]  }
0x19e: {  	v1 =	vld [tilespmem:s10+$0x19680]  }
0x19f: {  	v2 =	vld [tilespmem:s10+$0x19690]  }
0x1a0: {  	v3 =	vld [tilespmem:s10+$0x196A0]  }
0x1a1: {  	v4 =	vld [tilespmem:s10+$0x196B0]  }
0x1a2: {  	[tilespmem:s10+$0x17DB0] =	vst.add.f32.msk $0xffff, v0  }
0x1a3: {  	v0 =	vld [tilespmem:s10+$0x1AF80]  }
0x1a4: {  	v5 =	vld [tilespmem:s10+$0x1AF90]  }
0x1a5: {  	v6 =	vld [tilespmem:s10+$0x1AFA0]  }
0x1a6: {  	v7 =	vld [tilespmem:s10+$0x1AFB0]  }
0x1a7: {  	v8 =	vld [tilespmem:s10+$0x1C880]  }
0x1a8: {  	v9 =	vld [tilespmem:s10+$0x1C890]  }
0x1a9: {  	v10 =	vld [tilespmem:s10+$0x1C8A0]  }
0x1aa: {  	v11 =	vld [tilespmem:s10+$0x1C8B0]  }
0x1ab: {  	v12 =	vld [tilespmem:s10+$0x1E180]  }
0x1ac: {  	v13 =	vld [tilespmem:s10+$0x1E190]  }
0x1ad: {  	v14 =	vld [tilespmem:s10+$0x1E1A0]  }
0x1ae: {  	[tilespmem:s10+$0x13280] =	vst.add.f32.msk $0xffff, v1  }
0x1af: {  	[tilespmem:s10+$0x13290] =	vst.add.f32.msk $0xffff, v2  }
0x1b0: {  	[tilespmem:s10+$0x132A0] =	vst.add.f32.msk $0xffff, v3  }
0x1b1: {  	[tilespmem:s10+$0x132B0] =	vst.add.f32.msk $0xffff, v4  }
0x1b2: {  	[tilespmem:s10+$0x14B80] =	vst.add.f32.msk $0xffff, v0  }
0x1b3: {  	[tilespmem:s10+$0x14B90] =	vst.add.f32.msk $0xffff, v5  }
0x1b4: {  	[tilespmem:s10+$0x14BA0] =	vst.add.f32.msk $0xffff, v6  }
0x1b5: {  	[tilespmem:s10+$0x14BB0] =	vst.add.f32.msk $0xffff, v7  }
0x1b6: {  	[tilespmem:s10+$0x16480] =	vst.add.f32.msk $0xffff, v8  }
0x1b7: {  	[tilespmem:s10+$0x16490] =	vst.add.f32.msk $0xffff, v9  }
.Ltmp7:
0x1b8: {  	[tilespmem:s10+$0x164A0] =	vst.add.f32.msk $0xffff, v10;
	(pc) =	sbr.rel @p0 .LBB2_15-.Ltmp7, $4  }
0x1b9: {  	[tilespmem:s10+$0x164B0] =	vst.add.f32.msk $0xffff, v11  }
0x1ba: {  	[tilespmem:s10+$0x17D80] =	vst.add.f32.msk $0xffff, v12  }
0x1bb: {  	[tilespmem:s10+$0x17D90] =	vst.add.f32.msk $0xffff, v13  }
0x1bc: {  	[tilespmem:s10+$0x17DA0] =	vst.add.f32.msk $0xffff, v14;
	s10 =	sshra.s32 s8, $0x2;
	s8 =	sadd.s32 $0x100, s8  }
0x1bd: {  	v0 =	vld [tilespmem:s10+$0x1E1B0]  }
0x1be: {  	v1 =	vld [tilespmem:s10+$0x19680]  }
0x1bf: {  	v2 =	vld [tilespmem:s10+$0x19690]  }
0x1c0: {  	v3 =	vld [tilespmem:s10+$0x196A0]  }
0x1c1: {  	v4 =	vld [tilespmem:s10+$0x196B0]  }
0x1c2: {  	v63 =	vld [tilespmem:s10+$0x1AF80]  }
0x1c3: {  	v5 =	vld [tilespmem:s10+$0x1AF90]  }
0x1c4: {  	v6 =	vld [tilespmem:s10+$0x1AFA0]  }
0x1c5: {  	v7 =	vld [tilespmem:s10+$0x1AFB0]  }
0x1c6: {  	v8 =	vld [tilespmem:s10+$0x1C880]  }
0x1c7: {  	v9 =	vld [tilespmem:s10+$0x1C890]  }
0x1c8: {  	v10 =	vld [tilespmem:s10+$0x1C8A0]  }
0x1c9: {  	v11 =	vld [tilespmem:s10+$0x1C8B0]  }
0x1ca: {  	v12 =	vld [tilespmem:s10+$0x1E180]  }
0x1cb: {  	v13 =	vld [tilespmem:s10+$0x1E190]  }
0x1cc: {  	v14 =	vld [tilespmem:s10+$0x1E1A0]  }
0x1cd: {  	[tilespmem:s10+$0x17DB0] =	vst.add.f32.msk $0xffff, v0  }
0x1ce: {  	[tilespmem:s10+$0x13280] =	vst.add.f32.msk $0xffff, v1  }
0x1cf: {  	[tilespmem:s10+$0x13290] =	vst.add.f32.msk $0xffff, v2  }
0x1d0: {  	[tilespmem:s10+$0x132A0] =	vst.add.f32.msk $0xffff, v3  }
0x1d1: {  	[tilespmem:s10+$0x132B0] =	vst.add.f32.msk $0xffff, v4  }
0x1d2: {  	[tilespmem:s10+$0x14B80] =	vst.add.f32.msk $0xffff, v63  }
0x1d3: {  	[tilespmem:s10+$0x14B90] =	vst.add.f32.msk $0xffff, v5  }
0x1d4: {  	[tilespmem:s10+$0x14BA0] =	vst.add.f32.msk $0xffff, v6  }
0x1d5: {  	[tilespmem:s10+$0x14BB0] =	vst.add.f32.msk $0xffff, v7  }
0x1d6: {  	[tilespmem:s10+$0x16480] =	vst.add.f32.msk $0xffff, v8  }
0x1d7: {  	[tilespmem:s10+$0x16490] =	vst.add.f32.msk $0xffff, v9  }
0x1d8: {  	[tilespmem:s10+$0x164A0] =	vst.add.f32.msk $0xffff, v10  }
0x1d9: {  	[tilespmem:s10+$0x164B0] =	vst.add.f32.msk $0xffff, v11  }
0x1da: {  	[tilespmem:s10+$0x17D80] =	vst.add.f32.msk $0xffff, v12  }
0x1db: {  	[tilespmem:s10+$0x17D90] =	vst.add.f32.msk $0xffff, v13  }
0x1dc: {  	s8 =	rddreg [dreg:$0x7];
	s23 =	simm.s32 $0x13280;
	s24 =	simm.s32 $0x9;
	[tilespmem:s10+$0x17DA0] =	vst.add.f32.msk $0xffff, v14  }
0x1dd: {  	[hbm4b:s8+s3] =	stream.linear.scatter [tilespmem:s23], [sflag:$0xC], $0x6400, $0x38;
	[tilespmem:$0x1FA80] =	vst v63  }
0x1de: {  	_ =	swait.ge [sflag:s24], $0x6400  }
0x1df: {  	[sflag:s24] =	ssyncset.done $0x0  }
0x1e0: {  	[sflag:s24] =	ssyncadd.s32 $0xFFFF9C00  }
0x1e1: {  	_ =	swait.ge [sflag:s9], $0x6400  }
0x1e2: {  	[sflag:s9] =	ssyncset.done $0x0  }
0x1e3: {  	[sflag:s9] =	ssyncadd.s32 $0xFFFF9C00  }
0x1e4: {  	_ =	swait.ge [sflag:s13], $0x6400  }
0x1e5: {  	[sflag:s13] =	ssyncset.done $0x0  }
0x1e6: {  	s25 =	simm.s32 $0xC;
	[sflag:s13] =	ssyncadd.s32 $0xFFFF9C00  }
0x1e7: {  	_ =	swait.ge [sflag:s25], $0x6400  }
0x1e8: {  	s23 =	rddreg [dreg:$0x9]  }
0x1e9: {  	s26 =	rddreg [dreg:$0x8];
	s23 =	sadd.s32 $0x1, s23  }
0x1ea: {  	p0 =	sne.s32 s23, s26  }
.Ltmp8:
0x1eb: {  	_ = 	snop;
	(pc) =	sbr.rel @p0 .LBB2_1-.Ltmp8, $3  }
0x1ec: {  	_ =	sdelay $0x1  }
0x1ed: {  	[sflag:s25] =	ssyncset.done $0x0  }
0x1ee: {  	[sflag:s25] =	ssyncadd.s32 $0xFFFF9C00  }
0x1ef: {  	_ =	sfence.sel $0x180000  }
0x1f0: {  	[bflag:$0x0] =	sbarrier.arrive $0xFFFF  }
0x1f1: {  	_ =	strace $0x90000047  }
0x1f2: {  	s0 =	stileid.u32;
	[bflag:$0x2] =	sbarrier.arrive $0xFFFF  }
0x1f3: {  	p0 =	sne.s32 s0, $0x0;
	s0 =	rddreg [dreg:$0x2]  }
0x1f4: {  	s0 =	sadd.s32 @!p0 $0x100000, s0  }
0x1f5: {  	[sflag:s0] =	ssyncadd.tile.s32 @!p0 $0x1;
	_ =	shalt  }
.Lfunc_end2:
_tile_overlayer_lowered:
.L_overlay_start_2:
0x1f6: {  	(tag) =	ssettag $0x2  }
0x1f7: {  	s0 =	rddreg [dreg:$0x0];
	s2 =	stileid.u32  }
0x1f8: {  	s1 =	rddreg [dreg:$0x1];
	p0 =	sne.s32 s2, $0x0  }
0x1f9: {  	s3 =	rddreg [dreg:$0x2];
	[bflag:$0x3] =	sbarrier.arrive $0xFFFF;
	s2 =	simm.s32 @!p0 $0x1C0D  }
0x1fa: {  	[timem:s3], [sflag:s2] =	dma.local @!p0 [hbm:s0], s1  }
0x1fb: {  	s0 =	simm.s32 @!p0 $0xD  }
0x1fc: {  	_ =	swait.ge @!p0 [sflag:s0], s1  }
0x1fd: {  	s1 =	ssub.s32 @!p0 $0x0, s1;
	[sflag:s0] =	ssyncset.done @!p0 $0x0  }
0x1fe: {  	[sflag:s0] =	ssyncadd.s32 @!p0 s1  }
0x1ff: {  	[bflag:$0x3] =	sbarrier.arrive $0xFFFF  }
0x200: {  	_ =	shalt  }

// kernel: sparse-core-data-format-call.cloned.1.call-start
scs
called_computation_lowered:
.L_overlay_start_0:
0x0: {  	s2 =	sld [smem:$0x3FD9]  }
0x1: {  	s3 =	sld [smem:$0x3FFE];
	_ =	sdelay $0x1  }
0x2: {  	s1 =	srdreg.scid  }
0x3: {  	s0 =	sand.u32 $0x1, s1  }
0x4: {  	s18 =	sshll.u32 s0, $0xA;
	s2 =	sadd.s32 s3, s2  }
0x5: {  	s2 =	sadd.s32 s2, s18  }
0x6: {  	[smem:$0x3FC5] =	sst s2  }
0x7: {  	_ = 	snop  }
0x8: {  	s2 =	sld [smem:$0x3FD0];
	(tm) =	ssettm $0x1  }
0x9: {  	s19 =	sld [smem:$0x3FFB];
	_ =	sdelay $0x3  }
0xa: {  	_ =	strace s19  }
0xb: {  	s3 =	sld [smem:$0x3FFC];
	_ =	sdelay $0x3  }
0xc: {  	_ =	strace s3  }
0xd: {  	s3 =	sld [smem:$0x3FFD];
	_ =	sdelay $0x3  }
0xe: {  	_ =	strace s3  }
0xf: {  	_ =	strace $0x8FFFFFFF  }
0x10: {  	s20 =	sld [smem:$0x3FDB];
	_ =	sdelay $0x1  }
0x11: {  	s4 =	simm.s32 $_scs_section_size  }
0x12: {  	s5 =	simm.s32 $_size__tile_overlayer_lowered;
	s6 =	simm.s32 $_tile_overlayer_lowered  }
0x13: {  	s23 =	simm.s32 $0x1BFF;
	s22 =	sshll.u32 s6, $0x1;
	s3 =	sadd.s32 s4, s20  }
0x14: {  	s7 =	simm.s32 $0x0;
	s21 =	sshll.u32 s5, $0x1;
	s5 =	sadd.s32 s22, s3  }
0x15: {  	[timem:s7], [sflag:s23] =	dma.local [hbm:s5], s21  }
0x16: {  	_ =	swait.ge [sflag:s23], s21  }
0x17: {  	s4 =	ssub.s32 $0x0, s21;
	[sflag:s23] =	ssyncset.done $0x0  }
0x18: {  	[sflag:s23] =	ssyncadd.s32 s4;
	_ =	sdelay $0x1  }
0x19: {  	s24 =	simm.s32 $0x1B8B  }
0x1a: {  	_ =	swait.ge [sflag:s24], $0x1  }
0x1b: {  	[sflag:s24] =	ssyncset.done $0x0  }
0x1c: {  	s26 =	simm.s32 $0x1B8E;
	s25 =	sld [smem:$0x3FFE];
	[sflag:s24] =	ssyncadd.s32 $0xFFFFFFFF  }
0x1d: {  	s27 =	simm.s32 $execute0_lowered;
	[smem:$0x3FD2] =	sst s26  }
0x1e: {  	s5 =	sshll.u32 s27, $0x1;
	_ =	strace $0x80000049;
	[dreg:$0x1] =	wrdreg $0xFFFFFFFF  }
0x1f: {  	s28 =	simm.s32 $_size_execute0_lowered;
	s3 =	sadd.s32 s3, s5;
	[dreg:$0x0] =	wrdreg $0x0  }
0x20: {  	s5 =	sshll.u32 s28, $0x1;
	[dreg:$0x2] =	wrdreg s3  }
0x21: {  	[dreg:$0x3] =	wrdreg s5  }
0x22: {  	[dreg:$0x4] =	wrdreg $0xC0  }
0x23: {  	_ =	task [dreg:s7], $0x5FFFF  }
0x24: {  	[dreg:$0x1] =	wrdreg $0xFFFFFFFF  }
0x25: {  	[dreg:$0x0] =	wrdreg $0x60  }
0x26: {  	[dreg:$0x2] =	wrdreg s25  }
0x27: {  	[dreg:$0x3] =	wrdreg s2  }
0x28: {  	[dreg:$0x4] =	wrdreg $0x9  }
0x29: {  	_ =	task.clear_ibuf [dreg:s7], $0x5FFFF;
	_ =	strace $0x90000049  }
0x2a: {  	s29 =	simm.s32 $0x9;
	_ =	strace $0x8000004B  }
0x2b: {  	_ =	swait.ge [sflag:s29], $0x1  }
0x2c: {  	[sflag:s29] =	ssyncadd.s32 $0xFFFFFFFF  }
0x2d: {  	_ =	strace $0x9000004B  }
0x2e: {  	_ =	sfence  }
0x2f: {  	s30 =	sld [smem:$0x0];
	_ =	sdelay $0x2  }
0x30: {  	s31 =	sshll.u32 s1, $0xD;
	s1 =	sshrl.u32 s1, $0x2  }
0x31: {  	s3 =	sand.u32 $0x4000, s31;
	s1 =	sadd.s32 s1, s30  }
0x32: {  	s0 =	sor.u32 s3, s0;
	s1 =	sshll.u32 s1, $0x11  }
0x33: {  	s0 =	sor.u32 s1, s0  }
0x34: {  	s0 =	sadd.s32 $0x8F2B, s0  }
0x35: {  	[sflag:s0] =	ssyncadd.remote.s32 $0x1  }
0x36: {  	_ =	sfence.sel $0xFFFF  }
0x37: {  	[dreg:$0x0] =	wrdreg $0xFFFFFFFF;
	(pc) =	sbr.abs _section_cstart, $3  }
0x38: {  	[dreg:$0x1] =	wrdreg $0xFFFFFFFF  }
0x39: {  	_ =	task.clear_ibuf [dreg:s7], $0x2FFFF;
	_ =	strace $0x9FFFFFFF  }
0x3a: {  	(tm) =	ssettm $0x7FFFFFFF  }
0x3b: {  	_ =	shalt  }
tec
execute0_lowered:
.L_overlay_start_1:
0x0: {  	(tag) =	ssettag $0x1  }
0x1: {  	s0 =	srdreg.scid  }
0x2: {  	s1 =	sshll.u32 s0, $0x4  }
0x3: {  	s0 =	stileid.u32;
	s1 =	sand.u32 $0x10, s1  }
0x4: {  	s1 =	sor.u32 s0, s1  }
0x5: {  	s6 =	rddreg [dreg:$0x0];
	s4 =	simm.s32 $0x1;
	s2 =	sshll.u32 s1, $0x7  }
0x6: {  	s7 =	simm.s32 $0x2;
	s12 =	simm.s32 $0x0;
	s1 =	ssub.s32 $0x1000, s2  }
0x7: {  	s8 =	simm.s32 $0x8000;
	s13 =	simm.s32 $0x0;
	s3 =	sand.u32 $0xF80, s1  }
0x8: {  	s9 =	simm.s32 $0x0;
	s5 =	sshrl.u32 s1, $0xC;
	p0 =	sne.s32 s3, $0x0  }
.Ltmp0:
0x9: {  	s1 =	rddreg [dreg:$0x2];
	s4 =	simm.s32 @!p0 $0x0;
	(pc) =	sbr.rel .LBB1_1-.Ltmp0, $4  }
0xa: {  	s11 =	simm.s32 $0x0;
	s3 =	rddreg [dreg:$0x1];
	s5 =	sadd.s32 s4, s5  }
0xb: {  	_ =	strace $0x8000004A;
	s4 =	simm.s32 $0x1;
	s5 =	smul.u32 $0xC8, s5  }
0xc: {  	s6 =	sadd.s32 $0x2400, s6;
	s10 =	smov.u32 s2;
	[sflag:s4] =	ssyncpa.u1 $0x0  }
0xd: {  	p0 =	por $0x0, $0x0;
	[sflag:s7] =	ssyncpa.u1 $0x0;
	s7 =	sor.u32 $0x1, s5  }
.LBB1_4:
0xe: {  	s16 =	sshll.u32 s13, $0x3;
	s17 =	sand.u32 $0x78, s13  }
0xf: {  	s30 =	sand.u32 $0x7E00, s13;
	s12 =	sshll.u32 s12, $0xF;
	s16 =	sand.u32 $0xC00, s16  }
0x10: {  	[tilespmem:s15+$0x810 ss:$0x81] =	vst.msk $0xffff, v2;
	s31 =	sand.u32 $0x7, s13;
	s16 =	sor.u32 s17, s16;
	s17 =	sadd.s32 s3, s30  }
0x11: {  	[tilespmem:s15+$0x1020 ss:$0x81] =	vst.msk $0xffff, v0;
	s13 =	sshll.u32 s31, $0x12;
	s12 =	sadd.s32 s12, s17;
	s16 =	sshrl.u32 s16, $0x3  }
0x12: {  	[tilespmem:s15+$0x0 ss:$0x81] =	vst.msk $0xffff, v1;
	s13 =	sor.u32 $0x400, s13;
	s12 =	sadd.s32 s16, s12  }
0x13: {  	[hbm4b:s12+s13] =	stream.strided.scatter [tilespmem:s14], [sflag:$0x2], $0x2000, s8, s13, $0x20;
	[tilespmem:$0x8080] =	vst v63  }
.LBB1_5:
0x14: {  	s14 =	sadd.s32 $0x1, s9  }
0x15: {  	s12 =	sadd.s32 $0x1000, s10;
	s16 =	smov.u32 s10;
	p2 =	sgt.s32 s14, $0xC7  }
0x16: {  	s16 =	smov.u32 @p2 s12  }
0x17: {  	s14 =	simm.s32 @p2 $0x0;
	p2 =	sgt.s32 s16, $0xFFF  }
0x18: {  	s16 =	smov.u32 @p2 s2;
	p2 =	sne.s32 s11, s7  }
.Ltmp1:
0x19: {  	p1 =	slt.u32 s11, $0x2;
	(pc) =	sbr.rel @!p2 .LBB1_6-.Ltmp1, $4  }
0x1a: {  	s15 =	simm.s32 @!p1 $0x2  }
0x1b: {  	s13 =	smov.u32 s10;
	p0 =	por !p0, !p0;
	_ =	swait.ge @!p1 [sflag:s15], $0x2000  }
0x1c: {  	s12 =	smov.u32 s9;
	[sflag:s15] =	ssyncset.done @!p1 $0x0;
	s9 =	smov.u32 s14  }
0x1d: {  	s11 =	sadd.s32 $0x1, s11;
	[sflag:s15] =	ssyncadd.s32 @!p1 $0xFFFFE000;
	s10 =	smov.u32 s16  }
.LBB1_1:
0x1e: {  	p1 =	sge.u32 s11, s5  }
0x1f: {  	s14 =	sand.u32 @!p1 $0x1FFFFFF, s9  }
0x20: {  	s15 =	smulhi.u32 @!p1 $0x147AE15, s14;
	_ =	sdelay $0x1  }
0x21: {  	s15 =	smul.u32 @!p1 $0xC8, s15  }
0x22: {  	s16 =	sxor.u32 @!p1 $0xFFFFFFFF, s11;
	s17 =	smul.u32 @!p1 $0xC80, s10  }
0x23: {  	s31 =	sadd.s32 $0xFFFFFFFF, s11;
	s16 =	sshll.u32 @!p1 s16, $0xD;
	s14 =	ssub.s32 @!p1 s14, s15  }
0x24: {  	s15 =	sand.u32 @!p1 $0x2000, s16;
	s16 =	sadd.s32 @!p1 s6, s17;
	s14 =	sshll.u32 @!p1 s14, $0x4  }
0x25: {  	s17 =	simm.s32 @!p1 $0x6400;
	s14 =	sadd.s32 @!p1 s14, s16;
	s16 =	simm.s32 @!p1 $0x40  }
0x26: {  	[tilespmem:s15], [sflag:$0x1] =	stream.strided.gather @!p1 [hbm4b:s14+s16], $0x2000, s17, s16, $0x38;
	[tilespmem:$0x8080] =	vst v63  }
0x27: {  	p1 =	sge.u32 s31, s5  }
.Ltmp2:
0x28: {  	_ = 	snop;
	(pc) =	sbr.rel @p1 .LBB1_5-.Ltmp2, $1  }
0x29: {  	_ =	sdelay $0x3  }
0x2a: {  	s14 =	simm.s32 $0x1  }
0x2b: {  	_ =	swait.ge [sflag:s4], $0x2000;
	s14 =	simm.s32 @!p0 $0x0  }
0x2c: {  	[sflag:s4] =	ssyncset.done $0x0;
	s15 =	sshll.u32 s14, $0xD  }
0x2d: {  	[sflag:s4] =	ssyncadd.s32 $0xFFFFE000;
	s18 =	sor.u32 $0x20, s15  }
0x2e: {  	s14 =	smul.u32 $0x8100, s14;
	v3 =	vld [tilespmem:s18+$0x10]  }
0x2f: {  	s30 =	sand.u32 $0x1, s11;
	v2 =	vld [tilespmem:s18+$0xFFFFFFF0]  }
0x30: {  	s15 =	smul.u32 $0x8100, s30;
	s14 =	sshrl.u32 s14, $0x2;
	v0 =	vld [tilespmem:s18+$0x0]  }
0x31: {  	v1 =	vld [tilespmem:s18+$0xFFFFFFE0];
	s16 =	sor.u32 $0x4000, s14  }
0x32: {  	s31 =	sshrl.u32 s15, $0x2;
	s15 =	sadd.s32 $0x0, s16  }
0x33: {  	s17 =	simm.s32 $0x4;
	s18 =	sadd.s32 $0x40, s18;
	s14 =	sor.u32 $0x4000, s31;
	[tilespmem:s15+$0x1830 ss:$0x81] =	vst.msk $0xffff, v3  }
.LBB1_3:
0x34: {  	v3 =	vld [tilespmem:s18+$0x10];
	p1 =	sne.s32 s17, $0x1FC;
	[tilespmem:s15+$0x810 ss:$0x81] =	vst.msk $0xffff, v2;
	s19 =	smov.u32 s17;
	s17 =	sadd.s32 $0x4, s17  }
.Ltmp3:
0x35: {  	v2 =	vld [tilespmem:s18+$0xFFFFFFF0];
	[tilespmem:s15+$0x1020 ss:$0x81] =	vst.msk $0xffff, v0;
	(pc) =	sbr.rel @p1 .LBB1_3-.Ltmp3, $4  }
0x36: {  	v0 =	vld [tilespmem:s18+$0x0];
	[tilespmem:s15+$0x0 ss:$0x81] =	vst.msk $0xffff, v1  }
0x37: {  	s15 =	sshra.s32 s19, $0x2;
	v1 =	vld [tilespmem:s18+$0xFFFFFFE0]  }
0x38: {  	s15 =	sadd.s32 s15, s16  }
0x39: {  	s18 =	sadd.s32 $0x40, s18;
	[tilespmem:s15+$0x1830 ss:$0x81] =	vst.msk $0xffff, v3  }
.Ltmp4:
0x3a: {  	_ = 	snop;
	(pc) =	sbr.rel .LBB1_4-.Ltmp4, $1  }
0x3b: {  	_ =	sdelay $0x3  }
.LBB1_6:
0x3c: {  	_ =	sfence.sel $0x180000  }
0x3d: {  	s2 =	simm.s32 $0x1;
	[bflag:$0x0] =	sbarrier.arrive $0xFFFF  }
0x3e: {  	s31 =	simm.s32 $0x2;
	[sflag:s2] =	ssyncpa.u1 $0x1  }
0x3f: {  	[sflag:s31] =	ssyncpa.u1 $0x1  }
0x40: {  	p0 =	sne.s32 s0, $0x0;
	_ =	strace $0x9000004A  }
0x41: {  	s0 =	sadd.s32 @!p0 $0x100000, s1;
	[bflag:$0x2] =	sbarrier.arrive $0xFFFF  }
0x42: {  	[sflag:s0] =	ssyncadd.tile.s32 @!p0 $0x1;
	_ =	shalt  }
.Lfunc_end1:
_tile_overlayer_lowered:
.L_overlay_start_2:
0x43: {  	(tag) =	ssettag $0x2  }
0x44: {  	s0 =	rddreg [dreg:$0x0];
	s2 =	stileid.u32  }
0x45: {  	s1 =	rddreg [dreg:$0x1];
	p0 =	sne.s32 s2, $0x0  }
0x46: {  	s3 =	rddreg [dreg:$0x2];
	[bflag:$0x3] =	sbarrier.arrive $0xFFFF;
	s2 =	simm.s32 @!p0 $0x1C01  }
0x47: {  	[timem:s3], [sflag:s2] =	dma.local @!p0 [hbm:s0], s1  }
0x48: {  	s0 =	simm.s32 @!p0 $0x1  }
0x49: {  	_ =	swait.ge @!p0 [sflag:s0], s1  }
0x4a: {  	s1 =	ssub.s32 @!p0 $0x0, s1;
	[sflag:s0] =	ssyncset.done @!p0 $0x0  }
0x4b: {  	[sflag:s0] =	ssyncadd.s32 @!p0 s1  }
0x4c: {  	[bflag:$0x3] =	sbarrier.arrive $0xFFFF  }
0x4d: {  	_ =	shalt  }

</sc_bundles>
